<compile_context>
chip_gen: v7x
topology: tpu7x:2x2x1
jax: 0.10.2.dev20260603
libtpu: 0.0.44.dev20260713+nightly
codegen_flags: <defaults>
</compile_context>

<pallas_src>
import jax
import jax.numpy as jnp
from jax import lax
from jax.experimental import pallas as pl
from jax.experimental.pallas import tpu as pltpu
from jax.experimental.pallas import tpu_sc as plsc

N = 100000
D = 128
G = 512
GD = 64
H = 128

NC = 2
NS = 16
NW = NC * NS
CHUNK = 128

SC_CH = 14
TC_BLK = 5328
TC_NB = 8
TC_ROWS = TC_BLK * TC_NB
TC_CHUNKS = TC_ROWS // CHUNK
SC_ROWS = NW * SC_CH * CHUNK
TAIL = N - TC_ROWS - SC_ROWS
ROWS_PER_TILE = G // NS

CNT_BLK = 25000
CNT_NB = N // CNT_BLK
CNT_HI = 16
CNT_LO = 32


def _sc_body(xfeat_hbm, batch_hbm, sums_hbm,
             idx0_v, idx1_v, row0_v, row1_v, idx_t, row_t, tmp_v,
             sem0, sem1, acc_sh):
    cid = lax.axis_index("c")
    sid = lax.axis_index("s")
    wid = cid * NS + sid
    idx_b = (idx0_v, idx1_v)
    row_b = (row0_v, row1_v)
    sem_b = (sem0, sem1)

    for i in range(ROWS_PER_TILE):
        for j in range(D // 16):
            tmp_v[i, pl.ds(j * 16, 16)] = jnp.zeros((16,), jnp.float32)
    pltpu.sync_copy(tmp_v, acc_sh.at[pl.ds(sid * ROWS_PER_TILE, ROWS_PER_TILE), :])
    plsc.subcore_barrier()

    rbase = pl.multiple_of((TC_CHUNKS + wid * SC_CH) * CHUNK, CHUNK)

    def start(b, base):
        base = pl.multiple_of(base, CHUNK)
        pltpu.async_copy(batch_hbm.at[pl.ds(base, CHUNK)], idx_b[b], sem_b[b])
        pltpu.async_copy(xfeat_hbm.at[pl.ds(base, CHUNK), :], row_b[b], sem_b[b])

    def wait(b):
        pltpu.make_async_copy(batch_hbm.at[pl.ds(0, CHUNK)], idx_b[b], sem_b[b]).wait()
        pltpu.make_async_copy(xfeat_hbm.at[pl.ds(0, CHUNK), :], row_b[b], sem_b[b]).wait()

    def scatter(b):
        pltpu.sync_copy(row_b[b], acc_sh.at[idx_b[b]], add=True)

    start(0, rbase)

    @pl.loop(0, SC_CH // 2)
    def _(k):
        for b in (0, 1):
            c = 2 * k + b
            wait(b)

            @pl.when(c + 1 < SC_CH)
            def _():
                start(1 - b, rbase + (c + 1) * CHUNK)

            scatter(b)

    @pl.when(wid == NW - 1)
    def _():
        tbase = TC_ROWS + SC_ROWS
        pltpu.sync_copy(batch_hbm.at[pl.ds(tbase, TAIL)], idx_t)
        pltpu.sync_copy(xfeat_hbm.at[pl.ds(tbase, TAIL), :], row_t)
        pltpu.sync_copy(row_t, acc_sh.at[idx_t], add=True)

    plsc.subcore_barrier()

    r0 = sid * ROWS_PER_TILE
    pltpu.sync_copy(acc_sh.at[pl.ds(r0, ROWS_PER_TILE), :], tmp_v)
    pltpu.sync_copy(tmp_v, sums_hbm.at[cid, pl.ds(r0, ROWS_PER_TILE), :])


_sc_segsum = pl.kernel(
    _sc_body,
    out_type=jax.ShapeDtypeStruct((NC, G, D), jnp.float32),
    mesh=plsc.VectorSubcoreMesh(core_axis_name="c", subcore_axis_name="s",
                                num_cores=NC, num_subcores=NS),
    scratch_types=(
        pltpu.VMEM((CHUNK,), jnp.int32),
        pltpu.VMEM((CHUNK,), jnp.int32),
        pltpu.VMEM((CHUNK, D), jnp.float32),
        pltpu.VMEM((CHUNK, D), jnp.float32),
        pltpu.VMEM((TAIL,), jnp.int32),
        pltpu.VMEM((TAIL, D), jnp.float32),
        pltpu.VMEM((ROWS_PER_TILE, D), jnp.float32),
        pltpu.SemaphoreType.DMA,
        pltpu.SemaphoreType.DMA,
        pltpu.VMEM_SHARED((G, D), jnp.float32),
    ),
)


def _tcsum_body(x_ref, batch_ref, out_ref):
    i = pl.program_id(0)

    @pl.when(i == 0)
    def _():
        out_ref[...] = jnp.zeros_like(out_ref)

    b = batch_ref[0]
    oh = (b == lax.broadcasted_iota(jnp.int32, (G, TC_BLK), 0)
          ).astype(jnp.float32)
    out_ref[...] += lax.dot_general(
        oh, x_ref[...], dimension_numbers=(((1,), (0,)), ((), ())),
        preferred_element_type=jnp.float32)


_tc_segsum = pl.pallas_call(
    _tcsum_body,
    grid=(TC_NB,),
    in_specs=[
        pl.BlockSpec((TC_BLK, D), lambda i: (i, 0)),
        pl.BlockSpec((1, 1, TC_BLK), lambda i: (i, 0, 0)),
    ],
    out_specs=pl.BlockSpec((G, D), lambda i: (0, 0)),
    out_shape=jax.ShapeDtypeStruct((G, D), jnp.float32),
)


def _cnt_body(batch_ref, out_ref):
    i = pl.program_id(0)

    @pl.when(i == 0)
    def _():
        out_ref[...] = jnp.zeros_like(out_ref)

    b = batch_ref[0]
    hi = b >> 5
    lo = b & 31
    hi_oh = (hi == lax.broadcasted_iota(jnp.int32, (CNT_HI, CNT_BLK), 0)
             ).astype(jnp.float32)
    lo_oh = (lo == lax.broadcasted_iota(jnp.int32, (CNT_LO, CNT_BLK), 0)
             ).astype(jnp.float32)
    out_ref[...] += lax.dot_general(
        hi_oh, lo_oh, dimension_numbers=(((1,), (1,)), ((), ())),
        preferred_element_type=jnp.float32)


_tc_counts = pl.pallas_call(
    _cnt_body,
    grid=(CNT_NB,),
    in_specs=[pl.BlockSpec((1, 1, CNT_BLK), lambda i: (i, 0, 0))],
    out_specs=pl.BlockSpec((CNT_HI, CNT_LO), lambda i: (0, 0)),
    out_shape=jax.ShapeDtypeStruct((CNT_HI, CNT_LO), jnp.float32),
)


def _tc_body(sums_ref, tcsum_ref, cnt_ref, u_ref, w1_ref, b1_ref, w2_ref,
             b2_ref, out_ref):
    s = sums_ref[0] + sums_ref[1] + tcsum_ref[...]
    g_hi = lax.broadcasted_iota(jnp.int32, (G, CNT_HI), 0) >> 5
    g_lo = lax.broadcasted_iota(jnp.int32, (G, CNT_LO), 0) & 31
    ahi = (g_hi == lax.broadcasted_iota(jnp.int32, (G, CNT_HI), 1)
           ).astype(jnp.float32)
    alo = (g_lo == lax.broadcasted_iota(jnp.int32, (G, CNT_LO), 1)
           ).astype(jnp.float32)
    t = jnp.dot(ahi, cnt_ref[...], preferred_element_type=jnp.float32)
    cnt = jnp.sum(t * alo, axis=1, keepdims=True)
    mean = s / jnp.maximum(cnt, 1.0)
    x = (jnp.dot(u_ref[...], w1_ref[:GD], preferred_element_type=jnp.float32)
         + jnp.dot(mean, w1_ref[GD:], preferred_element_type=jnp.float32)
         + b1_ref[...][None, :])
    h = jnp.maximum(x, 0.0)
    out_ref[...] = (jnp.dot(h, w2_ref[...], preferred_element_type=jnp.float32)
                    + b2_ref[...][None, :])


_tc_mlp = pl.pallas_call(
    _tc_body,
    out_shape=jax.ShapeDtypeStruct((G, GD), jnp.float32),
)


def kernel(xfeat, T, edge_index, edge_attr, u, batch, W1, b1, W2, b2):
    sums = _sc_segsum(xfeat, batch)
    tcsum = _tc_segsum(xfeat, batch[:TC_ROWS].reshape(TC_NB, 1, TC_BLK))
    cnt = _tc_counts(batch.reshape(CNT_NB, 1, CNT_BLK))
    return _tc_mlp(sums, tcsum, cnt, u, W1, b1, W2, b2)

# --- scband reference (transcript-rebuilt; emitter-appended) ---
"""Pipeline reference for scband-global-model-9440338117439 (READ-ONLY COPY).

The authoritative reference and input builder live on the scoring server;
editing this copy changes nothing except your own understanding.
"""

import jax, jax.numpy as jnp
import numpy as np

N = 100000
D = 128
E = 1600000
DE = 16
G = 512
GD = 64
H = 128


def setup_inputs(seed: int = 0) -> dict:
    key = jax.random.key(seed)
    ks = jax.random.split(key, 12)
    xfeat = jax.random.normal(ks[0], (N, D), dtype=jnp.float32)
    T = jax.random.normal(ks[1], (N,), dtype=jnp.float32)
    edge_index = jax.random.randint(ks[2], (2, E), 0, N, dtype=jnp.int32)
    edge_attr = jax.random.normal(ks[3], (E, DE), dtype=jnp.float32)
    u = jax.random.normal(ks[4], (G, GD), dtype=jnp.float32)
    batch = jnp.sort(jax.random.randint(ks[5], (N,), 0, G, dtype=jnp.int32))
    W1 = jax.random.normal(ks[6], (GD + D, H), dtype=jnp.float32) * 0.05
    b1 = jnp.zeros((H,), dtype=jnp.float32)
    W2 = jax.random.normal(ks[7], (H, GD), dtype=jnp.float32) * 0.05
    b2 = jnp.zeros((GD,), dtype=jnp.float32)
    return {"xfeat": xfeat, "T": T, "edge_index": edge_index, "edge_attr": edge_attr,
            "u": u, "batch": batch, "W1": W1, "b1": b1, "W2": W2, "b2": b2}


def reference(xfeat, T, edge_index, edge_attr, u, batch, W1, b1, W2, b2):
    # scatter_mean(xfeat, batch, dim=0) -> per-graph mean of node features
    num_graphs = u.shape[0]
    seg_sum = jax.ops.segment_sum(xfeat, batch, num_segments=num_graphs)
    seg_cnt = jax.ops.segment_sum(jnp.ones((xfeat.shape[0], 1), dtype=xfeat.dtype),
                                  batch, num_segments=num_graphs)
    seg_mean = seg_sum / jnp.clip(seg_cnt, 1.0, None)
    out = jnp.concatenate([u, seg_mean], axis=1)
    # global_mlp: Linear -> ReLU -> Linear
    h = jnp.maximum(out @ W1 + b1, 0.0)
    return h @ W2 + b2

if __name__ == "__main__":
    import jax
    _d = setup_inputs()
    print(jax.jit(kernel)(*tuple(_d.values())))

</pallas_src>

<mosaic_0001>
#map = affine_map<(d0, d1) -> (0, 0)>
#map1 = affine_map<(d0, d1) -> (0)>
#map2 = affine_map<(d0, d1) -> (0, 0, 0)>
module attributes {stable_mosaic.version = 14 : i64} {
  func.func @_sc_body(%arg0: i32, %arg1: i32, %arg2: memref<100000x128xf32, #tpu.memory_space<hbm>>, %arg3: memref<100000xi32, #tpu.memory_space<hbm>>, %arg4: memref<2x512x128xf32, #tpu.memory_space<hbm>>, %arg5: memref<128xi32, #tpu.memory_space<vmem>>, %arg6: memref<128xi32, #tpu.memory_space<vmem>>, %arg7: memref<128x128xf32, #tpu.memory_space<vmem>>, %arg8: memref<128x128xf32, #tpu.memory_space<vmem>>, %arg9: memref<32xi32, #tpu.memory_space<vmem>>, %arg10: memref<32x128xf32, #tpu.memory_space<vmem>>, %arg11: memref<32x128xf32, #tpu.memory_space<vmem>>, %arg12: memref<!tpu.dma_semaphore, #tpu.memory_space<semaphore_mem>>, %arg13: memref<!tpu.dma_semaphore, #tpu.memory_space<semaphore_mem>>, %arg14: memref<512x128xf32, #tpu.memory_space<vmem_shared>>) attributes {dimension_semantics = [#tpu.dimension_semantics<core_parallel>, #tpu.dimension_semantics<subcore_parallel>], iteration_bounds = array<i64: 2, 16>, scalar_prefetch = 0 : i64, scratch_operands = 10 : i64, tpu.core_type = #tpu.core_type<sc_vector_subcore>, window_params = [{transform_indices = #map}, {transform_indices = #map1}, {transform_indices = #map2}]} {
    %mul3A = arith.constant 16 : i32
    %mul3A_0 = arith.muli %arg0, %mul3A : i32
    %add3A = arith.addi %mul3A_0, %arg1 : i32
    %broadcast_in_dim3A = arith.constant 0.000000e+00 : f32
    %broadcast_in_dim3A_1 = vector.broadcast %broadcast_in_dim3A : f32 to vector<16xf32>
    %swap3A = arith.constant 0 : i32
    %swap3A_2 = arith.index_cast %swap3A : i32 to index
    %swap3A_3 = arith.constant 0 : index
    %swap3A_4 = tpu.vector_load %arg11[%swap3A_2, %swap3A_3] {strides = array<i32>} : memref<32x128xf32, #tpu.memory_space<vmem>>, vector<1x16xf32>,
    %swap3A_5 = vector.shape_cast %swap3A_4 : vector<1x16xf32> to vector<16xf32>
    %swap3A_6 = vector.shape_cast %broadcast_in_dim3A_1 : vector<16xf32> to vector<1x16xf32>
    tpu.vector_store %arg11[%swap3A_2, %swap3A_3], %swap3A_6 {strides = array<i32>} : memref<32x128xf32, #tpu.memory_space<vmem>>, vector<1x16xf32>,
    %broadcast_in_dim3A_7 = arith.constant 0.000000e+00 : f32
    %broadcast_in_dim3A_8 = vector.broadcast %broadcast_in_dim3A_7 : f32 to vector<16xf32>
    %swap3A_9 = arith.constant 0 : i32
    %swap3A_10 = arith.index_cast %swap3A_9 : i32 to index
    %swap3A_11 = arith.constant 16 : index
    %swap3A_12 = tpu.vector_load %arg11[%swap3A_10, %swap3A_11] {strides = array<i32>} : memref<32x128xf32, #tpu.memory_space<vmem>>, vector<1x16xf32>,
    %swap3A_13 = vector.shape_cast %swap3A_12 : vector<1x16xf32> to vector<16xf32>
    %swap3A_14 = vector.shape_cast %broadcast_in_dim3A_8 : vector<16xf32> to vector<1x16xf32>
    tpu.vector_store %arg11[%swap3A_10, %swap3A_11], %swap3A_14 {strides = array<i32>} : memref<32x128xf32, #tpu.memory_space<vmem>>, vector<1x16xf32>,
    %broadcast_in_dim3A_15 = arith.constant 0.000000e+00 : f32
    %broadcast_in_dim3A_16 = vector.broadcast %broadcast_in_dim3A_15 : f32 to vector<16xf32>
    %swap3A_17 = arith.constant 0 : i32
    %swap3A_18 = arith.index_cast %swap3A_17 : i32 to index
    %swap3A_19 = arith.constant 32 : index
    %swap3A_20 = tpu.vector_load %arg11[%swap3A_18, %swap3A_19] {strides = array<i32>} : memref<32x128xf32, #tpu.memory_space<vmem>>, vector<1x16xf32>,
    %swap3A_21 = vector.shape_cast %swap3A_20 : vector<1x16xf32> to vector<16xf32>
    %swap3A_22 = vector.shape_cast %broadcast_in_dim3A_16 : vector<16xf32> to vector<1x16xf32>
    tpu.vector_store %arg11[%swap3A_18, %swap3A_19], %swap3A_22 {strides = array<i32>} : memref<32x128xf32, #tpu.memory_space<vmem>>, vector<1x16xf32>,
    %broadcast_in_dim3A_23 = arith.constant 0.000000e+00 : f32
    %broadcast_in_dim3A_24 = vector.broadcast %broadcast_in_dim3A_23 : f32 to vector<16xf32>
    %swap3A_25 = arith.constant 0 : i32
    %swap3A_26 = arith.index_cast %swap3A_25 : i32 to index
    %swap3A_27 = arith.constant 48 : index
    %swap3A_28 = tpu.vector_load %arg11[%swap3A_26, %swap3A_27] {strides = array<i32>} : memref<32x128xf32, #tpu.memory_space<vmem>>, vector<1x16xf32>,
    %swap3A_29 = vector.shape_cast %swap3A_28 : vector<1x16xf32> to vector<16xf32>
    %swap3A_30 = vector.shape_cast %broadcast_in_dim3A_24 : vector<16xf32> to vector<1x16xf32>
    tpu.vector_store %arg11[%swap3A_26, %swap3A_27], %swap3A_30 {strides = array<i32>} : memref<32x128xf32, #tpu.memory_space<vmem>>, vector<1x16xf32>,
    %broadcast_in_dim3A_31 = arith.constant 0.000000e+00 : f32
    %broadcast_in_dim3A_32 = vector.broadcast %broadcast_in_dim3A_31 : f32 to vector<16xf32>
    %swap3A_33 = arith.constant 0 : i32
    %swap3A_34 = arith.index_cast %swap3A_33 : i32 to index
    %swap3A_35 = arith.constant 64 : index
    %swap3A_36 = tpu.vector_load %arg11[%swap3A_34, %swap3A_35] {strides = array<i32>} : memref<32x128xf32, #tpu.memory_space<vmem>>, vector<1x16xf32>,
    %swap3A_37 = vector.shape_cast %swap3A_36 : vector<1x16xf32> to vector<16xf32>
    %swap3A_38 = vector.shape_cast %broadcast_in_dim3A_32 : vector<16xf32> to vector<1x16xf32>
    tpu.vector_store %arg11[%swap3A_34, %swap3A_35], %swap3A_38 {strides = array<i32>} : memref<32x128xf32, #tpu.memory_space<vmem>>, vector<1x16xf32>,
    %broadcast_in_dim3A_39 = arith.constant 0.000000e+00 : f32
    %broadcast_in_dim3A_40 = vector.broadcast %broadcast_in_dim3A_39 : f32 to vector<16xf32>
    %swap3A_41 = arith.constant 0 : i32
    %swap3A_42 = arith.index_cast %swap3A_41 : i32 to index
    %swap3A_43 = arith.constant 80 : index
    %swap3A_44 = tpu.vector_load %arg11[%swap3A_42, %swap3A_43] {strides = array<i32>} : memref<32x128xf32, #tpu.memory_space<vmem>>, vector<1x16xf32>,
    %swap3A_45 = vector.shape_cast %swap3A_44 : vector<1x16xf32> to vector<16xf32>
    %swap3A_46 = vector.shape_cast %broadcast_in_dim3A_40 : vector<16xf32> to vector<1x16xf32>
    tpu.vector_store %arg11[%swap3A_42, %swap3A_43], %swap3A_46 {strides = array<i32>} : memref<32x128xf32, #tpu.memory_space<vmem>>, vector<1x16xf32>,
    %broadcast_in_dim3A_47 = arith.constant 0.000000e+00 : f32
    %broadcast_in_dim3A_48 = vector.broadcast %broadcast_in_dim3A_47 : f32 to vector<16xf32>
    %swap3A_49 = arith.constant 0 : i32
    %swap3A_50 = arith.index_cast %swap3A_49 : i32 to index
    %swap3A_51 = arith.constant 96 : index
    %swap3A_52 = tpu.vector_load %arg11[%swap3A_50, %swap3A_51] {strides = array<i32>} : memref<32x128xf32, #tpu.memory_space<vmem>>, vector<1x16xf32>,
    %swap3A_53 = vector.shape_cast %swap3A_52 : vector<1x16xf32> to vector<16xf32>
    %swap3A_54 = vector.shape_cast %broadcast_in_dim3A_48 : vector<16xf32> to vector<1x16xf32>
    tpu.vector_store %arg11[%swap3A_50, %swap3A_51], %swap3A_54 {strides = array<i32>} : memref<32x128xf32, #tpu.memory_space<vmem>>, vector<1x16xf32>,
    %broadcast_in_dim3A_55 = arith.constant 0.000000e+00 : f32
    %broadcast_in_dim3A_56 = vector.broadcast %broadcast_in_dim3A_55 : f32 to vector<16xf32>
    %swap3A_57 = arith.constant 0 : i32
    %swap3A_58 = arith.index_cast %swap3A_57 : i32 to index
    %swap3A_59 = arith.constant 112 : index
    %swap3A_60 = tpu.vector_load %arg11[%swap3A_58, %swap3A_59] {strides = array<i32>} : memref<32x128xf32, #tpu.memory_space<vmem>>, vector<1x16xf32>,
    %swap3A_61 = vector.shape_cast %swap3A_60 : vector<1x16xf32> to vector<16xf32>
    %swap3A_62 = vector.shape_cast %broadcast_in_dim3A_56 : vector<16xf32> to vector<1x16xf32>
    tpu.vector_store %arg11[%swap3A_58, %swap3A_59], %swap3A_62 {strides = array<i32>} : memref<32x128xf32, #tpu.memory_space<vmem>>, vector<1x16xf32>,
    %broadcast_in_dim3A_63 = arith.constant 0.000000e+00 : f32
    %broadcast_in_dim3A_64 = vector.broadcast %broadcast_in_dim3A_63 : f32 to vector<16xf32>
    %swap3A_65 = arith.constant 1 : i32
    %swap3A_66 = arith.index_cast %swap3A_65 : i32 to index
    %swap3A_67 = arith.constant 0 : index
    %swap3A_68 = tpu.vector_load %arg11[%swap3A_66, %swap3A_67] {strides = array<i32>} : memref<32x128xf32, #tpu.memory_space<vmem>>, vector<1x16xf32>,
    %swap3A_69 = vector.shape_cast %swap3A_68 : vector<1x16xf32> to vector<16xf32>
    %swap3A_70 = vector.shape_cast %broadcast_in_dim3A_64 : vector<16xf32> to vector<1x16xf32>
    tpu.vector_store %arg11[%swap3A_66, %swap3A_67], %swap3A_70 {strides = array<i32>} : memref<32x128xf32, #tpu.memory_space<vmem>>, vector<1x16xf32>,
    %broadcast_in_dim3A_71 = arith.constant 0.000000e+00 : f32
    %broadcast_in_dim3A_72 = vector.broadcast %broadcast_in_dim3A_71 : f32 to vector<16xf32>
    %swap3A_73 = arith.constant 1 : i32
    %swap3A_74 = arith.index_cast %swap3A_73 : i32 to index
    %swap3A_75 = arith.constant 16 : index
    %swap3A_76 = tpu.vector_load %arg11[%swap3A_74, %swap3A_75] {strides = array<i32>} : memref<32x128xf32, #tpu.memory_space<vmem>>, vector<1x16xf32>,
    %swap3A_77 = vector.shape_cast %swap3A_76 : vector<1x16xf32> to vector<16xf32>
    %swap3A_78 = vector.shape_cast %broadcast_in_dim3A_72 : vector<16xf32> to vector<1x16xf32>
    tpu.vector_store %arg11[%swap3A_74, %swap3A_75], %swap3A_78 {strides = array<i32>} : memref<32x128xf32, #tpu.memory_space<vmem>>, vector<1x16xf32>,
    %broadcast_in_dim3A_79 = arith.constant 0.000000e+00 : f32
    %broadcast_in_dim3A_80 = vector.broadcast %broadcast_in_dim3A_79 : f32 to vector<16xf32>
    %swap3A_81 = arith.constant 1 : i32
    %swap3A_82 = arith.index_cast %swap3A_81 : i32 to index
    %swap3A_83 = arith.constant 32 : index
    %swap3A_84 = tpu.vector_load %arg11[%swap3A_82, %swap3A_83] {strides = array<i32>} : memref<32x128xf32, #tpu.memory_space<vmem>>, vector<1x16xf32>,
    %swap3A_85 = vector.shape_cast %swap3A_84 : vector<1x16xf32> to vector<16xf32>
    %swap3A_86 = vector.shape_cast %broadcast_in_dim3A_80 : vector<16xf32> to vector<1x16xf32>
    tpu.vector_store %arg11[%swap3A_82, %swap3A_83], %swap3A_86 {strides = array<i32>} : memref<32x128xf32, #tpu.memory_space<vmem>>, vector<1x16xf32>,
    %broadcast_in_dim3A_87 = arith.constant 0.000000e+00 : f32
    %broadcast_in_dim3A_88 = vector.broadcast %broadcast_in_dim3A_87 : f32 to vector<16xf32>
    %swap3A_89 = arith.constant 1 : i32
    %swap3A_90 = arith.index_cast %swap3A_89 : i32 to index
    %swap3A_91 = arith.constant 48 : index
    %swap3A_92 = tpu.vector_load %arg11[%swap3A_90, %swap3A_91] {strides = array<i32>} : memref<32x128xf32, #tpu.memory_space<vmem>>, vector<1x16xf32>,
    %swap3A_93 = vector.shape_cast %swap3A_92 : vector<1x16xf32> to vector<16xf32>
    %swap3A_94 = vector.shape_cast %broadcast_in_dim3A_88 : vector<16xf32> to vector<1x16xf32>
    tpu.vector_store %arg11[%swap3A_90, %swap3A_91], %swap3A_94 {strides = array<i32>} : memref<32x128xf32, #tpu.memory_space<vmem>>, vector<1x16xf32>,
    %broadcast_in_dim3A_95 = arith.constant 0.000000e+00 : f32
    %broadcast_in_dim3A_96 = vector.broadcast %broadcast_in_dim3A_95 : f32 to vector<16xf32>
    %swap3A_97 = arith.constant 1 : i32
    %swap3A_98 = arith.index_cast %swap3A_97 : i32 to index
    %swap3A_99 = arith.constant 64 : index
    %swap3A_100 = tpu.vector_load %arg11[%swap3A_98, %swap3A_99] {strides = array<i32>} : memref<32x128xf32, #tpu.memory_space<vmem>>, vector<1x16xf32>,
    %swap3A_101 = vector.shape_cast %swap3A_100 : vector<1x16xf32> to vector<16xf32>
    %swap3A_102 = vector.shape_cast %broadcast_in_dim3A_96 : vector<16xf32> to vector<1x16xf32>
    tpu.vector_store %arg11[%swap3A_98, %swap3A_99], %swap3A_102 {strides = array<i32>} : memref<32x128xf32, #tpu.memory_space<vmem>>, vector<1x16xf32>,
    %broadcast_in_dim3A_103 = arith.constant 0.000000e+00 : f32
    %broadcast_in_dim3A_104 = vector.broadcast %broadcast_in_dim3A_103 : f32 to vector<16xf32>
    %swap3A_105 = arith.constant 1 : i32
    %swap3A_106 = arith.index_cast %swap3A_105 : i32 to index
    %swap3A_107 = arith.constant 80 : index
    %swap3A_108 = tpu.vector_load %arg11[%swap3A_106, %swap3A_107] {strides = array<i32>} : memref<32x128xf32, #tpu.memory_space<vmem>>, vector<1x16xf32>,
    %swap3A_109 = vector.shape_cast %swap3A_108 : vector<1x16xf32> to vector<16xf32>
    %swap3A_110 = vector.shape_cast %broadcast_in_dim3A_104 : vector<16xf32> to vector<1x16xf32>
    tpu.vector_store %arg11[%swap3A_106, %swap3A_107], %swap3A_110 {strides = array<i32>} : memref<32x128xf32, #tpu.memory_space<vmem>>, vector<1x16xf32>,
    %broadcast_in_dim3A_111 = arith.constant 0.000000e+00 : f32
    %broadcast_in_dim3A_112 = vector.broadcast %broadcast_in_dim3A_111 : f32 to vector<16xf32>
    %swap3A_113 = arith.constant 1 : i32
    %swap3A_114 = arith.index_cast %swap3A_113 : i32 to index
    %swap3A_115 = arith.constant 96 : index
    %swap3A_116 = tpu.vector_load %arg11[%swap3A_114, %swap3A_115] {strides = array<i32>} : memref<32x128xf32, #tpu.memory_space<vmem>>, vector<1x16xf32>,
    %swap3A_117 = vector.shape_cast %swap3A_116 : vector<1x16xf32> to vector<16xf32>
    %swap3A_118 = vector.shape_cast %broadcast_in_dim3A_112 : vector<16xf32> to vector<1x16xf32>
    tpu.vector_store %arg11[%swap3A_114, %swap3A_115], %swap3A_118 {strides = array<i32>} : memref<32x128xf32, #tpu.memory_space<vmem>>, vector<1x16xf32>,
    %broadcast_in_dim3A_119 = arith.constant 0.000000e+00 : f32
    %broadcast_in_dim3A_120 = vector.broadcast %broadcast_in_dim3A_119 : f32 to vector<16xf32>
    %swap3A_121 = arith.constant 1 : i32
    %swap3A_122 = arith.index_cast %swap3A_121 : i32 to index
    %swap3A_123 = arith.constant 112 : index
    %swap3A_124 = tpu.vector_load %arg11[%swap3A_122, %swap3A_123] {strides = array<i32>} : memref<32x128xf32, #tpu.memory_space<vmem>>, vector<1x16xf32>,
    %swap3A_125 = vector.shape_cast %swap3A_124 : vector<1x16xf32> to vector<16xf32>
    %swap3A_126 = vector.shape_cast %broadcast_in_dim3A_120 : vector<16xf32> to vector<1x16xf32>
    tpu.vector_store %arg11[%swap3A_122, %swap3A_123], %swap3A_126 {strides = array<i32>} : memref<32x128xf32, #tpu.memory_space<vmem>>, vector<1x16xf32>,
    %broadcast_in_dim3A_127 = arith.constant 0.000000e+00 : f32
    %broadcast_in_dim3A_128 = vector.broadcast %broadcast_in_dim3A_127 : f32 to vector<16xf32>
    %swap3A_129 = arith.constant 2 : i32
    %swap3A_130 = arith.index_cast %swap3A_129 : i32 to index
    %swap3A_131 = arith.constant 0 : index
    %swap3A_132 = tpu.vector_load %arg11[%swap3A_130, %swap3A_131] {strides = array<i32>} : memref<32x128xf32, #tpu.memory_space<vmem>>, vector<1x16xf32>,
    %swap3A_133 = vector.shape_cast %swap3A_132 : vector<1x16xf32> to vector<16xf32>
    %swap3A_134 = vector.shape_cast %broadcast_in_dim3A_128 : vector<16xf32> to vector<1x16xf32>
    tpu.vector_store %arg11[%swap3A_130, %swap3A_131], %swap3A_134 {strides = array<i32>} : memref<32x128xf32, #tpu.memory_space<vmem>>, vector<1x16xf32>,
    %broadcast_in_dim3A_135 = arith.constant 0.000000e+00 : f32
    %broadcast_in_dim3A_136 = vector.broadcast %broadcast_in_dim3A_135 : f32 to vector<16xf32>
    %swap3A_137 = arith.constant 2 : i32
    %swap3A_138 = arith.index_cast %swap3A_137 : i32 to index
    %swap3A_139 = arith.constant 16 : index
    %swap3A_140 = tpu.vector_load %arg11[%swap3A_138, %swap3A_139] {strides = array<i32>} : memref<32x128xf32, #tpu.memory_space<vmem>>, vector<1x16xf32>,
    %swap3A_141 = vector.shape_cast %swap3A_140 : vector<1x16xf32> to vector<16xf32>
    %swap3A_142 = vector.shape_cast %broadcast_in_dim3A_136 : vector<16xf32> to vector<1x16xf32>
    tpu.vector_store %arg11[%swap3A_138, %swap3A_139], %swap3A_142 {strides = array<i32>} : memref<32x128xf32, #tpu.memory_space<vmem>>, vector<1x16xf32>,
    %broadcast_in_dim3A_143 = arith.constant 0.000000e+00 : f32
    %broadcast_in_dim3A_144 = vector.broadcast %broadcast_in_dim3A_143 : f32 to vector<16xf32>
    %swap3A_145 = arith.constant 2 : i32
    %swap3A_146 = arith.index_cast %swap3A_145 : i32 to index
    %swap3A_147 = arith.constant 32 : index
    %swap3A_148 = tpu.vector_load %arg11[%swap3A_146, %swap3A_147] {strides = array<i32>} : memref<32x128xf32, #tpu.memory_space<vmem>>, vector<1x16xf32>,
    %swap3A_149 = vector.shape_cast %swap3A_148 : vector<1x16xf32> to vector<16xf32>
    %swap3A_150 = vector.shape_cast %broadcast_in_dim3A_144 : vector<16xf32> to vector<1x16xf32>
    tpu.vector_store %arg11[%swap3A_146, %swap3A_147], %swap3A_150 {strides = array<i32>} : memref<32x128xf32, #tpu.memory_space<vmem>>, vector<1x16xf32>,
    %broadcast_in_dim3A_151 = arith.constant 0.000000e+00 : f32
    %broadcast_in_dim3A_152 = vector.broadcast %broadcast_in_dim3A_151 : f32 to vector<16xf32>
    %swap3A_153 = arith.constant 2 : i32
    %swap3A_154 = arith.index_cast %swap3A_153 : i32 to index
    %swap3A_155 = arith.constant 48 : index
    %swap3A_156 = tpu.vector_load %arg11[%swap3A_154, %swap3A_155] {strides = array<i32>} : memref<32x128xf32, #tpu.memory_space<vmem>>, vector<1x16xf32>,
    %swap3A_157 = vector.shape_cast %swap3A_156 : vector<1x16xf32> to vector<16xf32>
    %swap3A_158 = vector.shape_cast %broadcast_in_dim3A_152 : vector<16xf32> to vector<1x16xf32>
    tpu.vector_store %arg11[%swap3A_154, %swap3A_155], %swap3A_158 {strides = array<i32>} : memref<32x128xf32, #tpu.memory_space<vmem>>, vector<1x16xf32>,
    %broadcast_in_dim3A_159 = arith.constant 0.000000e+00 : f32
    %broadcast_in_dim3A_160 = vector.broadcast %broadcast_in_dim3A_159 : f32 to vector<16xf32>
    %swap3A_161 = arith.constant 2 : i32
    %swap3A_162 = arith.index_cast %swap3A_161 : i32 to index
    %swap3A_163 = arith.constant 64 : index
    %swap3A_164 = tpu.vector_load %arg11[%swap3A_162, %swap3A_163] {strides = array<i32>} : memref<32x128xf32, #tpu.memory_space<vmem>>, vector<1x16xf32>,
    %swap3A_165 = vector.shape_cast %swap3A_164 : vector<1x16xf32> to vector<16xf32>
    %swap3A_166 = vector.shape_cast %broadcast_in_dim3A_160 : vector<16xf32> to vector<1x16xf32>
    tpu.vector_store %arg11[%swap3A_162, %swap3A_163], %swap3A_166 {strides = array<i32>} : memref<32x128xf32, #tpu.memory_space<vmem>>, vector<1x16xf32>,
    %broadcast_in_dim3A_167 = arith.constant 0.000000e+00 : f32
    %broadcast_in_dim3A_168 = vector.broadcast %broadcast_in_dim3A_167 : f32 to vector<16xf32>
    %swap3A_169 = arith.constant 2 : i32
    %swap3A_170 = arith.index_cast %swap3A_169 : i32 to index
    %swap3A_171 = arith.constant 80 : index
    %swap3A_172 = tpu.vector_load %arg11[%swap3A_170, %swap3A_171] {strides = array<i32>} : memref<32x128xf32, #tpu.memory_space<vmem>>, vector<1x16xf32>,
    %swap3A_173 = vector.shape_cast %swap3A_172 : vector<1x16xf32> to vector<16xf32>
    %swap3A_174 = vector.shape_cast %broadcast_in_dim3A_168 : vector<16xf32> to vector<1x16xf32>
    tpu.vector_store %arg11[%swap3A_170, %swap3A_171], %swap3A_174 {strides = array<i32>} : memref<32x128xf32, #tpu.memory_space<vmem>>, vector<1x16xf32>,
    %broadcast_in_dim3A_175 = arith.constant 0.000000e+00 : f32
    %broadcast_in_dim3A_176 = vector.broadcast %broadcast_in_dim3A_175 : f32 to vector<16xf32>
    %swap3A_177 = arith.constant 2 : i32
    %swap3A_178 = arith.index_cast %swap3A_177 : i32 to index
    %swap3A_179 = arith.constant 96 : index
    %swap3A_180 = tpu.vector_load %arg11[%swap3A_178, %swap3A_179] {strides = array<i32>} : memref<32x128xf32, #tpu.memory_space<vmem>>, vector<1x16xf32>,
    %swap3A_181 = vector.shape_cast %swap3A_180 : vector<1x16xf32> to vector<16xf32>
    %swap3A_182 = vector.shape_cast %broadcast_in_dim3A_176 : vector<16xf32> to vector<1x16xf32>
    tpu.vector_store %arg11[%swap3A_178, %swap3A_179], %swap3A_182 {strides = array<i32>} : memref<32x128xf32, #tpu.memory_space<vmem>>, vector<1x16xf32>,
    %broadcast_in_dim3A_183 = arith.constant 0.000000e+00 : f32
    %broadcast_in_dim3A_184 = vector.broadcast %broadcast_in_dim3A_183 : f32 to vector<16xf32>
    %swap3A_185 = arith.constant 2 : i32
    %swap3A_186 = arith.index_cast %swap3A_185 : i32 to index
    %swap3A_187 = arith.constant 112 : index
    %swap3A_188 = tpu.vector_load %arg11[%swap3A_186, %swap3A_187] {strides = array<i32>} : memref<32x128xf32, #tpu.memory_space<vmem>>, vector<1x16xf32>,
    %swap3A_189 = vector.shape_cast %swap3A_188 : vector<1x16xf32> to vector<16xf32>
    %swap3A_190 = vector.shape_cast %broadcast_in_dim3A_184 : vector<16xf32> to vector<1x16xf32>
    tpu.vector_store %arg11[%swap3A_186, %swap3A_187], %swap3A_190 {strides = array<i32>} : memref<32x128xf32, #tpu.memory_space<vmem>>, vector<1x16xf32>,
    %broadcast_in_dim3A_191 = arith.constant 0.000000e+00 : f32
    %broadcast_in_dim3A_192 = vector.broadcast %broadcast_in_dim3A_191 : f32 to vector<16xf32>
    %swap3A_193 = arith.constant 3 : i32
    %swap3A_194 = arith.index_cast %swap3A_193 : i32 to index
    %swap3A_195 = arith.constant 0 : index
    %swap3A_196 = tpu.vector_load %arg11[%swap3A_194, %swap3A_195] {strides = array<i32>} : memref<32x128xf32, #tpu.memory_space<vmem>>, vector<1x16xf32>,
    %swap3A_197 = vector.shape_cast %swap3A_196 : vector<1x16xf32> to vector<16xf32>
    %swap3A_198 = vector.shape_cast %broadcast_in_dim3A_192 : vector<16xf32> to vector<1x16xf32>
    tpu.vector_store %arg11[%swap3A_194, %swap3A_195], %swap3A_198 {strides = array<i32>} : memref<32x128xf32, #tpu.memory_space<vmem>>, vector<1x16xf32>,
    %broadcast_in_dim3A_199 = arith.constant 0.000000e+00 : f32
    %broadcast_in_dim3A_200 = vector.broadcast %broadcast_in_dim3A_199 : f32 to vector<16xf32>
    %swap3A_201 = arith.constant 3 : i32
    %swap3A_202 = arith.index_cast %swap3A_201 : i32 to index
    %swap3A_203 = arith.constant 16 : index
    %swap3A_204 = tpu.vector_load %arg11[%swap3A_202, %swap3A_203] {strides = array<i32>} : memref<32x128xf32, #tpu.memory_space<vmem>>, vector<1x16xf32>,
    %swap3A_205 = vector.shape_cast %swap3A_204 : vector<1x16xf32> to vector<16xf32>
    %swap3A_206 = vector.shape_cast %broadcast_in_dim3A_200 : vector<16xf32> to vector<1x16xf32>
    tpu.vector_store %arg11[%swap3A_202, %swap3A_203], %swap3A_206 {strides = array<i32>} : memref<32x128xf32, #tpu.memory_space<vmem>>, vector<1x16xf32>,
    %broadcast_in_dim3A_207 = arith.constant 0.000000e+00 : f32
    %broadcast_in_dim3A_208 = vector.broadcast %broadcast_in_dim3A_207 : f32 to vector<16xf32>
    %swap3A_209 = arith.constant 3 : i32
    %swap3A_210 = arith.index_cast %swap3A_209 : i32 to index
    %swap3A_211 = arith.constant 32 : index
    %swap3A_212 = tpu.vector_load %arg11[%swap3A_210, %swap3A_211] {strides = array<i32>} : memref<32x128xf32, #tpu.memory_space<vmem>>, vector<1x16xf32>,
    %swap3A_213 = vector.shape_cast %swap3A_212 : vector<1x16xf32> to vector<16xf32>
    %swap3A_214 = vector.shape_cast %broadcast_in_dim3A_208 : vector<16xf32> to vector<1x16xf32>
    tpu.vector_store %arg11[%swap3A_210, %swap3A_211], %swap3A_214 {strides = array<i32>} : memref<32x128xf32, #tpu.memory_space<vmem>>, vector<1x16xf32>,
    %broadcast_in_dim3A_215 = arith.constant 0.000000e+00 : f32
    %broadcast_in_dim3A_216 = vector.broadcast %broadcast_in_dim3A_215 : f32 to vector<16xf32>
    %swap3A_217 = arith.constant 3 : i32
    %swap3A_218 = arith.index_cast %swap3A_217 : i32 to index
    %swap3A_219 = arith.constant 48 : index
    %swap3A_220 = tpu.vector_load %arg11[%swap3A_218, %swap3A_219] {strides = array<i32>} : memref<32x128xf32, #tpu.memory_space<vmem>>, vector<1x16xf32>,
    %swap3A_221 = vector.shape_cast %swap3A_220 : vector<1x16xf32> to vector<16xf32>
    %swap3A_222 = vector.shape_cast %broadcast_in_dim3A_216 : vector<16xf32> to vector<1x16xf32>
    tpu.vector_store %arg11[%swap3A_218, %swap3A_219], %swap3A_222 {strides = array<i32>} : memref<32x128xf32, #tpu.memory_space<vmem>>, vector<1x16xf32>,
    %broadcast_in_dim3A_223 = arith.constant 0.000000e+00 : f32
    %broadcast_in_dim3A_224 = vector.broadcast %broadcast_in_dim3A_223 : f32 to vector<16xf32>
    %swap3A_225 = arith.constant 3 : i32
    %swap3A_226 = arith.index_cast %swap3A_225 : i32 to index
    %swap3A_227 = arith.constant 64 : index
    %swap3A_228 = tpu.vector_load %arg11[%swap3A_226, %swap3A_227] {strides = array<i32>} : memref<32x128xf32, #tpu.memory_space<vmem>>, vector<1x16xf32>,
    %swap3A_229 = vector.shape_cast %swap3A_228 : vector<1x16xf32> to vector<16xf32>
    %swap3A_230 = vector.shape_cast %broadcast_in_dim3A_224 : vector<16xf32> to vector<1x16xf32>
    tpu.vector_store %arg11[%swap3A_226, %swap3A_227], %swap3A_230 {strides = array<i32>} : memref<32x128xf32, #tpu.memory_space<vmem>>, vector<1x16xf32>,
    %broadcast_in_dim3A_231 = arith.constant 0.000000e+00 : f32
    %broadcast_in_dim3A_232 = vector.broadcast %broadcast_in_dim3A_231 : f32 to vector<16xf32>
    %swap3A_233 = arith.constant 3 : i32
    %swap3A_234 = arith.index_cast %swap3A_233 : i32 to index
    %swap3A_235 = arith.constant 80 : index
    %swap3A_236 = tpu.vector_load %arg11[%swap3A_234, %swap3A_235] {strides = array<i32>} : memref<32x128xf32, #tpu.memory_space<vmem>>, vector<1x16xf32>,
    %swap3A_237 = vector.shape_cast %swap3A_236 : vector<1x16xf32> to vector<16xf32>
    %swap3A_238 = vector.shape_cast %broadcast_in_dim3A_232 : vector<16xf32> to vector<1x16xf32>
    tpu.vector_store %arg11[%swap3A_234, %swap3A_235], %swap3A_238 {strides = array<i32>} : memref<32x128xf32, #tpu.memory_space<vmem>>, vector<1x16xf32>,
    %broadcast_in_dim3A_239 = arith.constant 0.000000e+00 : f32
    %broadcast_in_dim3A_240 = vector.broadcast %broadcast_in_dim3A_239 : f32 to vector<16xf32>
    %swap3A_241 = arith.constant 3 : i32
    %swap3A_242 = arith.index_cast %swap3A_241 : i32 to index
    %swap3A_243 = arith.constant 96 : index
    %swap3A_244 = tpu.vector_load %arg11[%swap3A_242, %swap3A_243] {strides = array<i32>} : memref<32x128xf32, #tpu.memory_space<vmem>>, vector<1x16xf32>,
    %swap3A_245 = vector.shape_cast %swap3A_244 : vector<1x16xf32> to vector<16xf32>
    %swap3A_246 = vector.shape_cast %broadcast_in_dim3A_240 : vector<16xf32> to vector<1x16xf32>
    tpu.vector_store %arg11[%swap3A_242, %swap3A_243], %swap3A_246 {strides = array<i32>} : memref<32x128xf32, #tpu.memory_space<vmem>>, vector<1x16xf32>,
    %broadcast_in_dim3A_247 = arith.constant 0.000000e+00 : f32
    %broadcast_in_dim3A_248 = vector.broadcast %broadcast_in_dim3A_247 : f32 to vector<16xf32>
    %swap3A_249 = arith.constant 3 : i32
    %swap3A_250 = arith.index_cast %swap3A_249 : i32 to index
    %swap3A_251 = arith.constant 112 : index
    %swap3A_252 = tpu.vector_load %arg11[%swap3A_250, %swap3A_251] {strides = array<i32>} : memref<32x128xf32, #tpu.memory_space<vmem>>, vector<1x16xf32>,
    %swap3A_253 = vector.shape_cast %swap3A_252 : vector<1x16xf32> to vector<16xf32>
    %swap3A_254 = vector.shape_cast %broadcast_in_dim3A_248 : vector<16xf32> to vector<1x16xf32>
    tpu.vector_store %arg11[%swap3A_250, %swap3A_251], %swap3A_254 {strides = array<i32>} : memref<32x128xf32, #tpu.memory_space<vmem>>, vector<1x16xf32>,
    %broadcast_in_dim3A_255 = arith.constant 0.000000e+00 : f32
    %broadcast_in_dim3A_256 = vector.broadcast %broadcast_in_dim3A_255 : f32 to vector<16xf32>
    %swap3A_257 = arith.constant 4 : i32
    %swap3A_258 = arith.index_cast %swap3A_257 : i32 to index
    %swap3A_259 = arith.constant 0 : index
    %swap3A_260 = tpu.vector_load %arg11[%swap3A_258, %swap3A_259] {strides = array<i32>} : memref<32x128xf32, #tpu.memory_space<vmem>>, vector<1x16xf32>,
    %swap3A_261 = vector.shape_cast %swap3A_260 : vector<1x16xf32> to vector<16xf32>
    %swap3A_262 = vector.shape_cast %broadcast_in_dim3A_256 : vector<16xf32> to vector<1x16xf32>
    tpu.vector_store %arg11[%swap3A_258, %swap3A_259], %swap3A_262 {strides = array<i32>} : memref<32x128xf32, #tpu.memory_space<vmem>>, vector<1x16xf32>,
    %broadcast_in_dim3A_263 = arith.constant 0.000000e+00 : f32
    %broadcast_in_dim3A_264 = vector.broadcast %broadcast_in_dim3A_263 : f32 to vector<16xf32>
    %swap3A_265 = arith.constant 4 : i32
    %swap3A_266 = arith.index_cast %swap3A_265 : i32 to index
    %swap3A_267 = arith.constant 16 : index
    %swap3A_268 = tpu.vector_load %arg11[%swap3A_266, %swap3A_267] {strides = array<i32>} : memref<32x128xf32, #tpu.memory_space<vmem>>, vector<1x16xf32>,
    %swap3A_269 = vector.shape_cast %swap3A_268 : vector<1x16xf32> to vector<16xf32>
    %swap3A_270 = vector.shape_cast %broadcast_in_dim3A_264 : vector<16xf32> to vector<1x16xf32>
    tpu.vector_store %arg11[%swap3A_266, %swap3A_267], %swap3A_270 {strides = array<i32>} : memref<32x128xf32, #tpu.memory_space<vmem>>, vector<1x16xf32>,
    %broadcast_in_dim3A_271 = arith.constant 0.000000e+00 : f32
    %broadcast_in_dim3A_272 = vector.broadcast %broadcast_in_dim3A_271 : f32 to vector<16xf32>
    %swap3A_273 = arith.constant 4 : i32
    %swap3A_274 = arith.index_cast %swap3A_273 : i32 to index
    %swap3A_275 = arith.constant 32 : index
    %swap3A_276 = tpu.vector_load %arg11[%swap3A_274, %swap3A_275] {strides = array<i32>} : memref<32x128xf32, #tpu.memory_space<vmem>>, vector<1x16xf32>,
    %swap3A_277 = vector.shape_cast %swap3A_276 : vector<1x16xf32> to vector<16xf32>
    %swap3A_278 = vector.shape_cast %broadcast_in_dim3A_272 : vector<16xf32> to vector<1x16xf32>
    tpu.vector_store %arg11[%swap3A_274, %swap3A_275], %swap3A_278 {strides = array<i32>} : memref<32x128xf32, #tpu.memory_space<vmem>>, vector<1x16xf32>,
    %broadcast_in_dim3A_279 = arith.constant 0.000000e+00 : f32
    %broadcast_in_dim3A_280 = vector.broadcast %broadcast_in_dim3A_279 : f32 to vector<16xf32>
    %swap3A_281 = arith.constant 4 : i32
    %swap3A_282 = arith.index_cast %swap3A_281 : i32 to index
    %swap3A_283 = arith.constant 48 : index
    %swap3A_284 = tpu.vector_load %arg11[%swap3A_282, %swap3A_283] {strides = array<i32>} : memref<32x128xf32, #tpu.memory_space<vmem>>, vector<1x16xf32>,
    %swap3A_285 = vector.shape_cast %swap3A_284 : vector<1x16xf32> to vector<16xf32>
    %swap3A_286 = vector.shape_cast %broadcast_in_dim3A_280 : vector<16xf32> to vector<1x16xf32>
    tpu.vector_store %arg11[%swap3A_282, %swap3A_283], %swap3A_286 {strides = array<i32>} : memref<32x128xf32, #tpu.memory_space<vmem>>, vector<1x16xf32>,
    %broadcast_in_dim3A_287 = arith.constant 0.000000e+00 : f32
    %broadcast_in_dim3A_288 = vector.broadcast %broadcast_in_dim3A_287 : f32 to vector<16xf32>
    %swap3A_289 = arith.constant 4 : i32
    %swap3A_290 = arith.index_cast %swap3A_289 : i32 to index
    %swap3A_291 = arith.constant 64 : index
    %swap3A_292 = tpu.vector_load %arg11[%swap3A_290, %swap3A_291] {strides = array<i32>} : memref<32x128xf32, #tpu.memory_space<vmem>>, vector<1x16xf32>,
    %swap3A_293 = vector.shape_cast %swap3A_292 : vector<1x16xf32> to vector<16xf32>
    %swap3A_294 = vector.shape_cast %broadcast_in_dim3A_288 : vector<16xf32> to vector<1x16xf32>
    tpu.vector_store %arg11[%swap3A_290, %swap3A_291], %swap3A_294 {strides = array<i32>} : memref<32x128xf32, #tpu.memory_space<vmem>>, vector<1x16xf32>,
    %broadcast_in_dim3A_295 = arith.constant 0.000000e+00 : f32
    %broadcast_in_dim3A_296 = vector.broadcast %broadcast_in_dim3A_295 : f32 to vector<16xf32>
    %swap3A_297 = arith.constant 4 : i32
    %swap3A_298 = arith.index_cast %swap3A_297 : i32 to index
    %swap3A_299 = arith.constant 80 : index
    %swap3A_300 = tpu.vector_load %arg11[%swap3A_298, %swap3A_299] {strides = array<i32>} : memref<32x128xf32, #tpu.memory_space<vmem>>, vector<1x16xf32>,
    %swap3A_301 = vector.shape_cast %swap3A_300 : vector<1x16xf32> to vector<16xf32>
    %swap3A_302 = vector.shape_cast %broadcast_in_dim3A_296 : vector<16xf32> to vector<1x16xf32>
    tpu.vector_store %arg11[%swap3A_298, %swap3A_299], %swap3A_302 {strides = array<i32>} : memref<32x128xf32, #tpu.memory_space<vmem>>, vector<1x16xf32>,
    %broadcast_in_dim3A_303 = arith.constant 0.000000e+00 : f32
    %broadcast_in_dim3A_304 = vector.broadcast %broadcast_in_dim3A_303 : f32 to vector<16xf32>
    %swap3A_305 = arith.constant 4 : i32
    %swap3A_306 = arith.index_cast %swap3A_305 : i32 to index
    %swap3A_307 = arith.constant 96 : index
    %swap3A_308 = tpu.vector_load %arg11[%swap3A_306, %swap3A_307] {strides = array<i32>} : memref<32x128xf32, #tpu.memory_space<vmem>>, vector<1x16xf32>,
    %swap3A_309 = vector.shape_cast %swap3A_308 : vector<1x16xf32> to vector<16xf32>
    %swap3A_310 = vector.shape_cast %broadcast_in_dim3A_304 : vector<16xf32> to vector<1x16xf32>
    tpu.vector_store %arg11[%swap3A_306, %swap3A_307], %swap3A_310 {strides = array<i32>} : memref<32x128xf32, #tpu.memory_space<vmem>>, vector<1x16xf32>,
    %broadcast_in_dim3A_311 = arith.constant 0.000000e+00 : f32
    %broadcast_in_dim3A_312 = vector.broadcast %broadcast_in_dim3A_311 : f32 to vector<16xf32>
    %swap3A_313 = arith.constant 4 : i32
    %swap3A_314 = arith.index_cast %swap3A_313 : i32 to index
    %swap3A_315 = arith.constant 112 : index
    %swap3A_316 = tpu.vector_load %arg11[%swap3A_314, %swap3A_315] {strides = array<i32>} : memref<32x128xf32, #tpu.memory_space<vmem>>, vector<1x16xf32>,
    %swap3A_317 = vector.shape_cast %swap3A_316 : vector<1x16xf32> to vector<16xf32>
    %swap3A_318 = vector.shape_cast %broadcast_in_dim3A_312 : vector<16xf32> to vector<1x16xf32>
    tpu.vector_store %arg11[%swap3A_314, %swap3A_315], %swap3A_318 {strides = array<i32>} : memref<32x128xf32, #tpu.memory_space<vmem>>, vector<1x16xf32>,
    %broadcast_in_dim3A_319 = arith.constant 0.000000e+00 : f32
    %broadcast_in_dim3A_320 = vector.broadcast %broadcast_in_dim3A_319 : f32 to vector<16xf32>
    %swap3A_321 = arith.constant 5 : i32
    %swap3A_322 = arith.index_cast %swap3A_321 : i32 to index
    %swap3A_323 = arith.constant 0 : index
    %swap3A_324 = tpu.vector_load %arg11[%swap3A_322, %swap3A_323] {strides = array<i32>} : memref<32x128xf32, #tpu.memory_space<vmem>>, vector<1x16xf32>,
    %swap3A_325 = vector.shape_cast %swap3A_324 : vector<1x16xf32> to vector<16xf32>
    %swap3A_326 = vector.shape_cast %broadcast_in_dim3A_320 : vector<16xf32> to vector<1x16xf32>
    tpu.vector_store %arg11[%swap3A_322, %swap3A_323], %swap3A_326 {strides = array<i32>} : memref<32x128xf32, #tpu.memory_space<vmem>>, vector<1x16xf32>,
    %broadcast_in_dim3A_327 = arith.constant 0.000000e+00 : f32
    %broadcast_in_dim3A_328 = vector.broadcast %broadcast_in_dim3A_327 : f32 to vector<16xf32>
    %swap3A_329 = arith.constant 5 : i32
    %swap3A_330 = arith.index_cast %swap3A_329 : i32 to index
    %swap3A_331 = arith.constant 16 : index
    %swap3A_332 = tpu.vector_load %arg11[%swap3A_330, %swap3A_331] {strides = array<i32>} : memref<32x128xf32, #tpu.memory_space<vmem>>, vector<1x16xf32>,
    %swap3A_333 = vector.shape_cast %swap3A_332 : vector<1x16xf32> to vector<16xf32>
    %swap3A_334 = vector.shape_cast %broadcast_in_dim3A_328 : vector<16xf32> to vector<1x16xf32>
    tpu.vector_store %arg11[%swap3A_330, %swap3A_331], %swap3A_334 {strides = array<i32>} : memref<32x128xf32, #tpu.memory_space<vmem>>, vector<1x16xf32>,
    %broadcast_in_dim3A_335 = arith.constant 0.000000e+00 : f32
    %broadcast_in_dim3A_336 = vector.broadcast %broadcast_in_dim3A_335 : f32 to vector<16xf32>
    %swap3A_337 = arith.constant 5 : i32
    %swap3A_338 = arith.index_cast %swap3A_337 : i32 to index
    %swap3A_339 = arith.constant 32 : index
    %swap3A_340 = tpu.vector_load %arg11[%swap3A_338, %swap3A_339] {strides = array<i32>} : memref<32x128xf32, #tpu.memory_space<vmem>>, vector<1x16xf32>,
    %swap3A_341 = vector.shape_cast %swap3A_340 : vector<1x16xf32> to vector<16xf32>
    %swap3A_342 = vector.shape_cast %broadcast_in_dim3A_336 : vector<16xf32> to vector<1x16xf32>
    tpu.vector_store %arg11[%swap3A_338, %swap3A_339], %swap3A_342 {strides = array<i32>} : memref<32x128xf32, #tpu.memory_space<vmem>>, vector<1x16xf32>,
    %broadcast_in_dim3A_343 = arith.constant 0.000000e+00 : f32
    %broadcast_in_dim3A_344 = vector.broadcast %broadcast_in_dim3A_343 : f32 to vector<16xf32>
    %swap3A_345 = arith.constant 5 : i32
    %swap3A_346 = arith.index_cast %swap3A_345 : i32 to index
    %swap3A_347 = arith.constant 48 : index
    %swap3A_348 = tpu.vector_load %arg11[%swap3A_346, %swap3A_347] {strides = array<i32>} : memref<32x128xf32, #tpu.memory_space<vmem>>, vector<1x16xf32>,
    %swap3A_349 = vector.shape_cast %swap3A_348 : vector<1x16xf32> to vector<16xf32>
    %swap3A_350 = vector.shape_cast %broadcast_in_dim3A_344 : vector<16xf32> to vector<1x16xf32>
    tpu.vector_store %arg11[%swap3A_346, %swap3A_347], %swap3A_350 {strides = array<i32>} : memref<32x128xf32, #tpu.memory_space<vmem>>, vector<1x16xf32>,
    %broadcast_in_dim3A_351 = arith.constant 0.000000e+00 : f32
    %broadcast_in_dim3A_352 = vector.broadcast %broadcast_in_dim3A_351 : f32 to vector<16xf32>
    %swap3A_353 = arith.constant 5 : i32
    %swap3A_354 = arith.index_cast %swap3A_353 : i32 to index
    %swap3A_355 = arith.constant 64 : index
    %swap3A_356 = tpu.vector_load %arg11[%swap3A_354, %swap3A_355] {strides = array<i32>} : memref<32x128xf32, #tpu.memory_space<vmem>>, vector<1x16xf32>,
    %swap3A_357 = vector.shape_cast %swap3A_356 : vector<1x16xf32> to vector<16xf32>
    %swap3A_358 = vector.shape_cast %broadcast_in_dim3A_352 : vector<16xf32> to vector<1x16xf32>
    tpu.vector_store %arg11[%swap3A_354, %swap3A_355], %swap3A_358 {strides = array<i32>} : memref<32x128xf32, #tpu.memory_space<vmem>>, vector<1x16xf32>,
    %broadcast_in_dim3A_359 = arith.constant 0.000000e+00 : f32
    %broadcast_in_dim3A_360 = vector.broadcast %broadcast_in_dim3A_359 : f32 to vector<16xf32>
    %swap3A_361 = arith.constant 5 : i32
    %swap3A_362 = arith.index_cast %swap3A_361 : i32 to index
    %swap3A_363 = arith.constant 80 : index
    %swap3A_364 = tpu.vector_load %arg11[%swap3A_362, %swap3A_363] {strides = array<i32>} : memref<32x128xf32, #tpu.memory_space<vmem>>, vector<1x16xf32>,
    %swap3A_365 = vector.shape_cast %swap3A_364 : vector<1x16xf32> to vector<16xf32>
    %swap3A_366 = vector.shape_cast %broadcast_in_dim3A_360 : vector<16xf32> to vector<1x16xf32>
    tpu.vector_store %arg11[%swap3A_362, %swap3A_363], %swap3A_366 {strides = array<i32>} : memref<32x128xf32, #tpu.memory_space<vmem>>, vector<1x16xf32>,
    %broadcast_in_dim3A_367 = arith.constant 0.000000e+00 : f32
    %broadcast_in_dim3A_368 = vector.broadcast %broadcast_in_dim3A_367 : f32 to vector<16xf32>
    %swap3A_369 = arith.constant 5 : i32
    %swap3A_370 = arith.index_cast %swap3A_369 : i32 to index
    %swap3A_371 = arith.constant 96 : index
    %swap3A_372 = tpu.vector_load %arg11[%swap3A_370, %swap3A_371] {strides = array<i32>} : memref<32x128xf32, #tpu.memory_space<vmem>>, vector<1x16xf32>,
    %swap3A_373 = vector.shape_cast %swap3A_372 : vector<1x16xf32> to vector<16xf32>
    %swap3A_374 = vector.shape_cast %broadcast_in_dim3A_368 : vector<16xf32> to vector<1x16xf32>
    tpu.vector_store %arg11[%swap3A_370, %swap3A_371], %swap3A_374 {strides = array<i32>} : memref<32x128xf32, #tpu.memory_space<vmem>>, vector<1x16xf32>,
    %broadcast_in_dim3A_375 = arith.constant 0.000000e+00 : f32
    %broadcast_in_dim3A_376 = vector.broadcast %broadcast_in_dim3A_375 : f32 to vector<16xf32>
    %swap3A_377 = arith.constant 5 : i32
    %swap3A_378 = arith.index_cast %swap3A_377 : i32 to index
    %swap3A_379 = arith.constant 112 : index
    %swap3A_380 = tpu.vector_load %arg11[%swap3A_378, %swap3A_379] {strides = array<i32>} : memref<32x128xf32, #tpu.memory_space<vmem>>, vector<1x16xf32>,
    %swap3A_381 = vector.shape_cast %swap3A_380 : vector<1x16xf32> to vector<16xf32>
    %swap3A_382 = vector.shape_cast %broadcast_in_dim3A_376 : vector<16xf32> to vector<1x16xf32>
    tpu.vector_store %arg11[%swap3A_378, %swap3A_379], %swap3A_382 {strides = array<i32>} : memref<32x128xf32, #tpu.memory_space<vmem>>, vector<1x16xf32>,
    %broadcast_in_dim3A_383 = arith.constant 0.000000e+00 : f32
    %broadcast_in_dim3A_384 = vector.broadcast %broadcast_in_dim3A_383 : f32 to vector<16xf32>
    %swap3A_385 = arith.constant 6 : i32
    %swap3A_386 = arith.index_cast %swap3A_385 : i32 to index
    %swap3A_387 = arith.constant 0 : index
    %swap3A_388 = tpu.vector_load %arg11[%swap3A_386, %swap3A_387] {strides = array<i32>} : memref<32x128xf32, #tpu.memory_space<vmem>>, vector<1x16xf32>,
    %swap3A_389 = vector.shape_cast %swap3A_388 : vector<1x16xf32> to vector<16xf32>
    %swap3A_390 = vector.shape_cast %broadcast_in_dim3A_384 : vector<16xf32> to vector<1x16xf32>
    tpu.vector_store %arg11[%swap3A_386, %swap3A_387], %swap3A_390 {strides = array<i32>} : memref<32x128xf32, #tpu.memory_space<vmem>>, vector<1x16xf32>,
    %broadcast_in_dim3A_391 = arith.constant 0.000000e+00 : f32
    %broadcast_in_dim3A_392 = vector.broadcast %broadcast_in_dim3A_391 : f32 to vector<16xf32>
    %swap3A_393 = arith.constant 6 : i32
    %swap3A_394 = arith.index_cast %swap3A_393 : i32 to index
    %swap3A_395 = arith.constant 16 : index
    %swap3A_396 = tpu.vector_load %arg11[%swap3A_394, %swap3A_395] {strides = array<i32>} : memref<32x128xf32, #tpu.memory_space<vmem>>, vector<1x16xf32>,
    %swap3A_397 = vector.shape_cast %swap3A_396 : vector<1x16xf32> to vector<16xf32>
    %swap3A_398 = vector.shape_cast %broadcast_in_dim3A_392 : vector<16xf32> to vector<1x16xf32>
    tpu.vector_store %arg11[%swap3A_394, %swap3A_395], %swap3A_398 {strides = array<i32>} : memref<32x128xf32, #tpu.memory_space<vmem>>, vector<1x16xf32>,
    %broadcast_in_dim3A_399 = arith.constant 0.000000e+00 : f32
    %broadcast_in_dim3A_400 = vector.broadcast %broadcast_in_dim3A_399 : f32 to vector<16xf32>
    %swap3A_401 = arith.constant 6 : i32
    %swap3A_402 = arith.index_cast %swap3A_401 : i32 to index
    %swap3A_403 = arith.constant 32 : index
    %swap3A_404 = tpu.vector_load %arg11[%swap3A_402, %swap3A_403] {strides = array<i32>} : memref<32x128xf32, #tpu.memory_space<vmem>>, vector<1x16xf32>,
    %swap3A_405 = vector.shape_cast %swap3A_404 : vector<1x16xf32> to vector<16xf32>
    %swap3A_406 = vector.shape_cast %broadcast_in_dim3A_400 : vector<16xf32> to vector<1x16xf32>
    tpu.vector_store %arg11[%swap3A_402, %swap3A_403], %swap3A_406 {strides = array<i32>} : memref<32x128xf32, #tpu.memory_space<vmem>>, vector<1x16xf32>,
    %broadcast_in_dim3A_407 = arith.constant 0.000000e+00 : f32
    %broadcast_in_dim3A_408 = vector.broadcast %broadcast_in_dim3A_407 : f32 to vector<16xf32>
    %swap3A_409 = arith.constant 6 : i32
    %swap3A_410 = arith.index_cast %swap3A_409 : i32 to index
    %swap3A_411 = arith.constant 48 : index
    %swap3A_412 = tpu.vector_load %arg11[%swap3A_410, %swap3A_411] {strides = array<i32>} : memref<32x128xf32, #tpu.memory_space<vmem>>, vector<1x16xf32>,
    %swap3A_413 = vector.shape_cast %swap3A_412 : vector<1x16xf32> to vector<16xf32>
    %swap3A_414 = vector.shape_cast %broadcast_in_dim3A_408 : vector<16xf32> to vector<1x16xf32>
    tpu.vector_store %arg11[%swap3A_410, %swap3A_411], %swap3A_414 {strides = array<i32>} : memref<32x128xf32, #tpu.memory_space<vmem>>, vector<1x16xf32>,
    %broadcast_in_dim3A_415 = arith.constant 0.000000e+00 : f32
    %broadcast_in_dim3A_416 = vector.broadcast %broadcast_in_dim3A_415 : f32 to vector<16xf32>
    %swap3A_417 = arith.constant 6 : i32
    %swap3A_418 = arith.index_cast %swap3A_417 : i32 to index
    %swap3A_419 = arith.constant 64 : index
    %swap3A_420 = tpu.vector_load %arg11[%swap3A_418, %swap3A_419] {strides = array<i32>} : memref<32x128xf32, #tpu.memory_space<vmem>>, vector<1x16xf32>,
    %swap3A_421 = vector.shape_cast %swap3A_420 : vector<1x16xf32> to vector<16xf32>
    %swap3A_422 = vector.shape_cast %broadcast_in_dim3A_416 : vector<16xf32> to vector<1x16xf32>
    tpu.vector_store %arg11[%swap3A_418, %swap3A_419], %swap3A_422 {strides = array<i32>} : memref<32x128xf32, #tpu.memory_space<vmem>>, vector<1x16xf32>,
    %broadcast_in_dim3A_423 = arith.constant 0.000000e+00 : f32
    %broadcast_in_dim3A_424 = vector.broadcast %broadcast_in_dim3A_423 : f32 to vector<16xf32>
    %swap3A_425 = arith.constant 6 : i32
    %swap3A_426 = arith.index_cast %swap3A_425 : i32 to index
    %swap3A_427 = arith.constant 80 : index
    %swap3A_428 = tpu.vector_load %arg11[%swap3A_426, %swap3A_427] {strides = array<i32>} : memref<32x128xf32, #tpu.memory_space<vmem>>, vector<1x16xf32>,
    %swap3A_429 = vector.shape_cast %swap3A_428 : vector<1x16xf32> to vector<16xf32>
    %swap3A_430 = vector.shape_cast %broadcast_in_dim3A_424 : vector<16xf32> to vector<1x16xf32>
    tpu.vector_store %arg11[%swap3A_426, %swap3A_427], %swap3A_430 {strides = array<i32>} : memref<32x128xf32, #tpu.memory_space<vmem>>, vector<1x16xf32>,
    %broadcast_in_dim3A_431 = arith.constant 0.000000e+00 : f32
    %broadcast_in_dim3A_432 = vector.broadcast %broadcast_in_dim3A_431 : f32 to vector<16xf32>
    %swap3A_433 = arith.constant 6 : i32
    %swap3A_434 = arith.index_cast %swap3A_433 : i32 to index
    %swap3A_435 = arith.constant 96 : index
    %swap3A_436 = tpu.vector_load %arg11[%swap3A_434, %swap3A_435] {strides = array<i32>} : memref<32x128xf32, #tpu.memory_space<vmem>>, vector<1x16xf32>,
    %swap3A_437 = vector.shape_cast %swap3A_436 : vector<1x16xf32> to vector<16xf32>
    %swap3A_438 = vector.shape_cast %broadcast_in_dim3A_432 : vector<16xf32> to vector<1x16xf32>
    tpu.vector_store %arg11[%swap3A_434, %swap3A_435], %swap3A_438 {strides = array<i32>} : memref<32x128xf32, #tpu.memory_space<vmem>>, vector<1x16xf32>,
    %broadcast_in_dim3A_439 = arith.constant 0.000000e+00 : f32
    %broadcast_in_dim3A_440 = vector.broadcast %broadcast_in_dim3A_439 : f32 to vector<16xf32>
    %swap3A_441 = arith.constant 6 : i32
    %swap3A_442 = arith.index_cast %swap3A_441 : i32 to index
    %swap3A_443 = arith.constant 112 : index
    %swap3A_444 = tpu.vector_load %arg11[%swap3A_442, %swap3A_443] {strides = array<i32>} : memref<32x128xf32, #tpu.memory_space<vmem>>, vector<1x16xf32>,
    %swap3A_445 = vector.shape_cast %swap3A_444 : vector<1x16xf32> to vector<16xf32>
    %swap3A_446 = vector.shape_cast %broadcast_in_dim3A_440 : vector<16xf32> to vector<1x16xf32>
    tpu.vector_store %arg11[%swap3A_442, %swap3A_443], %swap3A_446 {strides = array<i32>} : memref<32x128xf32, #tpu.memory_space<vmem>>, vector<1x16xf32>,
    %broadcast_in_dim3A_447 = arith.constant 0.000000e+00 : f32
    %broadcast_in_dim3A_448 = vector.broadcast %broadcast_in_dim3A_447 : f32 to vector<16xf32>
    %swap3A_449 = arith.constant 7 : i32
    %swap3A_450 = arith.index_cast %swap3A_449 : i32 to index
    %swap3A_451 = arith.constant 0 : index
    %swap3A_452 = tpu.vector_load %arg11[%swap3A_450, %swap3A_451] {strides = array<i32>} : memref<32x128xf32, #tpu.memory_space<vmem>>, vector<1x16xf32>,
    %swap3A_453 = vector.shape_cast %swap3A_452 : vector<1x16xf32> to vector<16xf32>
    %swap3A_454 = vector.shape_cast %broadcast_in_dim3A_448 : vector<16xf32> to vector<1x16xf32>
    tpu.vector_store %arg11[%swap3A_450, %swap3A_451], %swap3A_454 {strides = array<i32>} : memref<32x128xf32, #tpu.memory_space<vmem>>, vector<1x16xf32>,
    %broadcast_in_dim3A_455 = arith.constant 0.000000e+00 : f32
    %broadcast_in_dim3A_456 = vector.broadcast %broadcast_in_dim3A_455 : f32 to vector<16xf32>
    %swap3A_457 = arith.constant 7 : i32
    %swap3A_458 = arith.index_cast %swap3A_457 : i32 to index
    %swap3A_459 = arith.constant 16 : index
    %swap3A_460 = tpu.vector_load %arg11[%swap3A_458, %swap3A_459] {strides = array<i32>} : memref<32x128xf32, #tpu.memory_space<vmem>>, vector<1x16xf32>,
    %swap3A_461 = vector.shape_cast %swap3A_460 : vector<1x16xf32> to vector<16xf32>
    %swap3A_462 = vector.shape_cast %broadcast_in_dim3A_456 : vector<16xf32> to vector<1x16xf32>
    tpu.vector_store %arg11[%swap3A_458, %swap3A_459], %swap3A_462 {strides = array<i32>} : memref<32x128xf32, #tpu.memory_space<vmem>>, vector<1x16xf32>,
    %broadcast_in_dim3A_463 = arith.constant 0.000000e+00 : f32
    %broadcast_in_dim3A_464 = vector.broadcast %broadcast_in_dim3A_463 : f32 to vector<16xf32>
    %swap3A_465 = arith.constant 7 : i32
    %swap3A_466 = arith.index_cast %swap3A_465 : i32 to index
    %swap3A_467 = arith.constant 32 : index
    %swap3A_468 = tpu.vector_load %arg11[%swap3A_466, %swap3A_467] {strides = array<i32>} : memref<32x128xf32, #tpu.memory_space<vmem>>, vector<1x16xf32>,
    %swap3A_469 = vector.shape_cast %swap3A_468 : vector<1x16xf32> to vector<16xf32>
    %swap3A_470 = vector.shape_cast %broadcast_in_dim3A_464 : vector<16xf32> to vector<1x16xf32>
    tpu.vector_store %arg11[%swap3A_466, %swap3A_467], %swap3A_470 {strides = array<i32>} : memref<32x128xf32, #tpu.memory_space<vmem>>, vector<1x16xf32>,
    %broadcast_in_dim3A_471 = arith.constant 0.000000e+00 : f32
    %broadcast_in_dim3A_472 = vector.broadcast %broadcast_in_dim3A_471 : f32 to vector<16xf32>
    %swap3A_473 = arith.constant 7 : i32
    %swap3A_474 = arith.index_cast %swap3A_473 : i32 to index
    %swap3A_475 = arith.constant 48 : index
    %swap3A_476 = tpu.vector_load %arg11[%swap3A_474, %swap3A_475] {strides = array<i32>} : memref<32x128xf32, #tpu.memory_space<vmem>>, vector<1x16xf32>,
    %swap3A_477 = vector.shape_cast %swap3A_476 : vector<1x16xf32> to vector<16xf32>
    %swap3A_478 = vector.shape_cast %broadcast_in_dim3A_472 : vector<16xf32> to vector<1x16xf32>
    tpu.vector_store %arg11[%swap3A_474, %swap3A_475], %swap3A_478 {strides = array<i32>} : memref<32x128xf32, #tpu.memory_space<vmem>>, vector<1x16xf32>,
    %broadcast_in_dim3A_479 = arith.constant 0.000000e+00 : f32
    %broadcast_in_dim3A_480 = vector.broadcast %broadcast_in_dim3A_479 : f32 to vector<16xf32>
    %swap3A_481 = arith.constant 7 : i32
    %swap3A_482 = arith.index_cast %swap3A_481 : i32 to index
    %swap3A_483 = arith.constant 64 : index
    %swap3A_484 = tpu.vector_load %arg11[%swap3A_482, %swap3A_483] {strides = array<i32>} : memref<32x128xf32, #tpu.memory_space<vmem>>, vector<1x16xf32>,
    %swap3A_485 = vector.shape_cast %swap3A_484 : vector<1x16xf32> to vector<16xf32>
    %swap3A_486 = vector.shape_cast %broadcast_in_dim3A_480 : vector<16xf32> to vector<1x16xf32>
    tpu.vector_store %arg11[%swap3A_482, %swap3A_483], %swap3A_486 {strides = array<i32>} : memref<32x128xf32, #tpu.memory_space<vmem>>, vector<1x16xf32>,
    %broadcast_in_dim3A_487 = arith.constant 0.000000e+00 : f32
    %broadcast_in_dim3A_488 = vector.broadcast %broadcast_in_dim3A_487 : f32 to vector<16xf32>
    %swap3A_489 = arith.constant 7 : i32
    %swap3A_490 = arith.index_cast %swap3A_489 : i32 to index
    %swap3A_491 = arith.constant 80 : index
    %swap3A_492 = tpu.vector_load %arg11[%swap3A_490, %swap3A_491] {strides = array<i32>} : memref<32x128xf32, #tpu.memory_space<vmem>>, vector<1x16xf32>,
    %swap3A_493 = vector.shape_cast %swap3A_492 : vector<1x16xf32> to vector<16xf32>
    %swap3A_494 = vector.shape_cast %broadcast_in_dim3A_488 : vector<16xf32> to vector<1x16xf32>
    tpu.vector_store %arg11[%swap3A_490, %swap3A_491], %swap3A_494 {strides = array<i32>} : memref<32x128xf32, #tpu.memory_space<vmem>>, vector<1x16xf32>,
    %broadcast_in_dim3A_495 = arith.constant 0.000000e+00 : f32
    %broadcast_in_dim3A_496 = vector.broadcast %broadcast_in_dim3A_495 : f32 to vector<16xf32>
    %swap3A_497 = arith.constant 7 : i32
    %swap3A_498 = arith.index_cast %swap3A_497 : i32 to index
    %swap3A_499 = arith.constant 96 : index
    %swap3A_500 = tpu.vector_load %arg11[%swap3A_498, %swap3A_499] {strides = array<i32>} : memref<32x128xf32, #tpu.memory_space<vmem>>, vector<1x16xf32>,
    %swap3A_501 = vector.shape_cast %swap3A_500 : vector<1x16xf32> to vector<16xf32>
    %swap3A_502 = vector.shape_cast %broadcast_in_dim3A_496 : vector<16xf32> to vector<1x16xf32>
    tpu.vector_store %arg11[%swap3A_498, %swap3A_499], %swap3A_502 {strides = array<i32>} : memref<32x128xf32, #tpu.memory_space<vmem>>, vector<1x16xf32>,
    %broadcast_in_dim3A_503 = arith.constant 0.000000e+00 : f32
    %broadcast_in_dim3A_504 = vector.broadcast %broadcast_in_dim3A_503 : f32 to vector<16xf32>
    %swap3A_505 = arith.constant 7 : i32
    %swap3A_506 = arith.index_cast %swap3A_505 : i32 to index
    %swap3A_507 = arith.constant 112 : index
    %swap3A_508 = tpu.vector_load %arg11[%swap3A_506, %swap3A_507] {strides = array<i32>} : memref<32x128xf32, #tpu.memory_space<vmem>>, vector<1x16xf32>,
    %swap3A_509 = vector.shape_cast %swap3A_508 : vector<1x16xf32> to vector<16xf32>
    %swap3A_510 = vector.shape_cast %broadcast_in_dim3A_504 : vector<16xf32> to vector<1x16xf32>
    tpu.vector_store %arg11[%swap3A_506, %swap3A_507], %swap3A_510 {strides = array<i32>} : memref<32x128xf32, #tpu.memory_space<vmem>>, vector<1x16xf32>,
    %broadcast_in_dim3A_511 = arith.constant 0.000000e+00 : f32
    %broadcast_in_dim3A_512 = vector.broadcast %broadcast_in_dim3A_511 : f32 to vector<16xf32>
    %swap3A_513 = arith.constant 8 : i32
    %swap3A_514 = arith.index_cast %swap3A_513 : i32 to index
    %swap3A_515 = arith.constant 0 : index
    %swap3A_516 = tpu.vector_load %arg11[%swap3A_514, %swap3A_515] {strides = array<i32>} : memref<32x128xf32, #tpu.memory_space<vmem>>, vector<1x16xf32>,
    %swap3A_517 = vector.shape_cast %swap3A_516 : vector<1x16xf32> to vector<16xf32>
    %swap3A_518 = vector.shape_cast %broadcast_in_dim3A_512 : vector<16xf32> to vector<1x16xf32>
    tpu.vector_store %arg11[%swap3A_514, %swap3A_515], %swap3A_518 {strides = array<i32>} : memref<32x128xf32, #tpu.memory_space<vmem>>, vector<1x16xf32>,
    %broadcast_in_dim3A_519 = arith.constant 0.000000e+00 : f32
    %broadcast_in_dim3A_520 = vector.broadcast %broadcast_in_dim3A_519 : f32 to vector<16xf32>
    %swap3A_521 = arith.constant 8 : i32
    %swap3A_522 = arith.index_cast %swap3A_521 : i32 to index
    %swap3A_523 = arith.constant 16 : index
    %swap3A_524 = tpu.vector_load %arg11[%swap3A_522, %swap3A_523] {strides = array<i32>} : memref<32x128xf32, #tpu.memory_space<vmem>>, vector<1x16xf32>,
    %swap3A_525 = vector.shape_cast %swap3A_524 : vector<1x16xf32> to vector<16xf32>
    %swap3A_526 = vector.shape_cast %broadcast_in_dim3A_520 : vector<16xf32> to vector<1x16xf32>
    tpu.vector_store %arg11[%swap3A_522, %swap3A_523], %swap3A_526 {strides = array<i32>} : memref<32x128xf32, #tpu.memory_space<vmem>>, vector<1x16xf32>,
    %broadcast_in_dim3A_527 = arith.constant 0.000000e+00 : f32
    %broadcast_in_dim3A_528 = vector.broadcast %broadcast_in_dim3A_527 : f32 to vector<16xf32>
    %swap3A_529 = arith.constant 8 : i32
    %swap3A_530 = arith.index_cast %swap3A_529 : i32 to index
    %swap3A_531 = arith.constant 32 : index
    %swap3A_532 = tpu.vector_load %arg11[%swap3A_530, %swap3A_531] {strides = array<i32>} : memref<32x128xf32, #tpu.memory_space<vmem>>, vector<1x16xf32>,
    %swap3A_533 = vector.shape_cast %swap3A_532 : vector<1x16xf32> to vector<16xf32>
    %swap3A_534 = vector.shape_cast %broadcast_in_dim3A_528 : vector<16xf32> to vector<1x16xf32>
    tpu.vector_store %arg11[%swap3A_530, %swap3A_531], %swap3A_534 {strides = array<i32>} : memref<32x128xf32, #tpu.memory_space<vmem>>, vector<1x16xf32>,
    %broadcast_in_dim3A_535 = arith.constant 0.000000e+00 : f32
    %broadcast_in_dim3A_536 = vector.broadcast %broadcast_in_dim3A_535 : f32 to vector<16xf32>
    %swap3A_537 = arith.constant 8 : i32
    %swap3A_538 = arith.index_cast %swap3A_537 : i32 to index
    %swap3A_539 = arith.constant 48 : index
    %swap3A_540 = tpu.vector_load %arg11[%swap3A_538, %swap3A_539] {strides = array<i32>} : memref<32x128xf32, #tpu.memory_space<vmem>>, vector<1x16xf32>,
    %swap3A_541 = vector.shape_cast %swap3A_540 : vector<1x16xf32> to vector<16xf32>
    %swap3A_542 = vector.shape_cast %broadcast_in_dim3A_536 : vector<16xf32> to vector<1x16xf32>
    tpu.vector_store %arg11[%swap3A_538, %swap3A_539], %swap3A_542 {strides = array<i32>} : memref<32x128xf32, #tpu.memory_space<vmem>>, vector<1x16xf32>,
    %broadcast_in_dim3A_543 = arith.constant 0.000000e+00 : f32
    %broadcast_in_dim3A_544 = vector.broadcast %broadcast_in_dim3A_543 : f32 to vector<16xf32>
    %swap3A_545 = arith.constant 8 : i32
    %swap3A_546 = arith.index_cast %swap3A_545 : i32 to index
    %swap3A_547 = arith.constant 64 : index
    %swap3A_548 = tpu.vector_load %arg11[%swap3A_546, %swap3A_547] {strides = array<i32>} : memref<32x128xf32, #tpu.memory_space<vmem>>, vector<1x16xf32>,
    %swap3A_549 = vector.shape_cast %swap3A_548 : vector<1x16xf32> to vector<16xf32>
    %swap3A_550 = vector.shape_cast %broadcast_in_dim3A_544 : vector<16xf32> to vector<1x16xf32>
    tpu.vector_store %arg11[%swap3A_546, %swap3A_547], %swap3A_550 {strides = array<i32>} : memref<32x128xf32, #tpu.memory_space<vmem>>, vector<1x16xf32>,
    %broadcast_in_dim3A_551 = arith.constant 0.000000e+00 : f32
    %broadcast_in_dim3A_552 = vector.broadcast %broadcast_in_dim3A_551 : f32 to vector<16xf32>
    %swap3A_553 = arith.constant 8 : i32
    %swap3A_554 = arith.index_cast %swap3A_553 : i32 to index
    %swap3A_555 = arith.constant 80 : index
    %swap3A_556 = tpu.vector_load %arg11[%swap3A_554, %swap3A_555] {strides = array<i32>} : memref<32x128xf32, #tpu.memory_space<vmem>>, vector<1x16xf32>,
    %swap3A_557 = vector.shape_cast %swap3A_556 : vector<1x16xf32> to vector<16xf32>
    %swap3A_558 = vector.shape_cast %broadcast_in_dim3A_552 : vector<16xf32> to vector<1x16xf32>
    tpu.vector_store %arg11[%swap3A_554, %swap3A_555], %swap3A_558 {strides = array<i32>} : memref<32x128xf32, #tpu.memory_space<vmem>>, vector<1x16xf32>,
    %broadcast_in_dim3A_559 = arith.constant 0.000000e+00 : f32
    %broadcast_in_dim3A_560 = vector.broadcast %broadcast_in_dim3A_559 : f32 to vector<16xf32>
    %swap3A_561 = arith.constant 8 : i32
    %swap3A_562 = arith.index_cast %swap3A_561 : i32 to index
    %swap3A_563 = arith.constant 96 : index
    %swap3A_564 = tpu.vector_load %arg11[%swap3A_562, %swap3A_563] {strides = array<i32>} : memref<32x128xf32, #tpu.memory_space<vmem>>, vector<1x16xf32>,
    %swap3A_565 = vector.shape_cast %swap3A_564 : vector<1x16xf32> to vector<16xf32>
    %swap3A_566 = vector.shape_cast %broadcast_in_dim3A_560 : vector<16xf32> to vector<1x16xf32>
    tpu.vector_store %arg11[%swap3A_562, %swap3A_563], %swap3A_566 {strides = array<i32>} : memref<32x128xf32, #tpu.memory_space<vmem>>, vector<1x16xf32>,
    %broadcast_in_dim3A_567 = arith.constant 0.000000e+00 : f32
    %broadcast_in_dim3A_568 = vector.broadcast %broadcast_in_dim3A_567 : f32 to vector<16xf32>
    %swap3A_569 = arith.constant 8 : i32
    %swap3A_570 = arith.index_cast %swap3A_569 : i32 to index
    %swap3A_571 = arith.constant 112 : index
    %swap3A_572 = tpu.vector_load %arg11[%swap3A_570, %swap3A_571] {strides = array<i32>} : memref<32x128xf32, #tpu.memory_space<vmem>>, vector<1x16xf32>,
    %swap3A_573 = vector.shape_cast %swap3A_572 : vector<1x16xf32> to vector<16xf32>
    %swap3A_574 = vector.shape_cast %broadcast_in_dim3A_568 : vector<16xf32> to vector<1x16xf32>
    tpu.vector_store %arg11[%swap3A_570, %swap3A_571], %swap3A_574 {strides = array<i32>} : memref<32x128xf32, #tpu.memory_space<vmem>>, vector<1x16xf32>,
    %broadcast_in_dim3A_575 = arith.constant 0.000000e+00 : f32
    %broadcast_in_dim3A_576 = vector.broadcast %broadcast_in_dim3A_575 : f32 to vector<16xf32>
    %swap3A_577 = arith.constant 9 : i32
    %swap3A_578 = arith.index_cast %swap3A_577 : i32 to index
    %swap3A_579 = arith.constant 0 : index
    %swap3A_580 = tpu.vector_load %arg11[%swap3A_578, %swap3A_579] {strides = array<i32>} : memref<32x128xf32, #tpu.memory_space<vmem>>, vector<1x16xf32>,
    %swap3A_581 = vector.shape_cast %swap3A_580 : vector<1x16xf32> to vector<16xf32>
    %swap3A_582 = vector.shape_cast %broadcast_in_dim3A_576 : vector<16xf32> to vector<1x16xf32>
    tpu.vector_store %arg11[%swap3A_578, %swap3A_579], %swap3A_582 {strides = array<i32>} : memref<32x128xf32, #tpu.memory_space<vmem>>, vector<1x16xf32>,
    %broadcast_in_dim3A_583 = arith.constant 0.000000e+00 : f32
    %broadcast_in_dim3A_584 = vector.broadcast %broadcast_in_dim3A_583 : f32 to vector<16xf32>
    %swap3A_585 = arith.constant 9 : i32
    %swap3A_586 = arith.index_cast %swap3A_585 : i32 to index
    %swap3A_587 = arith.constant 16 : index
    %swap3A_588 = tpu.vector_load %arg11[%swap3A_586, %swap3A_587] {strides = array<i32>} : memref<32x128xf32, #tpu.memory_space<vmem>>, vector<1x16xf32>,
    %swap3A_589 = vector.shape_cast %swap3A_588 : vector<1x16xf32> to vector<16xf32>
    %swap3A_590 = vector.shape_cast %broadcast_in_dim3A_584 : vector<16xf32> to vector<1x16xf32>
    tpu.vector_store %arg11[%swap3A_586, %swap3A_587], %swap3A_590 {strides = array<i32>} : memref<32x128xf32, #tpu.memory_space<vmem>>, vector<1x16xf32>,
    %broadcast_in_dim3A_591 = arith.constant 0.000000e+00 : f32
    %broadcast_in_dim3A_592 = vector.broadcast %broadcast_in_dim3A_591 : f32 to vector<16xf32>
    %swap3A_593 = arith.constant 9 : i32
    %swap3A_594 = arith.index_cast %swap3A_593 : i32 to index
    %swap3A_595 = arith.constant 32 : index
    %swap3A_596 = tpu.vector_load %arg11[%swap3A_594, %swap3A_595] {strides = array<i32>} : memref<32x128xf32, #tpu.memory_space<vmem>>, vector<1x16xf32>,
    %swap3A_597 = vector.shape_cast %swap3A_596 : vector<1x16xf32> to vector<16xf32>
    %swap3A_598 = vector.shape_cast %broadcast_in_dim3A_592 : vector<16xf32> to vector<1x16xf32>
    tpu.vector_store %arg11[%swap3A_594, %swap3A_595], %swap3A_598 {strides = array<i32>} : memref<32x128xf32, #tpu.memory_space<vmem>>, vector<1x16xf32>,
    %broadcast_in_dim3A_599 = arith.constant 0.000000e+00 : f32
    %broadcast_in_dim3A_600 = vector.broadcast %broadcast_in_dim3A_599 : f32 to vector<16xf32>
    %swap3A_601 = arith.constant 9 : i32
    %swap3A_602 = arith.index_cast %swap3A_601 : i32 to index
    %swap3A_603 = arith.constant 48 : index
    %swap3A_604 = tpu.vector_load %arg11[%swap3A_602, %swap3A_603] {strides = array<i32>} : memref<32x128xf32, #tpu.memory_space<vmem>>, vector<1x16xf32>,
    %swap3A_605 = vector.shape_cast %swap3A_604 : vector<1x16xf32> to vector<16xf32>
    %swap3A_606 = vector.shape_cast %broadcast_in_dim3A_600 : vector<16xf32> to vector<1x16xf32>
    tpu.vector_store %arg11[%swap3A_602, %swap3A_603], %swap3A_606 {strides = array<i32>} : memref<32x128xf32, #tpu.memory_space<vmem>>, vector<1x16xf32>,
    %broadcast_in_dim3A_607 = arith.constant 0.000000e+00 : f32
    %broadcast_in_dim3A_608 = vector.broadcast %broadcast_in_dim3A_607 : f32 to vector<16xf32>
    %swap3A_609 = arith.constant 9 : i32
    %swap3A_610 = arith.index_cast %swap3A_609 : i32 to index
    %swap3A_611 = arith.constant 64 : index
    %swap3A_612 = tpu.vector_load %arg11[%swap3A_610, %swap3A_611] {strides = array<i32>} : memref<32x128xf32, #tpu.memory_space<vmem>>, vector<1x16xf32>,
    %swap3A_613 = vector.shape_cast %swap3A_612 : vector<1x16xf32> to vector<16xf32>
    %swap3A_614 = vector.shape_cast %broadcast_in_dim3A_608 : vector<16xf32> to vector<1x16xf32>
    tpu.vector_store %arg11[%swap3A_610, %swap3A_611], %swap3A_614 {strides = array<i32>} : memref<32x128xf32, #tpu.memory_space<vmem>>, vector<1x16xf32>,
    %broadcast_in_dim3A_615 = arith.constant 0.000000e+00 : f32
    %broadcast_in_dim3A_616 = vector.broadcast %broadcast_in_dim3A_615 : f32 to vector<16xf32>
    %swap3A_617 = arith.constant 9 : i32
    %swap3A_618 = arith.index_cast %swap3A_617 : i32 to index
    %swap3A_619 = arith.constant 80 : index
    %swap3A_620 = tpu.vector_load %arg11[%swap3A_618, %swap3A_619] {strides = array<i32>} : memref<32x128xf32, #tpu.memory_space<vmem>>, vector<1x16xf32>,
    %swap3A_621 = vector.shape_cast %swap3A_620 : vector<1x16xf32> to vector<16xf32>
    %swap3A_622 = vector.shape_cast %broadcast_in_dim3A_616 : vector<16xf32> to vector<1x16xf32>
    tpu.vector_store %arg11[%swap3A_618, %swap3A_619], %swap3A_622 {strides = array<i32>} : memref<32x128xf32, #tpu.memory_space<vmem>>, vector<1x16xf32>,
    %broadcast_in_dim3A_623 = arith.constant 0.000000e+00 : f32
    %broadcast_in_dim3A_624 = vector.broadcast %broadcast_in_dim3A_623 : f32 to vector<16xf32>
    %swap3A_625 = arith.constant 9 : i32
    %swap3A_626 = arith.index_cast %swap3A_625 : i32 to index
    %swap3A_627 = arith.constant 96 : index
    %swap3A_628 = tpu.vector_load %arg11[%swap3A_626, %swap3A_627] {strides = array<i32>} : memref<32x128xf32, #tpu.memory_space<vmem>>, vector<1x16xf32>,
    %swap3A_629 = vector.shape_cast %swap3A_628 : vector<1x16xf32> to vector<16xf32>
    %swap3A_630 = vector.shape_cast %broadcast_in_dim3A_624 : vector<16xf32> to vector<1x16xf32>
    tpu.vector_store %arg11[%swap3A_626, %swap3A_627], %swap3A_630 {strides = array<i32>} : memref<32x128xf32, #tpu.memory_space<vmem>>, vector<1x16xf32>,
    %broadcast_in_dim3A_631 = arith.constant 0.000000e+00 : f32
    %broadcast_in_dim3A_632 = vector.broadcast %broadcast_in_dim3A_631 : f32 to vector<16xf32>
    %swap3A_633 = arith.constant 9 : i32
    %swap3A_634 = arith.index_cast %swap3A_633 : i32 to index
    %swap3A_635 = arith.constant 112 : index
    %swap3A_636 = tpu.vector_load %arg11[%swap3A_634, %swap3A_635] {strides = array<i32>} : memref<32x128xf32, #tpu.memory_space<vmem>>, vector<1x16xf32>,
    %swap3A_637 = vector.shape_cast %swap3A_636 : vector<1x16xf32> to vector<16xf32>
    %swap3A_638 = vector.shape_cast %broadcast_in_dim3A_632 : vector<16xf32> to vector<1x16xf32>
    tpu.vector_store %arg11[%swap3A_634, %swap3A_635], %swap3A_638 {strides = array<i32>} : memref<32x128xf32, #tpu.memory_space<vmem>>, vector<1x16xf32>,
    %broadcast_in_dim3A_639 = arith.constant 0.000000e+00 : f32
    %broadcast_in_dim3A_640 = vector.broadcast %broadcast_in_dim3A_639 : f32 to vector<16xf32>
    %swap3A_641 = arith.constant 10 : i32
    %swap3A_642 = arith.index_cast %swap3A_641 : i32 to index
    %swap3A_643 = arith.constant 0 : index
    %swap3A_644 = tpu.vector_load %arg11[%swap3A_642, %swap3A_643] {strides = array<i32>} : memref<32x128xf32, #tpu.memory_space<vmem>>, vector<1x16xf32>,
    %swap3A_645 = vector.shape_cast %swap3A_644 : vector<1x16xf32> to vector<16xf32>
    %swap3A_646 = vector.shape_cast %broadcast_in_dim3A_640 : vector<16xf32> to vector<1x16xf32>
    tpu.vector_store %arg11[%swap3A_642, %swap3A_643], %swap3A_646 {strides = array<i32>} : memref<32x128xf32, #tpu.memory_space<vmem>>, vector<1x16xf32>,
    %broadcast_in_dim3A_647 = arith.constant 0.000000e+00 : f32
    %broadcast_in_dim3A_648 = vector.broadcast %broadcast_in_dim3A_647 : f32 to vector<16xf32>
    %swap3A_649 = arith.constant 10 : i32
    %swap3A_650 = arith.index_cast %swap3A_649 : i32 to index
    %swap3A_651 = arith.constant 16 : index
    %swap3A_652 = tpu.vector_load %arg11[%swap3A_650, %swap3A_651] {strides = array<i32>} : memref<32x128xf32, #tpu.memory_space<vmem>>, vector<1x16xf32>,
    %swap3A_653 = vector.shape_cast %swap3A_652 : vector<1x16xf32> to vector<16xf32>
    %swap3A_654 = vector.shape_cast %broadcast_in_dim3A_648 : vector<16xf32> to vector<1x16xf32>
    tpu.vector_store %arg11[%swap3A_650, %swap3A_651], %swap3A_654 {strides = array<i32>} : memref<32x128xf32, #tpu.memory_space<vmem>>, vector<1x16xf32>,
    %broadcast_in_dim3A_655 = arith.constant 0.000000e+00 : f32
    %broadcast_in_dim3A_656 = vector.broadcast %broadcast_in_dim3A_655 : f32 to vector<16xf32>
    %swap3A_657 = arith.constant 10 : i32
    %swap3A_658 = arith.index_cast %swap3A_657 : i32 to index
    %swap3A_659 = arith.constant 32 : index
    %swap3A_660 = tpu.vector_load %arg11[%swap3A_658, %swap3A_659] {strides = array<i32>} : memref<32x128xf32, #tpu.memory_space<vmem>>, vector<1x16xf32>,
    %swap3A_661 = vector.shape_cast %swap3A_660 : vector<1x16xf32> to vector<16xf32>
    %swap3A_662 = vector.shape_cast %broadcast_in_dim3A_656 : vector<16xf32> to vector<1x16xf32>
    tpu.vector_store %arg11[%swap3A_658, %swap3A_659], %swap3A_662 {strides = array<i32>} : memref<32x128xf32, #tpu.memory_space<vmem>>, vector<1x16xf32>,
    %broadcast_in_dim3A_663 = arith.constant 0.000000e+00 : f32
    %broadcast_in_dim3A_664 = vector.broadcast %broadcast_in_dim3A_663 : f32 to vector<16xf32>
    %swap3A_665 = arith.constant 10 : i32
    %swap3A_666 = arith.index_cast %swap3A_665 : i32 to index
    %swap3A_667 = arith.constant 48 : index
    %swap3A_668 = tpu.vector_load %arg11[%swap3A_666, %swap3A_667] {strides = array<i32>} : memref<32x128xf32, #tpu.memory_space<vmem>>, vector<1x16xf32>,
    %swap3A_669 = vector.shape_cast %swap3A_668 : vector<1x16xf32> to vector<16xf32>
    %swap3A_670 = vector.shape_cast %broadcast_in_dim3A_664 : vector<16xf32> to vector<1x16xf32>
    tpu.vector_store %arg11[%swap3A_666, %swap3A_667], %swap3A_670 {strides = array<i32>} : memref<32x128xf32, #tpu.memory_space<vmem>>, vector<1x16xf32>,
    %broadcast_in_dim3A_671 = arith.constant 0.000000e+00 : f32
    %broadcast_in_dim3A_672 = vector.broadcast %broadcast_in_dim3A_671 : f32 to vector<16xf32>
    %swap3A_673 = arith.constant 10 : i32
    %swap3A_674 = arith.index_cast %swap3A_673 : i32 to index
    %swap3A_675 = arith.constant 64 : index
    %swap3A_676 = tpu.vector_load %arg11[%swap3A_674, %swap3A_675] {strides = array<i32>} : memref<32x128xf32, #tpu.memory_space<vmem>>, vector<1x16xf32>,
    %swap3A_677 = vector.shape_cast %swap3A_676 : vector<1x16xf32> to vector<16xf32>
    %swap3A_678 = vector.shape_cast %broadcast_in_dim3A_672 : vector<16xf32> to vector<1x16xf32>
    tpu.vector_store %arg11[%swap3A_674, %swap3A_675], %swap3A_678 {strides = array<i32>} : memref<32x128xf32, #tpu.memory_space<vmem>>, vector<1x16xf32>,
    %broadcast_in_dim3A_679 = arith.constant 0.000000e+00 : f32
    %broadcast_in_dim3A_680 = vector.broadcast %broadcast_in_dim3A_679 : f32 to vector<16xf32>
    %swap3A_681 = arith.constant 10 : i32
    %swap3A_682 = arith.index_cast %swap3A_681 : i32 to index
    %swap3A_683 = arith.constant 80 : index
    %swap3A_684 = tpu.vector_load %arg11[%swap3A_682, %swap3A_683] {strides = array<i32>} : memref<32x128xf32, #tpu.memory_space<vmem>>, vector<1x16xf32>,
    %swap3A_685 = vector.shape_cast %swap3A_684 : vector<1x16xf32> to vector<16xf32>
    %swap3A_686 = vector.shape_cast %broadcast_in_dim3A_680 : vector<16xf32> to vector<1x16xf32>
    tpu.vector_store %arg11[%swap3A_682, %swap3A_683], %swap3A_686 {strides = array<i32>} : memref<32x128xf32, #tpu.memory_space<vmem>>, vector<1x16xf32>,
    %broadcast_in_dim3A_687 = arith.constant 0.000000e+00 : f32
    %broadcast_in_dim3A_688 = vector.broadcast %broadcast_in_dim3A_687 : f32 to vector<16xf32>
    %swap3A_689 = arith.constant 10 : i32
    %swap3A_690 = arith.index_cast %swap3A_689 : i32 to index
    %swap3A_691 = arith.constant 96 : index
    %swap3A_692 = tpu.vector_load %arg11[%swap3A_690, %swap3A_691] {strides = array<i32>} : memref<32x128xf32, #tpu.memory_space<vmem>>, vector<1x16xf32>,
    %swap3A_693 = vector.shape_cast %swap3A_692 : vector<1x16xf32> to vector<16xf32>
    %swap3A_694 = vector.shape_cast %broadcast_in_dim3A_688 : vector<16xf32> to vector<1x16xf32>
    tpu.vector_store %arg11[%swap3A_690, %swap3A_691], %swap3A_694 {strides = array<i32>} : memref<32x128xf32, #tpu.memory_space<vmem>>, vector<1x16xf32>,
    %broadcast_in_dim3A_695 = arith.constant 0.000000e+00 : f32
    %broadcast_in_dim3A_696 = vector.broadcast %broadcast_in_dim3A_695 : f32 to vector<16xf32>
    %swap3A_697 = arith.constant 10 : i32
    %swap3A_698 = arith.index_cast %swap3A_697 : i32 to index
    %swap3A_699 = arith.constant 112 : index
    %swap3A_700 = tpu.vector_load %arg11[%swap3A_698, %swap3A_699] {strides = array<i32>} : memref<32x128xf32, #tpu.memory_space<vmem>>, vector<1x16xf32>,
    %swap3A_701 = vector.shape_cast %swap3A_700 : vector<1x16xf32> to vector<16xf32>
    %swap3A_702 = vector.shape_cast %broadcast_in_dim3A_696 : vector<16xf32> to vector<1x16xf32>
    tpu.vector_store %arg11[%swap3A_698, %swap3A_699], %swap3A_702 {strides = array<i32>} : memref<32x128xf32, #tpu.memory_space<vmem>>, vector<1x16xf32>,
    %broadcast_in_dim3A_703 = arith.constant 0.000000e+00 : f32
    %broadcast_in_dim3A_704 = vector.broadcast %broadcast_in_dim3A_703 : f32 to vector<16xf32>
    %swap3A_705 = arith.constant 11 : i32
    %swap3A_706 = arith.index_cast %swap3A_705 : i32 to index
    %swap3A_707 = arith.constant 0 : index
    %swap3A_708 = tpu.vector_load %arg11[%swap3A_706, %swap3A_707] {strides = array<i32>} : memref<32x128xf32, #tpu.memory_space<vmem>>, vector<1x16xf32>,
    %swap3A_709 = vector.shape_cast %swap3A_708 : vector<1x16xf32> to vector<16xf32>
    %swap3A_710 = vector.shape_cast %broadcast_in_dim3A_704 : vector<16xf32> to vector<1x16xf32>
    tpu.vector_store %arg11[%swap3A_706, %swap3A_707], %swap3A_710 {strides = array<i32>} : memref<32x128xf32, #tpu.memory_space<vmem>>, vector<1x16xf32>,
    %broadcast_in_dim3A_711 = arith.constant 0.000000e+00 : f32
    %broadcast_in_dim3A_712 = vector.broadcast %broadcast_in_dim3A_711 : f32 to vector<16xf32>
    %swap3A_713 = arith.constant 11 : i32
    %swap3A_714 = arith.index_cast %swap3A_713 : i32 to index
    %swap3A_715 = arith.constant 16 : index
    %swap3A_716 = tpu.vector_load %arg11[%swap3A_714, %swap3A_715] {strides = array<i32>} : memref<32x128xf32, #tpu.memory_space<vmem>>, vector<1x16xf32>,
    %swap3A_717 = vector.shape_cast %swap3A_716 : vector<1x16xf32> to vector<16xf32>
    %swap3A_718 = vector.shape_cast %broadcast_in_dim3A_712 : vector<16xf32> to vector<1x16xf32>
    tpu.vector_store %arg11[%swap3A_714, %swap3A_715], %swap3A_718 {strides = array<i32>} : memref<32x128xf32, #tpu.memory_space<vmem>>, vector<1x16xf32>,
    %broadcast_in_dim3A_719 = arith.constant 0.000000e+00 : f32
    %broadcast_in_dim3A_720 = vector.broadcast %broadcast_in_dim3A_719 : f32 to vector<16xf32>
    %swap3A_721 = arith.constant 11 : i32
    %swap3A_722 = arith.index_cast %swap3A_721 : i32 to index
    %swap3A_723 = arith.constant 32 : index
    %swap3A_724 = tpu.vector_load %arg11[%swap3A_722, %swap3A_723] {strides = array<i32>} : memref<32x128xf32, #tpu.memory_space<vmem>>, vector<1x16xf32>,
    %swap3A_725 = vector.shape_cast %swap3A_724 : vector<1x16xf32> to vector<16xf32>
    %swap3A_726 = vector.shape_cast %broadcast_in_dim3A_720 : vector<16xf32> to vector<1x16xf32>
    tpu.vector_store %arg11[%swap3A_722, %swap3A_723], %swap3A_726 {strides = array<i32>} : memref<32x128xf32, #tpu.memory_space<vmem>>, vector<1x16xf32>,
    %broadcast_in_dim3A_727 = arith.constant 0.000000e+00 : f32
    %broadcast_in_dim3A_728 = vector.broadcast %broadcast_in_dim3A_727 : f32 to vector<16xf32>
    %swap3A_729 = arith.constant 11 : i32
    %swap3A_730 = arith.index_cast %swap3A_729 : i32 to index
    %swap3A_731 = arith.constant 48 : index
    %swap3A_732 = tpu.vector_load %arg11[%swap3A_730, %swap3A_731] {strides = array<i32>} : memref<32x128xf32, #tpu.memory_space<vmem>>, vector<1x16xf32>,
    %swap3A_733 = vector.shape_cast %swap3A_732 : vector<1x16xf32> to vector<16xf32>
    %swap3A_734 = vector.shape_cast %broadcast_in_dim3A_728 : vector<16xf32> to vector<1x16xf32>
    tpu.vector_store %arg11[%swap3A_730, %swap3A_731], %swap3A_734 {strides = array<i32>} : memref<32x128xf32, #tpu.memory_space<vmem>>, vector<1x16xf32>,
    %broadcast_in_dim3A_735 = arith.constant 0.000000e+00 : f32
    %broadcast_in_dim3A_736 = vector.broadcast %broadcast_in_dim3A_735 : f32 to vector<16xf32>
    %swap3A_737 = arith.constant 11 : i32
    %swap3A_738 = arith.index_cast %swap3A_737 : i32 to index
    %swap3A_739 = arith.constant 64 : index
    %swap3A_740 = tpu.vector_load %arg11[%swap3A_738, %swap3A_739] {strides = array<i32>} : memref<32x128xf32, #tpu.memory_space<vmem>>, vector<1x16xf32>,
    %swap3A_741 = vector.shape_cast %swap3A_740 : vector<1x16xf32> to vector<16xf32>
    %swap3A_742 = vector.shape_cast %broadcast_in_dim3A_736 : vector<16xf32> to vector<1x16xf32>
    tpu.vector_store %arg11[%swap3A_738, %swap3A_739], %swap3A_742 {strides = array<i32>} : memref<32x128xf32, #tpu.memory_space<vmem>>, vector<1x16xf32>,
    %broadcast_in_dim3A_743 = arith.constant 0.000000e+00 : f32
    %broadcast_in_dim3A_744 = vector.broadcast %broadcast_in_dim3A_743 : f32 to vector<16xf32>
    %swap3A_745 = arith.constant 11 : i32
    %swap3A_746 = arith.index_cast %swap3A_745 : i32 to index
    %swap3A_747 = arith.constant 80 : index
    %swap3A_748 = tpu.vector_load %arg11[%swap3A_746, %swap3A_747] {strides = array<i32>} : memref<32x128xf32, #tpu.memory_space<vmem>>, vector<1x16xf32>,
    %swap3A_749 = vector.shape_cast %swap3A_748 : vector<1x16xf32> to vector<16xf32>
    %swap3A_750 = vector.shape_cast %broadcast_in_dim3A_744 : vector<16xf32> to vector<1x16xf32>
    tpu.vector_store %arg11[%swap3A_746, %swap3A_747], %swap3A_750 {strides = array<i32>} : memref<32x128xf32, #tpu.memory_space<vmem>>, vector<1x16xf32>,
    %broadcast_in_dim3A_751 = arith.constant 0.000000e+00 : f32
    %broadcast_in_dim3A_752 = vector.broadcast %broadcast_in_dim3A_751 : f32 to vector<16xf32>
    %swap3A_753 = arith.constant 11 : i32
    %swap3A_754 = arith.index_cast %swap3A_753 : i32 to index
    %swap3A_755 = arith.constant 96 : index
    %swap3A_756 = tpu.vector_load %arg11[%swap3A_754, %swap3A_755] {strides = array<i32>} : memref<32x128xf32, #tpu.memory_space<vmem>>, vector<1x16xf32>,
    %swap3A_757 = vector.shape_cast %swap3A_756 : vector<1x16xf32> to vector<16xf32>
    %swap3A_758 = vector.shape_cast %broadcast_in_dim3A_752 : vector<16xf32> to vector<1x16xf32>
    tpu.vector_store %arg11[%swap3A_754, %swap3A_755], %swap3A_758 {strides = array<i32>} : memref<32x128xf32, #tpu.memory_space<vmem>>, vector<1x16xf32>,
    %broadcast_in_dim3A_759 = arith.constant 0.000000e+00 : f32
    %broadcast_in_dim3A_760 = vector.broadcast %broadcast_in_dim3A_759 : f32 to vector<16xf32>
    %swap3A_761 = arith.constant 11 : i32
    %swap3A_762 = arith.index_cast %swap3A_761 : i32 to index
    %swap3A_763 = arith.constant 112 : index
    %swap3A_764 = tpu.vector_load %arg11[%swap3A_762, %swap3A_763] {strides = array<i32>} : memref<32x128xf32, #tpu.memory_space<vmem>>, vector<1x16xf32>,
    %swap3A_765 = vector.shape_cast %swap3A_764 : vector<1x16xf32> to vector<16xf32>
    %swap3A_766 = vector.shape_cast %broadcast_in_dim3A_760 : vector<16xf32> to vector<1x16xf32>
    tpu.vector_store %arg11[%swap3A_762, %swap3A_763], %swap3A_766 {strides = array<i32>} : memref<32x128xf32, #tpu.memory_space<vmem>>, vector<1x16xf32>,
    %broadcast_in_dim3A_767 = arith.constant 0.000000e+00 : f32
    %broadcast_in_dim3A_768 = vector.broadcast %broadcast_in_dim3A_767 : f32 to vector<16xf32>
    %swap3A_769 = arith.constant 12 : i32
    %swap3A_770 = arith.index_cast %swap3A_769 : i32 to index
    %swap3A_771 = arith.constant 0 : index
    %swap3A_772 = tpu.vector_load %arg11[%swap3A_770, %swap3A_771] {strides = array<i32>} : memref<32x128xf32, #tpu.memory_space<vmem>>, vector<1x16xf32>,
    %swap3A_773 = vector.shape_cast %swap3A_772 : vector<1x16xf32> to vector<16xf32>
    %swap3A_774 = vector.shape_cast %broadcast_in_dim3A_768 : vector<16xf32> to vector<1x16xf32>
    tpu.vector_store %arg11[%swap3A_770, %swap3A_771], %swap3A_774 {strides = array<i32>} : memref<32x128xf32, #tpu.memory_space<vmem>>, vector<1x16xf32>,
    %broadcast_in_dim3A_775 = arith.constant 0.000000e+00 : f32
    %broadcast_in_dim3A_776 = vector.broadcast %broadcast_in_dim3A_775 : f32 to vector<16xf32>
    %swap3A_777 = arith.constant 12 : i32
    %swap3A_778 = arith.index_cast %swap3A_777 : i32 to index
    %swap3A_779 = arith.constant 16 : index
    %swap3A_780 = tpu.vector_load %arg11[%swap3A_778, %swap3A_779] {strides = array<i32>} : memref<32x128xf32, #tpu.memory_space<vmem>>, vector<1x16xf32>,
    %swap3A_781 = vector.shape_cast %swap3A_780 : vector<1x16xf32> to vector<16xf32>
    %swap3A_782 = vector.shape_cast %broadcast_in_dim3A_776 : vector<16xf32> to vector<1x16xf32>
    tpu.vector_store %arg11[%swap3A_778, %swap3A_779], %swap3A_782 {strides = array<i32>} : memref<32x128xf32, #tpu.memory_space<vmem>>, vector<1x16xf32>,
    %broadcast_in_dim3A_783 = arith.constant 0.000000e+00 : f32
    %broadcast_in_dim3A_784 = vector.broadcast %broadcast_in_dim3A_783 : f32 to vector<16xf32>
    %swap3A_785 = arith.constant 12 : i32
    %swap3A_786 = arith.index_cast %swap3A_785 : i32 to index
    %swap3A_787 = arith.constant 32 : index
    %swap3A_788 = tpu.vector_load %arg11[%swap3A_786, %swap3A_787] {strides = array<i32>} : memref<32x128xf32, #tpu.memory_space<vmem>>, vector<1x16xf32>,
    %swap3A_789 = vector.shape_cast %swap3A_788 : vector<1x16xf32> to vector<16xf32>
    %swap3A_790 = vector.shape_cast %broadcast_in_dim3A_784 : vector<16xf32> to vector<1x16xf32>
    tpu.vector_store %arg11[%swap3A_786, %swap3A_787], %swap3A_790 {strides = array<i32>} : memref<32x128xf32, #tpu.memory_space<vmem>>, vector<1x16xf32>,
    %broadcast_in_dim3A_791 = arith.constant 0.000000e+00 : f32
    %broadcast_in_dim3A_792 = vector.broadcast %broadcast_in_dim3A_791 : f32 to vector<16xf32>
    %swap3A_793 = arith.constant 12 : i32
    %swap3A_794 = arith.index_cast %swap3A_793 : i32 to index
    %swap3A_795 = arith.constant 48 : index
    %swap3A_796 = tpu.vector_load %arg11[%swap3A_794, %swap3A_795] {strides = array<i32>} : memref<32x128xf32, #tpu.memory_space<vmem>>, vector<1x16xf32>,
    %swap3A_797 = vector.shape_cast %swap3A_796 : vector<1x16xf32> to vector<16xf32>
    %swap3A_798 = vector.shape_cast %broadcast_in_dim3A_792 : vector<16xf32> to vector<1x16xf32>
    tpu.vector_store %arg11[%swap3A_794, %swap3A_795], %swap3A_798 {strides = array<i32>} : memref<32x128xf32, #tpu.memory_space<vmem>>, vector<1x16xf32>,
    %broadcast_in_dim3A_799 = arith.constant 0.000000e+00 : f32
    %broadcast_in_dim3A_800 = vector.broadcast %broadcast_in_dim3A_799 : f32 to vector<16xf32>
    %swap3A_801 = arith.constant 12 : i32
    %swap3A_802 = arith.index_cast %swap3A_801 : i32 to index
    %swap3A_803 = arith.constant 64 : index
    %swap3A_804 = tpu.vector_load %arg11[%swap3A_802, %swap3A_803] {strides = array<i32>} : memref<32x128xf32, #tpu.memory_space<vmem>>, vector<1x16xf32>,
    %swap3A_805 = vector.shape_cast %swap3A_804 : vector<1x16xf32> to vector<16xf32>
    %swap3A_806 = vector.shape_cast %broadcast_in_dim3A_800 : vector<16xf32> to vector<1x16xf32>
    tpu.vector_store %arg11[%swap3A_802, %swap3A_803], %swap3A_806 {strides = array<i32>} : memref<32x128xf32, #tpu.memory_space<vmem>>, vector<1x16xf32>,
    %broadcast_in_dim3A_807 = arith.constant 0.000000e+00 : f32
    %broadcast_in_dim3A_808 = vector.broadcast %broadcast_in_dim3A_807 : f32 to vector<16xf32>
    %swap3A_809 = arith.constant 12 : i32
    %swap3A_810 = arith.index_cast %swap3A_809 : i32 to index
    %swap3A_811 = arith.constant 80 : index
    %swap3A_812 = tpu.vector_load %arg11[%swap3A_810, %swap3A_811] {strides = array<i32>} : memref<32x128xf32, #tpu.memory_space<vmem>>, vector<1x16xf32>,
    %swap3A_813 = vector.shape_cast %swap3A_812 : vector<1x16xf32> to vector<16xf32>
    %swap3A_814 = vector.shape_cast %broadcast_in_dim3A_808 : vector<16xf32> to vector<1x16xf32>
    tpu.vector_store %arg11[%swap3A_810, %swap3A_811], %swap3A_814 {strides = array<i32>} : memref<32x128xf32, #tpu.memory_space<vmem>>, vector<1x16xf32>,
    %broadcast_in_dim3A_815 = arith.constant 0.000000e+00 : f32
    %broadcast_in_dim3A_816 = vector.broadcast %broadcast_in_dim3A_815 : f32 to vector<16xf32>
    %swap3A_817 = arith.constant 12 : i32
    %swap3A_818 = arith.index_cast %swap3A_817 : i32 to index
    %swap3A_819 = arith.constant 96 : index
    %swap3A_820 = tpu.vector_load %arg11[%swap3A_818, %swap3A_819] {strides = array<i32>} : memref<32x128xf32, #tpu.memory_space<vmem>>, vector<1x16xf32>,
    %swap3A_821 = vector.shape_cast %swap3A_820 : vector<1x16xf32> to vector<16xf32>
    %swap3A_822 = vector.shape_cast %broadcast_in_dim3A_816 : vector<16xf32> to vector<1x16xf32>
    tpu.vector_store %arg11[%swap3A_818, %swap3A_819], %swap3A_822 {strides = array<i32>} : memref<32x128xf32, #tpu.memory_space<vmem>>, vector<1x16xf32>,
    %broadcast_in_dim3A_823 = arith.constant 0.000000e+00 : f32
    %broadcast_in_dim3A_824 = vector.broadcast %broadcast_in_dim3A_823 : f32 to vector<16xf32>
    %swap3A_825 = arith.constant 12 : i32
    %swap3A_826 = arith.index_cast %swap3A_825 : i32 to index
    %swap3A_827 = arith.constant 112 : index
    %swap3A_828 = tpu.vector_load %arg11[%swap3A_826, %swap3A_827] {strides = array<i32>} : memref<32x128xf32, #tpu.memory_space<vmem>>, vector<1x16xf32>,
    %swap3A_829 = vector.shape_cast %swap3A_828 : vector<1x16xf32> to vector<16xf32>
    %swap3A_830 = vector.shape_cast %broadcast_in_dim3A_824 : vector<16xf32> to vector<1x16xf32>
    tpu.vector_store %arg11[%swap3A_826, %swap3A_827], %swap3A_830 {strides = array<i32>} : memref<32x128xf32, #tpu.memory_space<vmem>>, vector<1x16xf32>,
    %broadcast_in_dim3A_831 = arith.constant 0.000000e+00 : f32
    %broadcast_in_dim3A_832 = vector.broadcast %broadcast_in_dim3A_831 : f32 to vector<16xf32>
    %swap3A_833 = arith.constant 13 : i32
    %swap3A_834 = arith.index_cast %swap3A_833 : i32 to index
    %swap3A_835 = arith.constant 0 : index
    %swap3A_836 = tpu.vector_load %arg11[%swap3A_834, %swap3A_835] {strides = array<i32>} : memref<32x128xf32, #tpu.memory_space<vmem>>, vector<1x16xf32>,
    %swap3A_837 = vector.shape_cast %swap3A_836 : vector<1x16xf32> to vector<16xf32>
    %swap3A_838 = vector.shape_cast %broadcast_in_dim3A_832 : vector<16xf32> to vector<1x16xf32>
    tpu.vector_store %arg11[%swap3A_834, %swap3A_835], %swap3A_838 {strides = array<i32>} : memref<32x128xf32, #tpu.memory_space<vmem>>, vector<1x16xf32>,
    %broadcast_in_dim3A_839 = arith.constant 0.000000e+00 : f32
    %broadcast_in_dim3A_840 = vector.broadcast %broadcast_in_dim3A_839 : f32 to vector<16xf32>
    %swap3A_841 = arith.constant 13 : i32
    %swap3A_842 = arith.index_cast %swap3A_841 : i32 to index
    %swap3A_843 = arith.constant 16 : index
    %swap3A_844 = tpu.vector_load %arg11[%swap3A_842, %swap3A_843] {strides = array<i32>} : memref<32x128xf32, #tpu.memory_space<vmem>>, vector<1x16xf32>,
    %swap3A_845 = vector.shape_cast %swap3A_844 : vector<1x16xf32> to vector<16xf32>
    %swap3A_846 = vector.shape_cast %broadcast_in_dim3A_840 : vector<16xf32> to vector<1x16xf32>
    tpu.vector_store %arg11[%swap3A_842, %swap3A_843], %swap3A_846 {strides = array<i32>} : memref<32x128xf32, #tpu.memory_space<vmem>>, vector<1x16xf32>,
    %broadcast_in_dim3A_847 = arith.constant 0.000000e+00 : f32
    %broadcast_in_dim3A_848 = vector.broadcast %broadcast_in_dim3A_847 : f32 to vector<16xf32>
    %swap3A_849 = arith.constant 13 : i32
    %swap3A_850 = arith.index_cast %swap3A_849 : i32 to index
    %swap3A_851 = arith.constant 32 : index
    %swap3A_852 = tpu.vector_load %arg11[%swap3A_850, %swap3A_851] {strides = array<i32>} : memref<32x128xf32, #tpu.memory_space<vmem>>, vector<1x16xf32>,
    %swap3A_853 = vector.shape_cast %swap3A_852 : vector<1x16xf32> to vector<16xf32>
    %swap3A_854 = vector.shape_cast %broadcast_in_dim3A_848 : vector<16xf32> to vector<1x16xf32>
    tpu.vector_store %arg11[%swap3A_850, %swap3A_851], %swap3A_854 {strides = array<i32>} : memref<32x128xf32, #tpu.memory_space<vmem>>, vector<1x16xf32>,
    %broadcast_in_dim3A_855 = arith.constant 0.000000e+00 : f32
    %broadcast_in_dim3A_856 = vector.broadcast %broadcast_in_dim3A_855 : f32 to vector<16xf32>
    %swap3A_857 = arith.constant 13 : i32
    %swap3A_858 = arith.index_cast %swap3A_857 : i32 to index
    %swap3A_859 = arith.constant 48 : index
    %swap3A_860 = tpu.vector_load %arg11[%swap3A_858, %swap3A_859] {strides = array<i32>} : memref<32x128xf32, #tpu.memory_space<vmem>>, vector<1x16xf32>,
    %swap3A_861 = vector.shape_cast %swap3A_860 : vector<1x16xf32> to vector<16xf32>
    %swap3A_862 = vector.shape_cast %broadcast_in_dim3A_856 : vector<16xf32> to vector<1x16xf32>
    tpu.vector_store %arg11[%swap3A_858, %swap3A_859], %swap3A_862 {strides = array<i32>} : memref<32x128xf32, #tpu.memory_space<vmem>>, vector<1x16xf32>,
    %broadcast_in_dim3A_863 = arith.constant 0.000000e+00 : f32
    %broadcast_in_dim3A_864 = vector.broadcast %broadcast_in_dim3A_863 : f32 to vector<16xf32>
    %swap3A_865 = arith.constant 13 : i32
    %swap3A_866 = arith.index_cast %swap3A_865 : i32 to index
    %swap3A_867 = arith.constant 64 : index
    %swap3A_868 = tpu.vector_load %arg11[%swap3A_866, %swap3A_867] {strides = array<i32>} : memref<32x128xf32, #tpu.memory_space<vmem>>, vector<1x16xf32>,
    %swap3A_869 = vector.shape_cast %swap3A_868 : vector<1x16xf32> to vector<16xf32>
    %swap3A_870 = vector.shape_cast %broadcast_in_dim3A_864 : vector<16xf32> to vector<1x16xf32>
    tpu.vector_store %arg11[%swap3A_866, %swap3A_867], %swap3A_870 {strides = array<i32>} : memref<32x128xf32, #tpu.memory_space<vmem>>, vector<1x16xf32>,
    %broadcast_in_dim3A_871 = arith.constant 0.000000e+00 : f32
    %broadcast_in_dim3A_872 = vector.broadcast %broadcast_in_dim3A_871 : f32 to vector<16xf32>
    %swap3A_873 = arith.constant 13 : i32
    %swap3A_874 = arith.index_cast %swap3A_873 : i32 to index
    %swap3A_875 = arith.constant 80 : index
    %swap3A_876 = tpu.vector_load %arg11[%swap3A_874, %swap3A_875] {strides = array<i32>} : memref<32x128xf32, #tpu.memory_space<vmem>>, vector<1x16xf32>,
    %swap3A_877 = vector.shape_cast %swap3A_876 : vector<1x16xf32> to vector<16xf32>
    %swap3A_878 = vector.shape_cast %broadcast_in_dim3A_872 : vector<16xf32> to vector<1x16xf32>
    tpu.vector_store %arg11[%swap3A_874, %swap3A_875], %swap3A_878 {strides = array<i32>} : memref<32x128xf32, #tpu.memory_space<vmem>>, vector<1x16xf32>,
    %broadcast_in_dim3A_879 = arith.constant 0.000000e+00 : f32
    %broadcast_in_dim3A_880 = vector.broadcast %broadcast_in_dim3A_879 : f32 to vector<16xf32>
    %swap3A_881 = arith.constant 13 : i32
    %swap3A_882 = arith.index_cast %swap3A_881 : i32 to index
    %swap3A_883 = arith.constant 96 : index
    %swap3A_884 = tpu.vector_load %arg11[%swap3A_882, %swap3A_883] {strides = array<i32>} : memref<32x128xf32, #tpu.memory_space<vmem>>, vector<1x16xf32>,
    %swap3A_885 = vector.shape_cast %swap3A_884 : vector<1x16xf32> to vector<16xf32>
    %swap3A_886 = vector.shape_cast %broadcast_in_dim3A_880 : vector<16xf32> to vector<1x16xf32>
    tpu.vector_store %arg11[%swap3A_882, %swap3A_883], %swap3A_886 {strides = array<i32>} : memref<32x128xf32, #tpu.memory_space<vmem>>, vector<1x16xf32>,
    %broadcast_in_dim3A_887 = arith.constant 0.000000e+00 : f32
    %broadcast_in_dim3A_888 = vector.broadcast %broadcast_in_dim3A_887 : f32 to vector<16xf32>
    %swap3A_889 = arith.constant 13 : i32
    %swap3A_890 = arith.index_cast %swap3A_889 : i32 to index
    %swap3A_891 = arith.constant 112 : index
    %swap3A_892 = tpu.vector_load %arg11[%swap3A_890, %swap3A_891] {strides = array<i32>} : memref<32x128xf32, #tpu.memory_space<vmem>>, vector<1x16xf32>,
    %swap3A_893 = vector.shape_cast %swap3A_892 : vector<1x16xf32> to vector<16xf32>
    %swap3A_894 = vector.shape_cast %broadcast_in_dim3A_888 : vector<16xf32> to vector<1x16xf32>
    tpu.vector_store %arg11[%swap3A_890, %swap3A_891], %swap3A_894 {strides = array<i32>} : memref<32x128xf32, #tpu.memory_space<vmem>>, vector<1x16xf32>,
    %broadcast_in_dim3A_895 = arith.constant 0.000000e+00 : f32
    %broadcast_in_dim3A_896 = vector.broadcast %broadcast_in_dim3A_895 : f32 to vector<16xf32>
    %swap3A_897 = arith.constant 14 : i32
    %swap3A_898 = arith.index_cast %swap3A_897 : i32 to index
    %swap3A_899 = arith.constant 0 : index
    %swap3A_900 = tpu.vector_load %arg11[%swap3A_898, %swap3A_899] {strides = array<i32>} : memref<32x128xf32, #tpu.memory_space<vmem>>, vector<1x16xf32>,
    %swap3A_901 = vector.shape_cast %swap3A_900 : vector<1x16xf32> to vector<16xf32>
    %swap3A_902 = vector.shape_cast %broadcast_in_dim3A_896 : vector<16xf32> to vector<1x16xf32>
    tpu.vector_store %arg11[%swap3A_898, %swap3A_899], %swap3A_902 {strides = array<i32>} : memref<32x128xf32, #tpu.memory_space<vmem>>, vector<1x16xf32>,
    %broadcast_in_dim3A_903 = arith.constant 0.000000e+00 : f32
    %broadcast_in_dim3A_904 = vector.broadcast %broadcast_in_dim3A_903 : f32 to vector<16xf32>
    %swap3A_905 = arith.constant 14 : i32
    %swap3A_906 = arith.index_cast %swap3A_905 : i32 to index
    %swap3A_907 = arith.constant 16 : index
    %swap3A_908 = tpu.vector_load %arg11[%swap3A_906, %swap3A_907] {strides = array<i32>} : memref<32x128xf32, #tpu.memory_space<vmem>>, vector<1x16xf32>,
    %swap3A_909 = vector.shape_cast %swap3A_908 : vector<1x16xf32> to vector<16xf32>
    %swap3A_910 = vector.shape_cast %broadcast_in_dim3A_904 : vector<16xf32> to vector<1x16xf32>
    tpu.vector_store %arg11[%swap3A_906, %swap3A_907], %swap3A_910 {strides = array<i32>} : memref<32x128xf32, #tpu.memory_space<vmem>>, vector<1x16xf32>,
    %broadcast_in_dim3A_911 = arith.constant 0.000000e+00 : f32
    %broadcast_in_dim3A_912 = vector.broadcast %broadcast_in_dim3A_911 : f32 to vector<16xf32>
    %swap3A_913 = arith.constant 14 : i32
    %swap3A_914 = arith.index_cast %swap3A_913 : i32 to index
    %swap3A_915 = arith.constant 32 : index
    %swap3A_916 = tpu.vector_load %arg11[%swap3A_914, %swap3A_915] {strides = array<i32>} : memref<32x128xf32, #tpu.memory_space<vmem>>, vector<1x16xf32>,
    %swap3A_917 = vector.shape_cast %swap3A_916 : vector<1x16xf32> to vector<16xf32>
    %swap3A_918 = vector.shape_cast %broadcast_in_dim3A_912 : vector<16xf32> to vector<1x16xf32>
    tpu.vector_store %arg11[%swap3A_914, %swap3A_915], %swap3A_918 {strides = array<i32>} : memref<32x128xf32, #tpu.memory_space<vmem>>, vector<1x16xf32>,
    %broadcast_in_dim3A_919 = arith.constant 0.000000e+00 : f32
    %broadcast_in_dim3A_920 = vector.broadcast %broadcast_in_dim3A_919 : f32 to vector<16xf32>
    %swap3A_921 = arith.constant 14 : i32
    %swap3A_922 = arith.index_cast %swap3A_921 : i32 to index
    %swap3A_923 = arith.constant 48 : index
    %swap3A_924 = tpu.vector_load %arg11[%swap3A_922, %swap3A_923] {strides = array<i32>} : memref<32x128xf32, #tpu.memory_space<vmem>>, vector<1x16xf32>,
    %swap3A_925 = vector.shape_cast %swap3A_924 : vector<1x16xf32> to vector<16xf32>
    %swap3A_926 = vector.shape_cast %broadcast_in_dim3A_920 : vector<16xf32> to vector<1x16xf32>
    tpu.vector_store %arg11[%swap3A_922, %swap3A_923], %swap3A_926 {strides = array<i32>} : memref<32x128xf32, #tpu.memory_space<vmem>>, vector<1x16xf32>,
    %broadcast_in_dim3A_927 = arith.constant 0.000000e+00 : f32
    %broadcast_in_dim3A_928 = vector.broadcast %broadcast_in_dim3A_927 : f32 to vector<16xf32>
    %swap3A_929 = arith.constant 14 : i32
    %swap3A_930 = arith.index_cast %swap3A_929 : i32 to index
    %swap3A_931 = arith.constant 64 : index
    %swap3A_932 = tpu.vector_load %arg11[%swap3A_930, %swap3A_931] {strides = array<i32>} : memref<32x128xf32, #tpu.memory_space<vmem>>, vector<1x16xf32>,
    %swap3A_933 = vector.shape_cast %swap3A_932 : vector<1x16xf32> to vector<16xf32>
    %swap3A_934 = vector.shape_cast %broadcast_in_dim3A_928 : vector<16xf32> to vector<1x16xf32>
    tpu.vector_store %arg11[%swap3A_930, %swap3A_931], %swap3A_934 {strides = array<i32>} : memref<32x128xf32, #tpu.memory_space<vmem>>, vector<1x16xf32>,
    %broadcast_in_dim3A_935 = arith.constant 0.000000e+00 : f32
    %broadcast_in_dim3A_936 = vector.broadcast %broadcast_in_dim3A_935 : f32 to vector<16xf32>
    %swap3A_937 = arith.constant 14 : i32
    %swap3A_938 = arith.index_cast %swap3A_937 : i32 to index
    %swap3A_939 = arith.constant 80 : index
    %swap3A_940 = tpu.vector_load %arg11[%swap3A_938, %swap3A_939] {strides = array<i32>} : memref<32x128xf32, #tpu.memory_space<vmem>>, vector<1x16xf32>,
    %swap3A_941 = vector.shape_cast %swap3A_940 : vector<1x16xf32> to vector<16xf32>
    %swap3A_942 = vector.shape_cast %broadcast_in_dim3A_936 : vector<16xf32> to vector<1x16xf32>
    tpu.vector_store %arg11[%swap3A_938, %swap3A_939], %swap3A_942 {strides = array<i32>} : memref<32x128xf32, #tpu.memory_space<vmem>>, vector<1x16xf32>,
    %broadcast_in_dim3A_943 = arith.constant 0.000000e+00 : f32
    %broadcast_in_dim3A_944 = vector.broadcast %broadcast_in_dim3A_943 : f32 to vector<16xf32>
    %swap3A_945 = arith.constant 14 : i32
    %swap3A_946 = arith.index_cast %swap3A_945 : i32 to index
    %swap3A_947 = arith.constant 96 : index
    %swap3A_948 = tpu.vector_load %arg11[%swap3A_946, %swap3A_947] {strides = array<i32>} : memref<32x128xf32, #tpu.memory_space<vmem>>, vector<1x16xf32>,
    %swap3A_949 = vector.shape_cast %swap3A_948 : vector<1x16xf32> to vector<16xf32>
    %swap3A_950 = vector.shape_cast %broadcast_in_dim3A_944 : vector<16xf32> to vector<1x16xf32>
    tpu.vector_store %arg11[%swap3A_946, %swap3A_947], %swap3A_950 {strides = array<i32>} : memref<32x128xf32, #tpu.memory_space<vmem>>, vector<1x16xf32>,
    %broadcast_in_dim3A_951 = arith.constant 0.000000e+00 : f32
    %broadcast_in_dim3A_952 = vector.broadcast %broadcast_in_dim3A_951 : f32 to vector<16xf32>
    %swap3A_953 = arith.constant 14 : i32
    %swap3A_954 = arith.index_cast %swap3A_953 : i32 to index
    %swap3A_955 = arith.constant 112 : index
    %swap3A_956 = tpu.vector_load %arg11[%swap3A_954, %swap3A_955] {strides = array<i32>} : memref<32x128xf32, #tpu.memory_space<vmem>>, vector<1x16xf32>,
    %swap3A_957 = vector.shape_cast %swap3A_956 : vector<1x16xf32> to vector<16xf32>
    %swap3A_958 = vector.shape_cast %broadcast_in_dim3A_952 : vector<16xf32> to vector<1x16xf32>
    tpu.vector_store %arg11[%swap3A_954, %swap3A_955], %swap3A_958 {strides = array<i32>} : memref<32x128xf32, #tpu.memory_space<vmem>>, vector<1x16xf32>,
    %broadcast_in_dim3A_959 = arith.constant 0.000000e+00 : f32
    %broadcast_in_dim3A_960 = vector.broadcast %broadcast_in_dim3A_959 : f32 to vector<16xf32>
    %swap3A_961 = arith.constant 15 : i32
    %swap3A_962 = arith.index_cast %swap3A_961 : i32 to index
    %swap3A_963 = arith.constant 0 : index
    %swap3A_964 = tpu.vector_load %arg11[%swap3A_962, %swap3A_963] {strides = array<i32>} : memref<32x128xf32, #tpu.memory_space<vmem>>, vector<1x16xf32>,
    %swap3A_965 = vector.shape_cast %swap3A_964 : vector<1x16xf32> to vector<16xf32>
    %swap3A_966 = vector.shape_cast %broadcast_in_dim3A_960 : vector<16xf32> to vector<1x16xf32>
    tpu.vector_store %arg11[%swap3A_962, %swap3A_963], %swap3A_966 {strides = array<i32>} : memref<32x128xf32, #tpu.memory_space<vmem>>, vector<1x16xf32>,
    %broadcast_in_dim3A_967 = arith.constant 0.000000e+00 : f32
    %broadcast_in_dim3A_968 = vector.broadcast %broadcast_in_dim3A_967 : f32 to vector<16xf32>
    %swap3A_969 = arith.constant 15 : i32
    %swap3A_970 = arith.index_cast %swap3A_969 : i32 to index
    %swap3A_971 = arith.constant 16 : index
    %swap3A_972 = tpu.vector_load %arg11[%swap3A_970, %swap3A_971] {strides = array<i32>} : memref<32x128xf32, #tpu.memory_space<vmem>>, vector<1x16xf32>,
    %swap3A_973 = vector.shape_cast %swap3A_972 : vector<1x16xf32> to vector<16xf32>
    %swap3A_974 = vector.shape_cast %broadcast_in_dim3A_968 : vector<16xf32> to vector<1x16xf32>
    tpu.vector_store %arg11[%swap3A_970, %swap3A_971], %swap3A_974 {strides = array<i32>} : memref<32x128xf32, #tpu.memory_space<vmem>>, vector<1x16xf32>,
    %broadcast_in_dim3A_975 = arith.constant 0.000000e+00 : f32
    %broadcast_in_dim3A_976 = vector.broadcast %broadcast_in_dim3A_975 : f32 to vector<16xf32>
    %swap3A_977 = arith.constant 15 : i32
    %swap3A_978 = arith.index_cast %swap3A_977 : i32 to index
    %swap3A_979 = arith.constant 32 : index
    %swap3A_980 = tpu.vector_load %arg11[%swap3A_978, %swap3A_979] {strides = array<i32>} : memref<32x128xf32, #tpu.memory_space<vmem>>, vector<1x16xf32>,
    %swap3A_981 = vector.shape_cast %swap3A_980 : vector<1x16xf32> to vector<16xf32>
    %swap3A_982 = vector.shape_cast %broadcast_in_dim3A_976 : vector<16xf32> to vector<1x16xf32>
    tpu.vector_store %arg11[%swap3A_978, %swap3A_979], %swap3A_982 {strides = array<i32>} : memref<32x128xf32, #tpu.memory_space<vmem>>, vector<1x16xf32>,
    %broadcast_in_dim3A_983 = arith.constant 0.000000e+00 : f32
    %broadcast_in_dim3A_984 = vector.broadcast %broadcast_in_dim3A_983 : f32 to vector<16xf32>
    %swap3A_985 = arith.constant 15 : i32
    %swap3A_986 = arith.index_cast %swap3A_985 : i32 to index
    %swap3A_987 = arith.constant 48 : index
    %swap3A_988 = tpu.vector_load %arg11[%swap3A_986, %swap3A_987] {strides = array<i32>} : memref<32x128xf32, #tpu.memory_space<vmem>>, vector<1x16xf32>,
    %swap3A_989 = vector.shape_cast %swap3A_988 : vector<1x16xf32> to vector<16xf32>
    %swap3A_990 = vector.shape_cast %broadcast_in_dim3A_984 : vector<16xf32> to vector<1x16xf32>
    tpu.vector_store %arg11[%swap3A_986, %swap3A_987], %swap3A_990 {strides = array<i32>} : memref<32x128xf32, #tpu.memory_space<vmem>>, vector<1x16xf32>,
    %broadcast_in_dim3A_991 = arith.constant 0.000000e+00 : f32
    %broadcast_in_dim3A_992 = vector.broadcast %broadcast_in_dim3A_991 : f32 to vector<16xf32>
    %swap3A_993 = arith.constant 15 : i32
    %swap3A_994 = arith.index_cast %swap3A_993 : i32 to index
    %swap3A_995 = arith.constant 64 : index
    %swap3A_996 = tpu.vector_load %arg11[%swap3A_994, %swap3A_995] {strides = array<i32>} : memref<32x128xf32, #tpu.memory_space<vmem>>, vector<1x16xf32>,
    %swap3A_997 = vector.shape_cast %swap3A_996 : vector<1x16xf32> to vector<16xf32>
    %swap3A_998 = vector.shape_cast %broadcast_in_dim3A_992 : vector<16xf32> to vector<1x16xf32>
    tpu.vector_store %arg11[%swap3A_994, %swap3A_995], %swap3A_998 {strides = array<i32>} : memref<32x128xf32, #tpu.memory_space<vmem>>, vector<1x16xf32>,
    %broadcast_in_dim3A_999 = arith.constant 0.000000e+00 : f32
    %broadcast_in_dim3A_1000 = vector.broadcast %broadcast_in_dim3A_999 : f32 to vector<16xf32>
    %swap3A_1001 = arith.constant 15 : i32
    %swap3A_1002 = arith.index_cast %swap3A_1001 : i32 to index
    %swap3A_1003 = arith.constant 80 : index
    %swap3A_1004 = tpu.vector_load %arg11[%swap3A_1002, %swap3A_1003] {strides = array<i32>} : memref<32x128xf32, #tpu.memory_space<vmem>>, vector<1x16xf32>,
    %swap3A_1005 = vector.shape_cast %swap3A_1004 : vector<1x16xf32> to vector<16xf32>
    %swap3A_1006 = vector.shape_cast %broadcast_in_dim3A_1000 : vector<16xf32> to vector<1x16xf32>
    tpu.vector_store %arg11[%swap3A_1002, %swap3A_1003], %swap3A_1006 {strides = array<i32>} : memref<32x128xf32, #tpu.memory_space<vmem>>, vector<1x16xf32>,
    %broadcast_in_dim3A_1007 = arith.constant 0.000000e+00 : f32
    %broadcast_in_dim3A_1008 = vector.broadcast %broadcast_in_dim3A_1007 : f32 to vector<16xf32>
    %swap3A_1009 = arith.constant 15 : i32
    %swap3A_1010 = arith.index_cast %swap3A_1009 : i32 to index
    %swap3A_1011 = arith.constant 96 : index
    %swap3A_1012 = tpu.vector_load %arg11[%swap3A_1010, %swap3A_1011] {strides = array<i32>} : memref<32x128xf32, #tpu.memory_space<vmem>>, vector<1x16xf32>,
    %swap3A_1013 = vector.shape_cast %swap3A_1012 : vector<1x16xf32> to vector<16xf32>
    %swap3A_1014 = vector.shape_cast %broadcast_in_dim3A_1008 : vector<16xf32> to vector<1x16xf32>
    tpu.vector_store %arg11[%swap3A_1010, %swap3A_1011], %swap3A_1014 {strides = array<i32>} : memref<32x128xf32, #tpu.memory_space<vmem>>, vector<1x16xf32>,
    %broadcast_in_dim3A_1015 = arith.constant 0.000000e+00 : f32
    %broadcast_in_dim3A_1016 = vector.broadcast %broadcast_in_dim3A_1015 : f32 to vector<16xf32>
    %swap3A_1017 = arith.constant 15 : i32
    %swap3A_1018 = arith.index_cast %swap3A_1017 : i32 to index
    %swap3A_1019 = arith.constant 112 : index
    %swap3A_1020 = tpu.vector_load %arg11[%swap3A_1018, %swap3A_1019] {strides = array<i32>} : memref<32x128xf32, #tpu.memory_space<vmem>>, vector<1x16xf32>,
    %swap3A_1021 = vector.shape_cast %swap3A_1020 : vector<1x16xf32> to vector<16xf32>
    %swap3A_1022 = vector.shape_cast %broadcast_in_dim3A_1016 : vector<16xf32> to vector<1x16xf32>
    tpu.vector_store %arg11[%swap3A_1018, %swap3A_1019], %swap3A_1022 {strides = array<i32>} : memref<32x128xf32, #tpu.memory_space<vmem>>, vector<1x16xf32>,
    %broadcast_in_dim3A_1023 = arith.constant 0.000000e+00 : f32
    %broadcast_in_dim3A_1024 = vector.broadcast %broadcast_in_dim3A_1023 : f32 to vector<16xf32>
    %swap3A_1025 = arith.constant 16 : i32
    %swap3A_1026 = arith.index_cast %swap3A_1025 : i32 to index
    %swap3A_1027 = arith.constant 0 : index
    %swap3A_1028 = tpu.vector_load %arg11[%swap3A_1026, %swap3A_1027] {strides = array<i32>} : memref<32x128xf32, #tpu.memory_space<vmem>>, vector<1x16xf32>,
    %swap3A_1029 = vector.shape_cast %swap3A_1028 : vector<1x16xf32> to vector<16xf32>
    %swap3A_1030 = vector.shape_cast %broadcast_in_dim3A_1024 : vector<16xf32> to vector<1x16xf32>
    tpu.vector_store %arg11[%swap3A_1026, %swap3A_1027], %swap3A_1030 {strides = array<i32>} : memref<32x128xf32, #tpu.memory_space<vmem>>, vector<1x16xf32>,
    %broadcast_in_dim3A_1031 = arith.constant 0.000000e+00 : f32
    %broadcast_in_dim3A_1032 = vector.broadcast %broadcast_in_dim3A_1031 : f32 to vector<16xf32>
    %swap3A_1033 = arith.constant 16 : i32
    %swap3A_1034 = arith.index_cast %swap3A_1033 : i32 to index
    %swap3A_1035 = arith.constant 16 : index
    %swap3A_1036 = tpu.vector_load %arg11[%swap3A_1034, %swap3A_1035] {strides = array<i32>} : memref<32x128xf32, #tpu.memory_space<vmem>>, vector<1x16xf32>,
    %swap3A_1037 = vector.shape_cast %swap3A_1036 : vector<1x16xf32> to vector<16xf32>
    %swap3A_1038 = vector.shape_cast %broadcast_in_dim3A_1032 : vector<16xf32> to vector<1x16xf32>
    tpu.vector_store %arg11[%swap3A_1034, %swap3A_1035], %swap3A_1038 {strides = array<i32>} : memref<32x128xf32, #tpu.memory_space<vmem>>, vector<1x16xf32>,
    %broadcast_in_dim3A_1039 = arith.constant 0.000000e+00 : f32
    %broadcast_in_dim3A_1040 = vector.broadcast %broadcast_in_dim3A_1039 : f32 to vector<16xf32>
    %swap3A_1041 = arith.constant 16 : i32
    %swap3A_1042 = arith.index_cast %swap3A_1041 : i32 to index
    %swap3A_1043 = arith.constant 32 : index
    %swap3A_1044 = tpu.vector_load %arg11[%swap3A_1042, %swap3A_1043] {strides = array<i32>} : memref<32x128xf32, #tpu.memory_space<vmem>>, vector<1x16xf32>,
    %swap3A_1045 = vector.shape_cast %swap3A_1044 : vector<1x16xf32> to vector<16xf32>
    %swap3A_1046 = vector.shape_cast %broadcast_in_dim3A_1040 : vector<16xf32> to vector<1x16xf32>
    tpu.vector_store %arg11[%swap3A_1042, %swap3A_1043], %swap3A_1046 {strides = array<i32>} : memref<32x128xf32, #tpu.memory_space<vmem>>, vector<1x16xf32>,
    %broadcast_in_dim3A_1047 = arith.constant 0.000000e+00 : f32
    %broadcast_in_dim3A_1048 = vector.broadcast %broadcast_in_dim3A_1047 : f32 to vector<16xf32>
    %swap3A_1049 = arith.constant 16 : i32
    %swap3A_1050 = arith.index_cast %swap3A_1049 : i32 to index
    %swap3A_1051 = arith.constant 48 : index
    %swap3A_1052 = tpu.vector_load %arg11[%swap3A_1050, %swap3A_1051] {strides = array<i32>} : memref<32x128xf32, #tpu.memory_space<vmem>>, vector<1x16xf32>,
    %swap3A_1053 = vector.shape_cast %swap3A_1052 : vector<1x16xf32> to vector<16xf32>
    %swap3A_1054 = vector.shape_cast %broadcast_in_dim3A_1048 : vector<16xf32> to vector<1x16xf32>
    tpu.vector_store %arg11[%swap3A_1050, %swap3A_1051], %swap3A_1054 {strides = array<i32>} : memref<32x128xf32, #tpu.memory_space<vmem>>, vector<1x16xf32>,
    %broadcast_in_dim3A_1055 = arith.constant 0.000000e+00 : f32
    %broadcast_in_dim3A_1056 = vector.broadcast %broadcast_in_dim3A_1055 : f32 to vector<16xf32>
    %swap3A_1057 = arith.constant 16 : i32
    %swap3A_1058 = arith.index_cast %swap3A_1057 : i32 to index
    %swap3A_1059 = arith.constant 64 : index
    %swap3A_1060 = tpu.vector_load %arg11[%swap3A_1058, %swap3A_1059] {strides = array<i32>} : memref<32x128xf32, #tpu.memory_space<vmem>>, vector<1x16xf32>,
    %swap3A_1061 = vector.shape_cast %swap3A_1060 : vector<1x16xf32> to vector<16xf32>
    %swap3A_1062 = vector.shape_cast %broadcast_in_dim3A_1056 : vector<16xf32> to vector<1x16xf32>
    tpu.vector_store %arg11[%swap3A_1058, %swap3A_1059], %swap3A_1062 {strides = array<i32>} : memref<32x128xf32, #tpu.memory_space<vmem>>, vector<1x16xf32>,
    %broadcast_in_dim3A_1063 = arith.constant 0.000000e+00 : f32
    %broadcast_in_dim3A_1064 = vector.broadcast %broadcast_in_dim3A_1063 : f32 to vector<16xf32>
    %swap3A_1065 = arith.constant 16 : i32
    %swap3A_1066 = arith.index_cast %swap3A_1065 : i32 to index
    %swap3A_1067 = arith.constant 80 : index
    %swap3A_1068 = tpu.vector_load %arg11[%swap3A_1066, %swap3A_1067] {strides = array<i32>} : memref<32x128xf32, #tpu.memory_space<vmem>>, vector<1x16xf32>,
    %swap3A_1069 = vector.shape_cast %swap3A_1068 : vector<1x16xf32> to vector<16xf32>
    %swap3A_1070 = vector.shape_cast %broadcast_in_dim3A_1064 : vector<16xf32> to vector<1x16xf32>
    tpu.vector_store %arg11[%swap3A_1066, %swap3A_1067], %swap3A_1070 {strides = array<i32>} : memref<32x128xf32, #tpu.memory_space<vmem>>, vector<1x16xf32>,
    %broadcast_in_dim3A_1071 = arith.constant 0.000000e+00 : f32
    %broadcast_in_dim3A_1072 = vector.broadcast %broadcast_in_dim3A_1071 : f32 to vector<16xf32>
    %swap3A_1073 = arith.constant 16 : i32
    %swap3A_1074 = arith.index_cast %swap3A_1073 : i32 to index
    %swap3A_1075 = arith.constant 96 : index
    %swap3A_1076 = tpu.vector_load %arg11[%swap3A_1074, %swap3A_1075] {strides = array<i32>} : memref<32x128xf32, #tpu.memory_space<vmem>>, vector<1x16xf32>,
    %swap3A_1077 = vector.shape_cast %swap3A_1076 : vector<1x16xf32> to vector<16xf32>
    %swap3A_1078 = vector.shape_cast %broadcast_in_dim3A_1072 : vector<16xf32> to vector<1x16xf32>
    tpu.vector_store %arg11[%swap3A_1074, %swap3A_1075], %swap3A_1078 {strides = array<i32>} : memref<32x128xf32, #tpu.memory_space<vmem>>, vector<1x16xf32>,
    %broadcast_in_dim3A_1079 = arith.constant 0.000000e+00 : f32
    %broadcast_in_dim3A_1080 = vector.broadcast %broadcast_in_dim3A_1079 : f32 to vector<16xf32>
    %swap3A_1081 = arith.constant 16 : i32
    %swap3A_1082 = arith.index_cast %swap3A_1081 : i32 to index
    %swap3A_1083 = arith.constant 112 : index
    %swap3A_1084 = tpu.vector_load %arg11[%swap3A_1082, %swap3A_1083] {strides = array<i32>} : memref<32x128xf32, #tpu.memory_space<vmem>>, vector<1x16xf32>,
    %swap3A_1085 = vector.shape_cast %swap3A_1084 : vector<1x16xf32> to vector<16xf32>
    %swap3A_1086 = vector.shape_cast %broadcast_in_dim3A_1080 : vector<16xf32> to vector<1x16xf32>
    tpu.vector_store %arg11[%swap3A_1082, %swap3A_1083], %swap3A_1086 {strides = array<i32>} : memref<32x128xf32, #tpu.memory_space<vmem>>, vector<1x16xf32>,
    %broadcast_in_dim3A_1087 = arith.constant 0.000000e+00 : f32
    %broadcast_in_dim3A_1088 = vector.broadcast %broadcast_in_dim3A_1087 : f32 to vector<16xf32>
    %swap3A_1089 = arith.constant 17 : i32
    %swap3A_1090 = arith.index_cast %swap3A_1089 : i32 to index
    %swap3A_1091 = arith.constant 0 : index
    %swap3A_1092 = tpu.vector_load %arg11[%swap3A_1090, %swap3A_1091] {strides = array<i32>} : memref<32x128xf32, #tpu.memory_space<vmem>>, vector<1x16xf32>,
    %swap3A_1093 = vector.shape_cast %swap3A_1092 : vector<1x16xf32> to vector<16xf32>
    %swap3A_1094 = vector.shape_cast %broadcast_in_dim3A_1088 : vector<16xf32> to vector<1x16xf32>
    tpu.vector_store %arg11[%swap3A_1090, %swap3A_1091], %swap3A_1094 {strides = array<i32>} : memref<32x128xf32, #tpu.memory_space<vmem>>, vector<1x16xf32>,
    %broadcast_in_dim3A_1095 = arith.constant 0.000000e+00 : f32
    %broadcast_in_dim3A_1096 = vector.broadcast %broadcast_in_dim3A_1095 : f32 to vector<16xf32>
    %swap3A_1097 = arith.constant 17 : i32
    %swap3A_1098 = arith.index_cast %swap3A_1097 : i32 to index
    %swap3A_1099 = arith.constant 16 : index
    %swap3A_1100 = tpu.vector_load %arg11[%swap3A_1098, %swap3A_1099] {strides = array<i32>} : memref<32x128xf32, #tpu.memory_space<vmem>>, vector<1x16xf32>,
    %swap3A_1101 = vector.shape_cast %swap3A_1100 : vector<1x16xf32> to vector<16xf32>
    %swap3A_1102 = vector.shape_cast %broadcast_in_dim3A_1096 : vector<16xf32> to vector<1x16xf32>
    tpu.vector_store %arg11[%swap3A_1098, %swap3A_1099], %swap3A_1102 {strides = array<i32>} : memref<32x128xf32, #tpu.memory_space<vmem>>, vector<1x16xf32>,
    %broadcast_in_dim3A_1103 = arith.constant 0.000000e+00 : f32
    %broadcast_in_dim3A_1104 = vector.broadcast %broadcast_in_dim3A_1103 : f32 to vector<16xf32>
    %swap3A_1105 = arith.constant 17 : i32
    %swap3A_1106 = arith.index_cast %swap3A_1105 : i32 to index
    %swap3A_1107 = arith.constant 32 : index
    %swap3A_1108 = tpu.vector_load %arg11[%swap3A_1106, %swap3A_1107] {strides = array<i32>} : memref<32x128xf32, #tpu.memory_space<vmem>>, vector<1x16xf32>,
    %swap3A_1109 = vector.shape_cast %swap3A_1108 : vector<1x16xf32> to vector<16xf32>
    %swap3A_1110 = vector.shape_cast %broadcast_in_dim3A_1104 : vector<16xf32> to vector<1x16xf32>
    tpu.vector_store %arg11[%swap3A_1106, %swap3A_1107], %swap3A_1110 {strides = array<i32>} : memref<32x128xf32, #tpu.memory_space<vmem>>, vector<1x16xf32>,
    %broadcast_in_dim3A_1111 = arith.constant 0.000000e+00 : f32
    %broadcast_in_dim3A_1112 = vector.broadcast %broadcast_in_dim3A_1111 : f32 to vector<16xf32>
    %swap3A_1113 = arith.constant 17 : i32
    %swap3A_1114 = arith.index_cast %swap3A_1113 : i32 to index
    %swap3A_1115 = arith.constant 48 : index
    %swap3A_1116 = tpu.vector_load %arg11[%swap3A_1114, %swap3A_1115] {strides = array<i32>} : memref<32x128xf32, #tpu.memory_space<vmem>>, vector<1x16xf32>,
    %swap3A_1117 = vector.shape_cast %swap3A_1116 : vector<1x16xf32> to vector<16xf32>
    %swap3A_1118 = vector.shape_cast %broadcast_in_dim3A_1112 : vector<16xf32> to vector<1x16xf32>
    tpu.vector_store %arg11[%swap3A_1114, %swap3A_1115], %swap3A_1118 {strides = array<i32>} : memref<32x128xf32, #tpu.memory_space<vmem>>, vector<1x16xf32>,
    %broadcast_in_dim3A_1119 = arith.constant 0.000000e+00 : f32
    %broadcast_in_dim3A_1120 = vector.broadcast %broadcast_in_dim3A_1119 : f32 to vector<16xf32>
    %swap3A_1121 = arith.constant 17 : i32
    %swap3A_1122 = arith.index_cast %swap3A_1121 : i32 to index
    %swap3A_1123 = arith.constant 64 : index
    %swap3A_1124 = tpu.vector_load %arg11[%swap3A_1122, %swap3A_1123] {strides = array<i32>} : memref<32x128xf32, #tpu.memory_space<vmem>>, vector<1x16xf32>,
    %swap3A_1125 = vector.shape_cast %swap3A_1124 : vector<1x16xf32> to vector<16xf32>
    %swap3A_1126 = vector.shape_cast %broadcast_in_dim3A_1120 : vector<16xf32> to vector<1x16xf32>
    tpu.vector_store %arg11[%swap3A_1122, %swap3A_1123], %swap3A_1126 {strides = array<i32>} : memref<32x128xf32, #tpu.memory_space<vmem>>, vector<1x16xf32>,
    %broadcast_in_dim3A_1127 = arith.constant 0.000000e+00 : f32
    %broadcast_in_dim3A_1128 = vector.broadcast %broadcast_in_dim3A_1127 : f32 to vector<16xf32>
    %swap3A_1129 = arith.constant 17 : i32
    %swap3A_1130 = arith.index_cast %swap3A_1129 : i32 to index
    %swap3A_1131 = arith.constant 80 : index
    %swap3A_1132 = tpu.vector_load %arg11[%swap3A_1130, %swap3A_1131] {strides = array<i32>} : memref<32x128xf32, #tpu.memory_space<vmem>>, vector<1x16xf32>,
    %swap3A_1133 = vector.shape_cast %swap3A_1132 : vector<1x16xf32> to vector<16xf32>
    %swap3A_1134 = vector.shape_cast %broadcast_in_dim3A_1128 : vector<16xf32> to vector<1x16xf32>
    tpu.vector_store %arg11[%swap3A_1130, %swap3A_1131], %swap3A_1134 {strides = array<i32>} : memref<32x128xf32, #tpu.memory_space<vmem>>, vector<1x16xf32>,
    %broadcast_in_dim3A_1135 = arith.constant 0.000000e+00 : f32
    %broadcast_in_dim3A_1136 = vector.broadcast %broadcast_in_dim3A_1135 : f32 to vector<16xf32>
    %swap3A_1137 = arith.constant 17 : i32
    %swap3A_1138 = arith.index_cast %swap3A_1137 : i32 to index
    %swap3A_1139 = arith.constant 96 : index
    %swap3A_1140 = tpu.vector_load %arg11[%swap3A_1138, %swap3A_1139] {strides = array<i32>} : memref<32x128xf32, #tpu.memory_space<vmem>>, vector<1x16xf32>,
    %swap3A_1141 = vector.shape_cast %swap3A_1140 : vector<1x16xf32> to vector<16xf32>
    %swap3A_1142 = vector.shape_cast %broadcast_in_dim3A_1136 : vector<16xf32> to vector<1x16xf32>
    tpu.vector_store %arg11[%swap3A_1138, %swap3A_1139], %swap3A_1142 {strides = array<i32>} : memref<32x128xf32, #tpu.memory_space<vmem>>, vector<1x16xf32>,
    %broadcast_in_dim3A_1143 = arith.constant 0.000000e+00 : f32
    %broadcast_in_dim3A_1144 = vector.broadcast %broadcast_in_dim3A_1143 : f32 to vector<16xf32>
    %swap3A_1145 = arith.constant 17 : i32
    %swap3A_1146 = arith.index_cast %swap3A_1145 : i32 to index
    %swap3A_1147 = arith.constant 112 : index
    %swap3A_1148 = tpu.vector_load %arg11[%swap3A_1146, %swap3A_1147] {strides = array<i32>} : memref<32x128xf32, #tpu.memory_space<vmem>>, vector<1x16xf32>,
    %swap3A_1149 = vector.shape_cast %swap3A_1148 : vector<1x16xf32> to vector<16xf32>
    %swap3A_1150 = vector.shape_cast %broadcast_in_dim3A_1144 : vector<16xf32> to vector<1x16xf32>
    tpu.vector_store %arg11[%swap3A_1146, %swap3A_1147], %swap3A_1150 {strides = array<i32>} : memref<32x128xf32, #tpu.memory_space<vmem>>, vector<1x16xf32>,
    %broadcast_in_dim3A_1151 = arith.constant 0.000000e+00 : f32
    %broadcast_in_dim3A_1152 = vector.broadcast %broadcast_in_dim3A_1151 : f32 to vector<16xf32>
    %swap3A_1153 = arith.constant 18 : i32
    %swap3A_1154 = arith.index_cast %swap3A_1153 : i32 to index
    %swap3A_1155 = arith.constant 0 : index
    %swap3A_1156 = tpu.vector_load %arg11[%swap3A_1154, %swap3A_1155] {strides = array<i32>} : memref<32x128xf32, #tpu.memory_space<vmem>>, vector<1x16xf32>,
    %swap3A_1157 = vector.shape_cast %swap3A_1156 : vector<1x16xf32> to vector<16xf32>
    %swap3A_1158 = vector.shape_cast %broadcast_in_dim3A_1152 : vector<16xf32> to vector<1x16xf32>
    tpu.vector_store %arg11[%swap3A_1154, %swap3A_1155], %swap3A_1158 {strides = array<i32>} : memref<32x128xf32, #tpu.memory_space<vmem>>, vector<1x16xf32>,
    %broadcast_in_dim3A_1159 = arith.constant 0.000000e+00 : f32
    %broadcast_in_dim3A_1160 = vector.broadcast %broadcast_in_dim3A_1159 : f32 to vector<16xf32>
    %swap3A_1161 = arith.constant 18 : i32
    %swap3A_1162 = arith.index_cast %swap3A_1161 : i32 to index
    %swap3A_1163 = arith.constant 16 : index
    %swap3A_1164 = tpu.vector_load %arg11[%swap3A_1162, %swap3A_1163] {strides = array<i32>} : memref<32x128xf32, #tpu.memory_space<vmem>>, vector<1x16xf32>,
    %swap3A_1165 = vector.shape_cast %swap3A_1164 : vector<1x16xf32> to vector<16xf32>
    %swap3A_1166 = vector.shape_cast %broadcast_in_dim3A_1160 : vector<16xf32> to vector<1x16xf32>
    tpu.vector_store %arg11[%swap3A_1162, %swap3A_1163], %swap3A_1166 {strides = array<i32>} : memref<32x128xf32, #tpu.memory_space<vmem>>, vector<1x16xf32>,
    %broadcast_in_dim3A_1167 = arith.constant 0.000000e+00 : f32
    %broadcast_in_dim3A_1168 = vector.broadcast %broadcast_in_dim3A_1167 : f32 to vector<16xf32>
    %swap3A_1169 = arith.constant 18 : i32
    %swap3A_1170 = arith.index_cast %swap3A_1169 : i32 to index
    %swap3A_1171 = arith.constant 32 : index
    %swap3A_1172 = tpu.vector_load %arg11[%swap3A_1170, %swap3A_1171] {strides = array<i32>} : memref<32x128xf32, #tpu.memory_space<vmem>>, vector<1x16xf32>,
    %swap3A_1173 = vector.shape_cast %swap3A_1172 : vector<1x16xf32> to vector<16xf32>
    %swap3A_1174 = vector.shape_cast %broadcast_in_dim3A_1168 : vector<16xf32> to vector<1x16xf32>
    tpu.vector_store %arg11[%swap3A_1170, %swap3A_1171], %swap3A_1174 {strides = array<i32>} : memref<32x128xf32, #tpu.memory_space<vmem>>, vector<1x16xf32>,
    %broadcast_in_dim3A_1175 = arith.constant 0.000000e+00 : f32
    %broadcast_in_dim3A_1176 = vector.broadcast %broadcast_in_dim3A_1175 : f32 to vector<16xf32>
    %swap3A_1177 = arith.constant 18 : i32
    %swap3A_1178 = arith.index_cast %swap3A_1177 : i32 to index
    %swap3A_1179 = arith.constant 48 : index
    %swap3A_1180 = tpu.vector_load %arg11[%swap3A_1178, %swap3A_1179] {strides = array<i32>} : memref<32x128xf32, #tpu.memory_space<vmem>>, vector<1x16xf32>,
    %swap3A_1181 = vector.shape_cast %swap3A_1180 : vector<1x16xf32> to vector<16xf32>
    %swap3A_1182 = vector.shape_cast %broadcast_in_dim3A_1176 : vector<16xf32> to vector<1x16xf32>
    tpu.vector_store %arg11[%swap3A_1178, %swap3A_1179], %swap3A_1182 {strides = array<i32>} : memref<32x128xf32, #tpu.memory_space<vmem>>, vector<1x16xf32>,
    %broadcast_in_dim3A_1183 = arith.constant 0.000000e+00 : f32
    %broadcast_in_dim3A_1184 = vector.broadcast %broadcast_in_dim3A_1183 : f32 to vector<16xf32>
    %swap3A_1185 = arith.constant 18 : i32
    %swap3A_1186 = arith.index_cast %swap3A_1185 : i32 to index
    %swap3A_1187 = arith.constant 64 : index
    %swap3A_1188 = tpu.vector_load %arg11[%swap3A_1186, %swap3A_1187] {strides = array<i32>} : memref<32x128xf32, #tpu.memory_space<vmem>>, vector<1x16xf32>,
    %swap3A_1189 = vector.shape_cast %swap3A_1188 : vector<1x16xf32> to vector<16xf32>
    %swap3A_1190 = vector.shape_cast %broadcast_in_dim3A_1184 : vector<16xf32> to vector<1x16xf32>
    tpu.vector_store %arg11[%swap3A_1186, %swap3A_1187], %swap3A_1190 {strides = array<i32>} : memref<32x128xf32, #tpu.memory_space<vmem>>, vector<1x16xf32>,
    %broadcast_in_dim3A_1191 = arith.constant 0.000000e+00 : f32
    %broadcast_in_dim3A_1192 = vector.broadcast %broadcast_in_dim3A_1191 : f32 to vector<16xf32>
    %swap3A_1193 = arith.constant 18 : i32
    %swap3A_1194 = arith.index_cast %swap3A_1193 : i32 to index
    %swap3A_1195 = arith.constant 80 : index
    %swap3A_1196 = tpu.vector_load %arg11[%swap3A_1194, %swap3A_1195] {strides = array<i32>} : memref<32x128xf32, #tpu.memory_space<vmem>>, vector<1x16xf32>,
    %swap3A_1197 = vector.shape_cast %swap3A_1196 : vector<1x16xf32> to vector<16xf32>
    %swap3A_1198 = vector.shape_cast %broadcast_in_dim3A_1192 : vector<16xf32> to vector<1x16xf32>
    tpu.vector_store %arg11[%swap3A_1194, %swap3A_1195], %swap3A_1198 {strides = array<i32>} : memref<32x128xf32, #tpu.memory_space<vmem>>, vector<1x16xf32>,
    %broadcast_in_dim3A_1199 = arith.constant 0.000000e+00 : f32
    %broadcast_in_dim3A_1200 = vector.broadcast %broadcast_in_dim3A_1199 : f32 to vector<16xf32>
    %swap3A_1201 = arith.constant 18 : i32
    %swap3A_1202 = arith.index_cast %swap3A_1201 : i32 to index
    %swap3A_1203 = arith.constant 96 : index
    %swap3A_1204 = tpu.vector_load %arg11[%swap3A_1202, %swap3A_1203] {strides = array<i32>} : memref<32x128xf32, #tpu.memory_space<vmem>>, vector<1x16xf32>,
    %swap3A_1205 = vector.shape_cast %swap3A_1204 : vector<1x16xf32> to vector<16xf32>
    %swap3A_1206 = vector.shape_cast %broadcast_in_dim3A_1200 : vector<16xf32> to vector<1x16xf32>
    tpu.vector_store %arg11[%swap3A_1202, %swap3A_1203], %swap3A_1206 {strides = array<i32>} : memref<32x128xf32, #tpu.memory_space<vmem>>, vector<1x16xf32>,
    %broadcast_in_dim3A_1207 = arith.constant 0.000000e+00 : f32
    %broadcast_in_dim3A_1208 = vector.broadcast %broadcast_in_dim3A_1207 : f32 to vector<16xf32>
    %swap3A_1209 = arith.constant 18 : i32
    %swap3A_1210 = arith.index_cast %swap3A_1209 : i32 to index
    %swap3A_1211 = arith.constant 112 : index
    %swap3A_1212 = tpu.vector_load %arg11[%swap3A_1210, %swap3A_1211] {strides = array<i32>} : memref<32x128xf32, #tpu.memory_space<vmem>>, vector<1x16xf32>,
    %swap3A_1213 = vector.shape_cast %swap3A_1212 : vector<1x16xf32> to vector<16xf32>
    %swap3A_1214 = vector.shape_cast %broadcast_in_dim3A_1208 : vector<16xf32> to vector<1x16xf32>
    tpu.vector_store %arg11[%swap3A_1210, %swap3A_1211], %swap3A_1214 {strides = array<i32>} : memref<32x128xf32, #tpu.memory_space<vmem>>, vector<1x16xf32>,
    %broadcast_in_dim3A_1215 = arith.constant 0.000000e+00 : f32
    %broadcast_in_dim3A_1216 = vector.broadcast %broadcast_in_dim3A_1215 : f32 to vector<16xf32>
    %swap3A_1217 = arith.constant 19 : i32
    %swap3A_1218 = arith.index_cast %swap3A_1217 : i32 to index
    %swap3A_1219 = arith.constant 0 : index
    %swap3A_1220 = tpu.vector_load %arg11[%swap3A_1218, %swap3A_1219] {strides = array<i32>} : memref<32x128xf32, #tpu.memory_space<vmem>>, vector<1x16xf32>,
    %swap3A_1221 = vector.shape_cast %swap3A_1220 : vector<1x16xf32> to vector<16xf32>
    %swap3A_1222 = vector.shape_cast %broadcast_in_dim3A_1216 : vector<16xf32> to vector<1x16xf32>
    tpu.vector_store %arg11[%swap3A_1218, %swap3A_1219], %swap3A_1222 {strides = array<i32>} : memref<32x128xf32, #tpu.memory_space<vmem>>, vector<1x16xf32>,
    %broadcast_in_dim3A_1223 = arith.constant 0.000000e+00 : f32
    %broadcast_in_dim3A_1224 = vector.broadcast %broadcast_in_dim3A_1223 : f32 to vector<16xf32>
    %swap3A_1225 = arith.constant 19 : i32
    %swap3A_1226 = arith.index_cast %swap3A_1225 : i32 to index
    %swap3A_1227 = arith.constant 16 : index
    %swap3A_1228 = tpu.vector_load %arg11[%swap3A_1226, %swap3A_1227] {strides = array<i32>} : memref<32x128xf32, #tpu.memory_space<vmem>>, vector<1x16xf32>,
    %swap3A_1229 = vector.shape_cast %swap3A_1228 : vector<1x16xf32> to vector<16xf32>
    %swap3A_1230 = vector.shape_cast %broadcast_in_dim3A_1224 : vector<16xf32> to vector<1x16xf32>
    tpu.vector_store %arg11[%swap3A_1226, %swap3A_1227], %swap3A_1230 {strides = array<i32>} : memref<32x128xf32, #tpu.memory_space<vmem>>, vector<1x16xf32>,
    %broadcast_in_dim3A_1231 = arith.constant 0.000000e+00 : f32
    %broadcast_in_dim3A_1232 = vector.broadcast %broadcast_in_dim3A_1231 : f32 to vector<16xf32>
    %swap3A_1233 = arith.constant 19 : i32
    %swap3A_1234 = arith.index_cast %swap3A_1233 : i32 to index
    %swap3A_1235 = arith.constant 32 : index
    %swap3A_1236 = tpu.vector_load %arg11[%swap3A_1234, %swap3A_1235] {strides = array<i32>} : memref<32x128xf32, #tpu.memory_space<vmem>>, vector<1x16xf32>,
    %swap3A_1237 = vector.shape_cast %swap3A_1236 : vector<1x16xf32> to vector<16xf32>
    %swap3A_1238 = vector.shape_cast %broadcast_in_dim3A_1232 : vector<16xf32> to vector<1x16xf32>
    tpu.vector_store %arg11[%swap3A_1234, %swap3A_1235], %swap3A_1238 {strides = array<i32>} : memref<32x128xf32, #tpu.memory_space<vmem>>, vector<1x16xf32>,
    %broadcast_in_dim3A_1239 = arith.constant 0.000000e+00 : f32
    %broadcast_in_dim3A_1240 = vector.broadcast %broadcast_in_dim3A_1239 : f32 to vector<16xf32>
    %swap3A_1241 = arith.constant 19 : i32
    %swap3A_1242 = arith.index_cast %swap3A_1241 : i32 to index
    %swap3A_1243 = arith.constant 48 : index
    %swap3A_1244 = tpu.vector_load %arg11[%swap3A_1242, %swap3A_1243] {strides = array<i32>} : memref<32x128xf32, #tpu.memory_space<vmem>>, vector<1x16xf32>,
    %swap3A_1245 = vector.shape_cast %swap3A_1244 : vector<1x16xf32> to vector<16xf32>
    %swap3A_1246 = vector.shape_cast %broadcast_in_dim3A_1240 : vector<16xf32> to vector<1x16xf32>
    tpu.vector_store %arg11[%swap3A_1242, %swap3A_1243], %swap3A_1246 {strides = array<i32>} : memref<32x128xf32, #tpu.memory_space<vmem>>, vector<1x16xf32>,
    %broadcast_in_dim3A_1247 = arith.constant 0.000000e+00 : f32
    %broadcast_in_dim3A_1248 = vector.broadcast %broadcast_in_dim3A_1247 : f32 to vector<16xf32>
    %swap3A_1249 = arith.constant 19 : i32
    %swap3A_1250 = arith.index_cast %swap3A_1249 : i32 to index
    %swap3A_1251 = arith.constant 64 : index
    %swap3A_1252 = tpu.vector_load %arg11[%swap3A_1250, %swap3A_1251] {strides = array<i32>} : memref<32x128xf32, #tpu.memory_space<vmem>>, vector<1x16xf32>,
    %swap3A_1253 = vector.shape_cast %swap3A_1252 : vector<1x16xf32> to vector<16xf32>
    %swap3A_1254 = vector.shape_cast %broadcast_in_dim3A_1248 : vector<16xf32> to vector<1x16xf32>
    tpu.vector_store %arg11[%swap3A_1250, %swap3A_1251], %swap3A_1254 {strides = array<i32>} : memref<32x128xf32, #tpu.memory_space<vmem>>, vector<1x16xf32>,
    %broadcast_in_dim3A_1255 = arith.constant 0.000000e+00 : f32
    %broadcast_in_dim3A_1256 = vector.broadcast %broadcast_in_dim3A_1255 : f32 to vector<16xf32>
    %swap3A_1257 = arith.constant 19 : i32
    %swap3A_1258 = arith.index_cast %swap3A_1257 : i32 to index
    %swap3A_1259 = arith.constant 80 : index
    %swap3A_1260 = tpu.vector_load %arg11[%swap3A_1258, %swap3A_1259] {strides = array<i32>} : memref<32x128xf32, #tpu.memory_space<vmem>>, vector<1x16xf32>,
    %swap3A_1261 = vector.shape_cast %swap3A_1260 : vector<1x16xf32> to vector<16xf32>
    %swap3A_1262 = vector.shape_cast %broadcast_in_dim3A_1256 : vector<16xf32> to vector<1x16xf32>
    tpu.vector_store %arg11[%swap3A_1258, %swap3A_1259], %swap3A_1262 {strides = array<i32>} : memref<32x128xf32, #tpu.memory_space<vmem>>, vector<1x16xf32>,
    %broadcast_in_dim3A_1263 = arith.constant 0.000000e+00 : f32
    %broadcast_in_dim3A_1264 = vector.broadcast %broadcast_in_dim3A_1263 : f32 to vector<16xf32>
    %swap3A_1265 = arith.constant 19 : i32
    %swap3A_1266 = arith.index_cast %swap3A_1265 : i32 to index
    %swap3A_1267 = arith.constant 96 : index
    %swap3A_1268 = tpu.vector_load %arg11[%swap3A_1266, %swap3A_1267] {strides = array<i32>} : memref<32x128xf32, #tpu.memory_space<vmem>>, vector<1x16xf32>,
    %swap3A_1269 = vector.shape_cast %swap3A_1268 : vector<1x16xf32> to vector<16xf32>
    %swap3A_1270 = vector.shape_cast %broadcast_in_dim3A_1264 : vector<16xf32> to vector<1x16xf32>
    tpu.vector_store %arg11[%swap3A_1266, %swap3A_1267], %swap3A_1270 {strides = array<i32>} : memref<32x128xf32, #tpu.memory_space<vmem>>, vector<1x16xf32>,
    %broadcast_in_dim3A_1271 = arith.constant 0.000000e+00 : f32
    %broadcast_in_dim3A_1272 = vector.broadcast %broadcast_in_dim3A_1271 : f32 to vector<16xf32>
    %swap3A_1273 = arith.constant 19 : i32
    %swap3A_1274 = arith.index_cast %swap3A_1273 : i32 to index
    %swap3A_1275 = arith.constant 112 : index
    %swap3A_1276 = tpu.vector_load %arg11[%swap3A_1274, %swap3A_1275] {strides = array<i32>} : memref<32x128xf32, #tpu.memory_space<vmem>>, vector<1x16xf32>,
    %swap3A_1277 = vector.shape_cast %swap3A_1276 : vector<1x16xf32> to vector<16xf32>
    %swap3A_1278 = vector.shape_cast %broadcast_in_dim3A_1272 : vector<16xf32> to vector<1x16xf32>
    tpu.vector_store %arg11[%swap3A_1274, %swap3A_1275], %swap3A_1278 {strides = array<i32>} : memref<32x128xf32, #tpu.memory_space<vmem>>, vector<1x16xf32>,
    %broadcast_in_dim3A_1279 = arith.constant 0.000000e+00 : f32
    %broadcast_in_dim3A_1280 = vector.broadcast %broadcast_in_dim3A_1279 : f32 to vector<16xf32>
    %swap3A_1281 = arith.constant 20 : i32
    %swap3A_1282 = arith.index_cast %swap3A_1281 : i32 to index
    %swap3A_1283 = arith.constant 0 : index
    %swap3A_1284 = tpu.vector_load %arg11[%swap3A_1282, %swap3A_1283] {strides = array<i32>} : memref<32x128xf32, #tpu.memory_space<vmem>>, vector<1x16xf32>,
    %swap3A_1285 = vector.shape_cast %swap3A_1284 : vector<1x16xf32> to vector<16xf32>
    %swap3A_1286 = vector.shape_cast %broadcast_in_dim3A_1280 : vector<16xf32> to vector<1x16xf32>
    tpu.vector_store %arg11[%swap3A_1282, %swap3A_1283], %swap3A_1286 {strides = array<i32>} : memref<32x128xf32, #tpu.memory_space<vmem>>, vector<1x16xf32>,
    %broadcast_in_dim3A_1287 = arith.constant 0.000000e+00 : f32
    %broadcast_in_dim3A_1288 = vector.broadcast %broadcast_in_dim3A_1287 : f32 to vector<16xf32>
    %swap3A_1289 = arith.constant 20 : i32
    %swap3A_1290 = arith.index_cast %swap3A_1289 : i32 to index
    %swap3A_1291 = arith.constant 16 : index
    %swap3A_1292 = tpu.vector_load %arg11[%swap3A_1290, %swap3A_1291] {strides = array<i32>} : memref<32x128xf32, #tpu.memory_space<vmem>>, vector<1x16xf32>,
    %swap3A_1293 = vector.shape_cast %swap3A_1292 : vector<1x16xf32> to vector<16xf32>
    %swap3A_1294 = vector.shape_cast %broadcast_in_dim3A_1288 : vector<16xf32> to vector<1x16xf32>
    tpu.vector_store %arg11[%swap3A_1290, %swap3A_1291], %swap3A_1294 {strides = array<i32>} : memref<32x128xf32, #tpu.memory_space<vmem>>, vector<1x16xf32>,
    %broadcast_in_dim3A_1295 = arith.constant 0.000000e+00 : f32
    %broadcast_in_dim3A_1296 = vector.broadcast %broadcast_in_dim3A_1295 : f32 to vector<16xf32>
    %swap3A_1297 = arith.constant 20 : i32
    %swap3A_1298 = arith.index_cast %swap3A_1297 : i32 to index
    %swap3A_1299 = arith.constant 32 : index
    %swap3A_1300 = tpu.vector_load %arg11[%swap3A_1298, %swap3A_1299] {strides = array<i32>} : memref<32x128xf32, #tpu.memory_space<vmem>>, vector<1x16xf32>,
    %swap3A_1301 = vector.shape_cast %swap3A_1300 : vector<1x16xf32> to vector<16xf32>
    %swap3A_1302 = vector.shape_cast %broadcast_in_dim3A_1296 : vector<16xf32> to vector<1x16xf32>
    tpu.vector_store %arg11[%swap3A_1298, %swap3A_1299], %swap3A_1302 {strides = array<i32>} : memref<32x128xf32, #tpu.memory_space<vmem>>, vector<1x16xf32>,
    %broadcast_in_dim3A_1303 = arith.constant 0.000000e+00 : f32
    %broadcast_in_dim3A_1304 = vector.broadcast %broadcast_in_dim3A_1303 : f32 to vector<16xf32>
    %swap3A_1305 = arith.constant 20 : i32
    %swap3A_1306 = arith.index_cast %swap3A_1305 : i32 to index
    %swap3A_1307 = arith.constant 48 : index
    %swap3A_1308 = tpu.vector_load %arg11[%swap3A_1306, %swap3A_1307] {strides = array<i32>} : memref<32x128xf32, #tpu.memory_space<vmem>>, vector<1x16xf32>,
    %swap3A_1309 = vector.shape_cast %swap3A_1308 : vector<1x16xf32> to vector<16xf32>
    %swap3A_1310 = vector.shape_cast %broadcast_in_dim3A_1304 : vector<16xf32> to vector<1x16xf32>
    tpu.vector_store %arg11[%swap3A_1306, %swap3A_1307], %swap3A_1310 {strides = array<i32>} : memref<32x128xf32, #tpu.memory_space<vmem>>, vector<1x16xf32>,
    %broadcast_in_dim3A_1311 = arith.constant 0.000000e+00 : f32
    %broadcast_in_dim3A_1312 = vector.broadcast %broadcast_in_dim3A_1311 : f32 to vector<16xf32>
    %swap3A_1313 = arith.constant 20 : i32
    %swap3A_1314 = arith.index_cast %swap3A_1313 : i32 to index
    %swap3A_1315 = arith.constant 64 : index
    %swap3A_1316 = tpu.vector_load %arg11[%swap3A_1314, %swap3A_1315] {strides = array<i32>} : memref<32x128xf32, #tpu.memory_space<vmem>>, vector<1x16xf32>,
    %swap3A_1317 = vector.shape_cast %swap3A_1316 : vector<1x16xf32> to vector<16xf32>
    %swap3A_1318 = vector.shape_cast %broadcast_in_dim3A_1312 : vector<16xf32> to vector<1x16xf32>
    tpu.vector_store %arg11[%swap3A_1314, %swap3A_1315], %swap3A_1318 {strides = array<i32>} : memref<32x128xf32, #tpu.memory_space<vmem>>, vector<1x16xf32>,
    %broadcast_in_dim3A_1319 = arith.constant 0.000000e+00 : f32
    %broadcast_in_dim3A_1320 = vector.broadcast %broadcast_in_dim3A_1319 : f32 to vector<16xf32>
    %swap3A_1321 = arith.constant 20 : i32
    %swap3A_1322 = arith.index_cast %swap3A_1321 : i32 to index
    %swap3A_1323 = arith.constant 80 : index
    %swap3A_1324 = tpu.vector_load %arg11[%swap3A_1322, %swap3A_1323] {strides = array<i32>} : memref<32x128xf32, #tpu.memory_space<vmem>>, vector<1x16xf32>,
    %swap3A_1325 = vector.shape_cast %swap3A_1324 : vector<1x16xf32> to vector<16xf32>
    %swap3A_1326 = vector.shape_cast %broadcast_in_dim3A_1320 : vector<16xf32> to vector<1x16xf32>
    tpu.vector_store %arg11[%swap3A_1322, %swap3A_1323], %swap3A_1326 {strides = array<i32>} : memref<32x128xf32, #tpu.memory_space<vmem>>, vector<1x16xf32>,
    %broadcast_in_dim3A_1327 = arith.constant 0.000000e+00 : f32
    %broadcast_in_dim3A_1328 = vector.broadcast %broadcast_in_dim3A_1327 : f32 to vector<16xf32>
    %swap3A_1329 = arith.constant 20 : i32
    %swap3A_1330 = arith.index_cast %swap3A_1329 : i32 to index
    %swap3A_1331 = arith.constant 96 : index
    %swap3A_1332 = tpu.vector_load %arg11[%swap3A_1330, %swap3A_1331] {strides = array<i32>} : memref<32x128xf32, #tpu.memory_space<vmem>>, vector<1x16xf32>,
    %swap3A_1333 = vector.shape_cast %swap3A_1332 : vector<1x16xf32> to vector<16xf32>
    %swap3A_1334 = vector.shape_cast %broadcast_in_dim3A_1328 : vector<16xf32> to vector<1x16xf32>
    tpu.vector_store %arg11[%swap3A_1330, %swap3A_1331], %swap3A_1334 {strides = array<i32>} : memref<32x128xf32, #tpu.memory_space<vmem>>, vector<1x16xf32>,
    %broadcast_in_dim3A_1335 = arith.constant 0.000000e+00 : f32
    %broadcast_in_dim3A_1336 = vector.broadcast %broadcast_in_dim3A_1335 : f32 to vector<16xf32>
    %swap3A_1337 = arith.constant 20 : i32
    %swap3A_1338 = arith.index_cast %swap3A_1337 : i32 to index
    %swap3A_1339 = arith.constant 112 : index
    %swap3A_1340 = tpu.vector_load %arg11[%swap3A_1338, %swap3A_1339] {strides = array<i32>} : memref<32x128xf32, #tpu.memory_space<vmem>>, vector<1x16xf32>,
    %swap3A_1341 = vector.shape_cast %swap3A_1340 : vector<1x16xf32> to vector<16xf32>
    %swap3A_1342 = vector.shape_cast %broadcast_in_dim3A_1336 : vector<16xf32> to vector<1x16xf32>
    tpu.vector_store %arg11[%swap3A_1338, %swap3A_1339], %swap3A_1342 {strides = array<i32>} : memref<32x128xf32, #tpu.memory_space<vmem>>, vector<1x16xf32>,
    %broadcast_in_dim3A_1343 = arith.constant 0.000000e+00 : f32
    %broadcast_in_dim3A_1344 = vector.broadcast %broadcast_in_dim3A_1343 : f32 to vector<16xf32>
    %swap3A_1345 = arith.constant 21 : i32
    %swap3A_1346 = arith.index_cast %swap3A_1345 : i32 to index
    %swap3A_1347 = arith.constant 0 : index
    %swap3A_1348 = tpu.vector_load %arg11[%swap3A_1346, %swap3A_1347] {strides = array<i32>} : memref<32x128xf32, #tpu.memory_space<vmem>>, vector<1x16xf32>,
    %swap3A_1349 = vector.shape_cast %swap3A_1348 : vector<1x16xf32> to vector<16xf32>
    %swap3A_1350 = vector.shape_cast %broadcast_in_dim3A_1344 : vector<16xf32> to vector<1x16xf32>
    tpu.vector_store %arg11[%swap3A_1346, %swap3A_1347], %swap3A_1350 {strides = array<i32>} : memref<32x128xf32, #tpu.memory_space<vmem>>, vector<1x16xf32>,
    %broadcast_in_dim3A_1351 = arith.constant 0.000000e+00 : f32
    %broadcast_in_dim3A_1352 = vector.broadcast %broadcast_in_dim3A_1351 : f32 to vector<16xf32>
    %swap3A_1353 = arith.constant 21 : i32
    %swap3A_1354 = arith.index_cast %swap3A_1353 : i32 to index
    %swap3A_1355 = arith.constant 16 : index
    %swap3A_1356 = tpu.vector_load %arg11[%swap3A_1354, %swap3A_1355] {strides = array<i32>} : memref<32x128xf32, #tpu.memory_space<vmem>>, vector<1x16xf32>,
    %swap3A_1357 = vector.shape_cast %swap3A_1356 : vector<1x16xf32> to vector<16xf32>
    %swap3A_1358 = vector.shape_cast %broadcast_in_dim3A_1352 : vector<16xf32> to vector<1x16xf32>
    tpu.vector_store %arg11[%swap3A_1354, %swap3A_1355], %swap3A_1358 {strides = array<i32>} : memref<32x128xf32, #tpu.memory_space<vmem>>, vector<1x16xf32>,
    %broadcast_in_dim3A_1359 = arith.constant 0.000000e+00 : f32
    %broadcast_in_dim3A_1360 = vector.broadcast %broadcast_in_dim3A_1359 : f32 to vector<16xf32>
    %swap3A_1361 = arith.constant 21 : i32
    %swap3A_1362 = arith.index_cast %swap3A_1361 : i32 to index
    %swap3A_1363 = arith.constant 32 : index
    %swap3A_1364 = tpu.vector_load %arg11[%swap3A_1362, %swap3A_1363] {strides = array<i32>} : memref<32x128xf32, #tpu.memory_space<vmem>>, vector<1x16xf32>,
    %swap3A_1365 = vector.shape_cast %swap3A_1364 : vector<1x16xf32> to vector<16xf32>
    %swap3A_1366 = vector.shape_cast %broadcast_in_dim3A_1360 : vector<16xf32> to vector<1x16xf32>
    tpu.vector_store %arg11[%swap3A_1362, %swap3A_1363], %swap3A_1366 {strides = array<i32>} : memref<32x128xf32, #tpu.memory_space<vmem>>, vector<1x16xf32>,
    %broadcast_in_dim3A_1367 = arith.constant 0.000000e+00 : f32
    %broadcast_in_dim3A_1368 = vector.broadcast %broadcast_in_dim3A_1367 : f32 to vector<16xf32>
    %swap3A_1369 = arith.constant 21 : i32
    %swap3A_1370 = arith.index_cast %swap3A_1369 : i32 to index
    %swap3A_1371 = arith.constant 48 : index
    %swap3A_1372 = tpu.vector_load %arg11[%swap3A_1370, %swap3A_1371] {strides = array<i32>} : memref<32x128xf32, #tpu.memory_space<vmem>>, vector<1x16xf32>,
    %swap3A_1373 = vector.shape_cast %swap3A_1372 : vector<1x16xf32> to vector<16xf32>
    %swap3A_1374 = vector.shape_cast %broadcast_in_dim3A_1368 : vector<16xf32> to vector<1x16xf32>
    tpu.vector_store %arg11[%swap3A_1370, %swap3A_1371], %swap3A_1374 {strides = array<i32>} : memref<32x128xf32, #tpu.memory_space<vmem>>, vector<1x16xf32>,
    %broadcast_in_dim3A_1375 = arith.constant 0.000000e+00 : f32
    %broadcast_in_dim3A_1376 = vector.broadcast %broadcast_in_dim3A_1375 : f32 to vector<16xf32>
    %swap3A_1377 = arith.constant 21 : i32
    %swap3A_1378 = arith.index_cast %swap3A_1377 : i32 to index
    %swap3A_1379 = arith.constant 64 : index
    %swap3A_1380 = tpu.vector_load %arg11[%swap3A_1378, %swap3A_1379] {strides = array<i32>} : memref<32x128xf32, #tpu.memory_space<vmem>>, vector<1x16xf32>,
    %swap3A_1381 = vector.shape_cast %swap3A_1380 : vector<1x16xf32> to vector<16xf32>
    %swap3A_1382 = vector.shape_cast %broadcast_in_dim3A_1376 : vector<16xf32> to vector<1x16xf32>
    tpu.vector_store %arg11[%swap3A_1378, %swap3A_1379], %swap3A_1382 {strides = array<i32>} : memref<32x128xf32, #tpu.memory_space<vmem>>, vector<1x16xf32>,
    %broadcast_in_dim3A_1383 = arith.constant 0.000000e+00 : f32
    %broadcast_in_dim3A_1384 = vector.broadcast %broadcast_in_dim3A_1383 : f32 to vector<16xf32>
    %swap3A_1385 = arith.constant 21 : i32
    %swap3A_1386 = arith.index_cast %swap3A_1385 : i32 to index
    %swap3A_1387 = arith.constant 80 : index
    %swap3A_1388 = tpu.vector_load %arg11[%swap3A_1386, %swap3A_1387] {strides = array<i32>} : memref<32x128xf32, #tpu.memory_space<vmem>>, vector<1x16xf32>,
    %swap3A_1389 = vector.shape_cast %swap3A_1388 : vector<1x16xf32> to vector<16xf32>
    %swap3A_1390 = vector.shape_cast %broadcast_in_dim3A_1384 : vector<16xf32> to vector<1x16xf32>
    tpu.vector_store %arg11[%swap3A_1386, %swap3A_1387], %swap3A_1390 {strides = array<i32>} : memref<32x128xf32, #tpu.memory_space<vmem>>, vector<1x16xf32>,
    %broadcast_in_dim3A_1391 = arith.constant 0.000000e+00 : f32
    %broadcast_in_dim3A_1392 = vector.broadcast %broadcast_in_dim3A_1391 : f32 to vector<16xf32>
    %swap3A_1393 = arith.constant 21 : i32
    %swap3A_1394 = arith.index_cast %swap3A_1393 : i32 to index
    %swap3A_1395 = arith.constant 96 : index
    %swap3A_1396 = tpu.vector_load %arg11[%swap3A_1394, %swap3A_1395] {strides = array<i32>} : memref<32x128xf32, #tpu.memory_space<vmem>>, vector<1x16xf32>,
    %swap3A_1397 = vector.shape_cast %swap3A_1396 : vector<1x16xf32> to vector<16xf32>
    %swap3A_1398 = vector.shape_cast %broadcast_in_dim3A_1392 : vector<16xf32> to vector<1x16xf32>
    tpu.vector_store %arg11[%swap3A_1394, %swap3A_1395], %swap3A_1398 {strides = array<i32>} : memref<32x128xf32, #tpu.memory_space<vmem>>, vector<1x16xf32>,
    %broadcast_in_dim3A_1399 = arith.constant 0.000000e+00 : f32
    %broadcast_in_dim3A_1400 = vector.broadcast %broadcast_in_dim3A_1399 : f32 to vector<16xf32>
    %swap3A_1401 = arith.constant 21 : i32
    %swap3A_1402 = arith.index_cast %swap3A_1401 : i32 to index
    %swap3A_1403 = arith.constant 112 : index
    %swap3A_1404 = tpu.vector_load %arg11[%swap3A_1402, %swap3A_1403] {strides = array<i32>} : memref<32x128xf32, #tpu.memory_space<vmem>>, vector<1x16xf32>,
    %swap3A_1405 = vector.shape_cast %swap3A_1404 : vector<1x16xf32> to vector<16xf32>
    %swap3A_1406 = vector.shape_cast %broadcast_in_dim3A_1400 : vector<16xf32> to vector<1x16xf32>
    tpu.vector_store %arg11[%swap3A_1402, %swap3A_1403], %swap3A_1406 {strides = array<i32>} : memref<32x128xf32, #tpu.memory_space<vmem>>, vector<1x16xf32>,
    %broadcast_in_dim3A_1407 = arith.constant 0.000000e+00 : f32
    %broadcast_in_dim3A_1408 = vector.broadcast %broadcast_in_dim3A_1407 : f32 to vector<16xf32>
    %swap3A_1409 = arith.constant 22 : i32
    %swap3A_1410 = arith.index_cast %swap3A_1409 : i32 to index
    %swap3A_1411 = arith.constant 0 : index
    %swap3A_1412 = tpu.vector_load %arg11[%swap3A_1410, %swap3A_1411] {strides = array<i32>} : memref<32x128xf32, #tpu.memory_space<vmem>>, vector<1x16xf32>,
    %swap3A_1413 = vector.shape_cast %swap3A_1412 : vector<1x16xf32> to vector<16xf32>
    %swap3A_1414 = vector.shape_cast %broadcast_in_dim3A_1408 : vector<16xf32> to vector<1x16xf32>
    tpu.vector_store %arg11[%swap3A_1410, %swap3A_1411], %swap3A_1414 {strides = array<i32>} : memref<32x128xf32, #tpu.memory_space<vmem>>, vector<1x16xf32>,
    %broadcast_in_dim3A_1415 = arith.constant 0.000000e+00 : f32
    %broadcast_in_dim3A_1416 = vector.broadcast %broadcast_in_dim3A_1415 : f32 to vector<16xf32>
    %swap3A_1417 = arith.constant 22 : i32
    %swap3A_1418 = arith.index_cast %swap3A_1417 : i32 to index
    %swap3A_1419 = arith.constant 16 : index
    %swap3A_1420 = tpu.vector_load %arg11[%swap3A_1418, %swap3A_1419] {strides = array<i32>} : memref<32x128xf32, #tpu.memory_space<vmem>>, vector<1x16xf32>,
    %swap3A_1421 = vector.shape_cast %swap3A_1420 : vector<1x16xf32> to vector<16xf32>
    %swap3A_1422 = vector.shape_cast %broadcast_in_dim3A_1416 : vector<16xf32> to vector<1x16xf32>
    tpu.vector_store %arg11[%swap3A_1418, %swap3A_1419], %swap3A_1422 {strides = array<i32>} : memref<32x128xf32, #tpu.memory_space<vmem>>, vector<1x16xf32>,
    %broadcast_in_dim3A_1423 = arith.constant 0.000000e+00 : f32
    %broadcast_in_dim3A_1424 = vector.broadcast %broadcast_in_dim3A_1423 : f32 to vector<16xf32>
    %swap3A_1425 = arith.constant 22 : i32
    %swap3A_1426 = arith.index_cast %swap3A_1425 : i32 to index
    %swap3A_1427 = arith.constant 32 : index
    %swap3A_1428 = tpu.vector_load %arg11[%swap3A_1426, %swap3A_1427] {strides = array<i32>} : memref<32x128xf32, #tpu.memory_space<vmem>>, vector<1x16xf32>,
    %swap3A_1429 = vector.shape_cast %swap3A_1428 : vector<1x16xf32> to vector<16xf32>
    %swap3A_1430 = vector.shape_cast %broadcast_in_dim3A_1424 : vector<16xf32> to vector<1x16xf32>
    tpu.vector_store %arg11[%swap3A_1426, %swap3A_1427], %swap3A_1430 {strides = array<i32>} : memref<32x128xf32, #tpu.memory_space<vmem>>, vector<1x16xf32>,
    %broadcast_in_dim3A_1431 = arith.constant 0.000000e+00 : f32
    %broadcast_in_dim3A_1432 = vector.broadcast %broadcast_in_dim3A_1431 : f32 to vector<16xf32>
    %swap3A_1433 = arith.constant 22 : i32
    %swap3A_1434 = arith.index_cast %swap3A_1433 : i32 to index
    %swap3A_1435 = arith.constant 48 : index
    %swap3A_1436 = tpu.vector_load %arg11[%swap3A_1434, %swap3A_1435] {strides = array<i32>} : memref<32x128xf32, #tpu.memory_space<vmem>>, vector<1x16xf32>,
    %swap3A_1437 = vector.shape_cast %swap3A_1436 : vector<1x16xf32> to vector<16xf32>
    %swap3A_1438 = vector.shape_cast %broadcast_in_dim3A_1432 : vector<16xf32> to vector<1x16xf32>
    tpu.vector_store %arg11[%swap3A_1434, %swap3A_1435], %swap3A_1438 {strides = array<i32>} : memref<32x128xf32, #tpu.memory_space<vmem>>, vector<1x16xf32>,
    %broadcast_in_dim3A_1439 = arith.constant 0.000000e+00 : f32
    %broadcast_in_dim3A_1440 = vector.broadcast %broadcast_in_dim3A_1439 : f32 to vector<16xf32>
    %swap3A_1441 = arith.constant 22 : i32
    %swap3A_1442 = arith.index_cast %swap3A_1441 : i32 to index
    %swap3A_1443 = arith.constant 64 : index
    %swap3A_1444 = tpu.vector_load %arg11[%swap3A_1442, %swap3A_1443] {strides = array<i32>} : memref<32x128xf32, #tpu.memory_space<vmem>>, vector<1x16xf32>,
    %swap3A_1445 = vector.shape_cast %swap3A_1444 : vector<1x16xf32> to vector<16xf32>
    %swap3A_1446 = vector.shape_cast %broadcast_in_dim3A_1440 : vector<16xf32> to vector<1x16xf32>
    tpu.vector_store %arg11[%swap3A_1442, %swap3A_1443], %swap3A_1446 {strides = array<i32>} : memref<32x128xf32, #tpu.memory_space<vmem>>, vector<1x16xf32>,
    %broadcast_in_dim3A_1447 = arith.constant 0.000000e+00 : f32
    %broadcast_in_dim3A_1448 = vector.broadcast %broadcast_in_dim3A_1447 : f32 to vector<16xf32>
    %swap3A_1449 = arith.constant 22 : i32
    %swap3A_1450 = arith.index_cast %swap3A_1449 : i32 to index
    %swap3A_1451 = arith.constant 80 : index
    %swap3A_1452 = tpu.vector_load %arg11[%swap3A_1450, %swap3A_1451] {strides = array<i32>} : memref<32x128xf32, #tpu.memory_space<vmem>>, vector<1x16xf32>,
    %swap3A_1453 = vector.shape_cast %swap3A_1452 : vector<1x16xf32> to vector<16xf32>
    %swap3A_1454 = vector.shape_cast %broadcast_in_dim3A_1448 : vector<16xf32> to vector<1x16xf32>
    tpu.vector_store %arg11[%swap3A_1450, %swap3A_1451], %swap3A_1454 {strides = array<i32>} : memref<32x128xf32, #tpu.memory_space<vmem>>, vector<1x16xf32>,
    %broadcast_in_dim3A_1455 = arith.constant 0.000000e+00 : f32
    %broadcast_in_dim3A_1456 = vector.broadcast %broadcast_in_dim3A_1455 : f32 to vector<16xf32>
    %swap3A_1457 = arith.constant 22 : i32
    %swap3A_1458 = arith.index_cast %swap3A_1457 : i32 to index
    %swap3A_1459 = arith.constant 96 : index
    %swap3A_1460 = tpu.vector_load %arg11[%swap3A_1458, %swap3A_1459] {strides = array<i32>} : memref<32x128xf32, #tpu.memory_space<vmem>>, vector<1x16xf32>,
    %swap3A_1461 = vector.shape_cast %swap3A_1460 : vector<1x16xf32> to vector<16xf32>
    %swap3A_1462 = vector.shape_cast %broadcast_in_dim3A_1456 : vector<16xf32> to vector<1x16xf32>
    tpu.vector_store %arg11[%swap3A_1458, %swap3A_1459], %swap3A_1462 {strides = array<i32>} : memref<32x128xf32, #tpu.memory_space<vmem>>, vector<1x16xf32>,
    %broadcast_in_dim3A_1463 = arith.constant 0.000000e+00 : f32
    %broadcast_in_dim3A_1464 = vector.broadcast %broadcast_in_dim3A_1463 : f32 to vector<16xf32>
    %swap3A_1465 = arith.constant 22 : i32
    %swap3A_1466 = arith.index_cast %swap3A_1465 : i32 to index
    %swap3A_1467 = arith.constant 112 : index
    %swap3A_1468 = tpu.vector_load %arg11[%swap3A_1466, %swap3A_1467] {strides = array<i32>} : memref<32x128xf32, #tpu.memory_space<vmem>>, vector<1x16xf32>,
    %swap3A_1469 = vector.shape_cast %swap3A_1468 : vector<1x16xf32> to vector<16xf32>
    %swap3A_1470 = vector.shape_cast %broadcast_in_dim3A_1464 : vector<16xf32> to vector<1x16xf32>
    tpu.vector_store %arg11[%swap3A_1466, %swap3A_1467], %swap3A_1470 {strides = array<i32>} : memref<32x128xf32, #tpu.memory_space<vmem>>, vector<1x16xf32>,
    %broadcast_in_dim3A_1471 = arith.constant 0.000000e+00 : f32
    %broadcast_in_dim3A_1472 = vector.broadcast %broadcast_in_dim3A_1471 : f32 to vector<16xf32>
    %swap3A_1473 = arith.constant 23 : i32
    %swap3A_1474 = arith.index_cast %swap3A_1473 : i32 to index
    %swap3A_1475 = arith.constant 0 : index
    %swap3A_1476 = tpu.vector_load %arg11[%swap3A_1474, %swap3A_1475] {strides = array<i32>} : memref<32x128xf32, #tpu.memory_space<vmem>>, vector<1x16xf32>,
    %swap3A_1477 = vector.shape_cast %swap3A_1476 : vector<1x16xf32> to vector<16xf32>
    %swap3A_1478 = vector.shape_cast %broadcast_in_dim3A_1472 : vector<16xf32> to vector<1x16xf32>
    tpu.vector_store %arg11[%swap3A_1474, %swap3A_1475], %swap3A_1478 {strides = array<i32>} : memref<32x128xf32, #tpu.memory_space<vmem>>, vector<1x16xf32>,
    %broadcast_in_dim3A_1479 = arith.constant 0.000000e+00 : f32
    %broadcast_in_dim3A_1480 = vector.broadcast %broadcast_in_dim3A_1479 : f32 to vector<16xf32>
    %swap3A_1481 = arith.constant 23 : i32
    %swap3A_1482 = arith.index_cast %swap3A_1481 : i32 to index
    %swap3A_1483 = arith.constant 16 : index
    %swap3A_1484 = tpu.vector_load %arg11[%swap3A_1482, %swap3A_1483] {strides = array<i32>} : memref<32x128xf32, #tpu.memory_space<vmem>>, vector<1x16xf32>,
    %swap3A_1485 = vector.shape_cast %swap3A_1484 : vector<1x16xf32> to vector<16xf32>
    %swap3A_1486 = vector.shape_cast %broadcast_in_dim3A_1480 : vector<16xf32> to vector<1x16xf32>
    tpu.vector_store %arg11[%swap3A_1482, %swap3A_1483], %swap3A_1486 {strides = array<i32>} : memref<32x128xf32, #tpu.memory_space<vmem>>, vector<1x16xf32>,
    %broadcast_in_dim3A_1487 = arith.constant 0.000000e+00 : f32
    %broadcast_in_dim3A_1488 = vector.broadcast %broadcast_in_dim3A_1487 : f32 to vector<16xf32>
    %swap3A_1489 = arith.constant 23 : i32
    %swap3A_1490 = arith.index_cast %swap3A_1489 : i32 to index
    %swap3A_1491 = arith.constant 32 : index
    %swap3A_1492 = tpu.vector_load %arg11[%swap3A_1490, %swap3A_1491] {strides = array<i32>} : memref<32x128xf32, #tpu.memory_space<vmem>>, vector<1x16xf32>,
    %swap3A_1493 = vector.shape_cast %swap3A_1492 : vector<1x16xf32> to vector<16xf32>
    %swap3A_1494 = vector.shape_cast %broadcast_in_dim3A_1488 : vector<16xf32> to vector<1x16xf32>
    tpu.vector_store %arg11[%swap3A_1490, %swap3A_1491], %swap3A_1494 {strides = array<i32>} : memref<32x128xf32, #tpu.memory_space<vmem>>, vector<1x16xf32>,
    %broadcast_in_dim3A_1495 = arith.constant 0.000000e+00 : f32
    %broadcast_in_dim3A_1496 = vector.broadcast %broadcast_in_dim3A_1495 : f32 to vector<16xf32>
    %swap3A_1497 = arith.constant 23 : i32
    %swap3A_1498 = arith.index_cast %swap3A_1497 : i32 to index
    %swap3A_1499 = arith.constant 48 : index
    %swap3A_1500 = tpu.vector_load %arg11[%swap3A_1498, %swap3A_1499] {strides = array<i32>} : memref<32x128xf32, #tpu.memory_space<vmem>>, vector<1x16xf32>,
    %swap3A_1501 = vector.shape_cast %swap3A_1500 : vector<1x16xf32> to vector<16xf32>
    %swap3A_1502 = vector.shape_cast %broadcast_in_dim3A_1496 : vector<16xf32> to vector<1x16xf32>
    tpu.vector_store %arg11[%swap3A_1498, %swap3A_1499], %swap3A_1502 {strides = array<i32>} : memref<32x128xf32, #tpu.memory_space<vmem>>, vector<1x16xf32>,
    %broadcast_in_dim3A_1503 = arith.constant 0.000000e+00 : f32
    %broadcast_in_dim3A_1504 = vector.broadcast %broadcast_in_dim3A_1503 : f32 to vector<16xf32>
    %swap3A_1505 = arith.constant 23 : i32
    %swap3A_1506 = arith.index_cast %swap3A_1505 : i32 to index
    %swap3A_1507 = arith.constant 64 : index
    %swap3A_1508 = tpu.vector_load %arg11[%swap3A_1506, %swap3A_1507] {strides = array<i32>} : memref<32x128xf32, #tpu.memory_space<vmem>>, vector<1x16xf32>,
    %swap3A_1509 = vector.shape_cast %swap3A_1508 : vector<1x16xf32> to vector<16xf32>
    %swap3A_1510 = vector.shape_cast %broadcast_in_dim3A_1504 : vector<16xf32> to vector<1x16xf32>
    tpu.vector_store %arg11[%swap3A_1506, %swap3A_1507], %swap3A_1510 {strides = array<i32>} : memref<32x128xf32, #tpu.memory_space<vmem>>, vector<1x16xf32>,
    %broadcast_in_dim3A_1511 = arith.constant 0.000000e+00 : f32
    %broadcast_in_dim3A_1512 = vector.broadcast %broadcast_in_dim3A_1511 : f32 to vector<16xf32>
    %swap3A_1513 = arith.constant 23 : i32
    %swap3A_1514 = arith.index_cast %swap3A_1513 : i32 to index
    %swap3A_1515 = arith.constant 80 : index
    %swap3A_1516 = tpu.vector_load %arg11[%swap3A_1514, %swap3A_1515] {strides = array<i32>} : memref<32x128xf32, #tpu.memory_space<vmem>>, vector<1x16xf32>,
    %swap3A_1517 = vector.shape_cast %swap3A_1516 : vector<1x16xf32> to vector<16xf32>
    %swap3A_1518 = vector.shape_cast %broadcast_in_dim3A_1512 : vector<16xf32> to vector<1x16xf32>
    tpu.vector_store %arg11[%swap3A_1514, %swap3A_1515], %swap3A_1518 {strides = array<i32>} : memref<32x128xf32, #tpu.memory_space<vmem>>, vector<1x16xf32>,
    %broadcast_in_dim3A_1519 = arith.constant 0.000000e+00 : f32
    %broadcast_in_dim3A_1520 = vector.broadcast %broadcast_in_dim3A_1519 : f32 to vector<16xf32>
    %swap3A_1521 = arith.constant 23 : i32
    %swap3A_1522 = arith.index_cast %swap3A_1521 : i32 to index
    %swap3A_1523 = arith.constant 96 : index
    %swap3A_1524 = tpu.vector_load %arg11[%swap3A_1522, %swap3A_1523] {strides = array<i32>} : memref<32x128xf32, #tpu.memory_space<vmem>>, vector<1x16xf32>,
    %swap3A_1525 = vector.shape_cast %swap3A_1524 : vector<1x16xf32> to vector<16xf32>
    %swap3A_1526 = vector.shape_cast %broadcast_in_dim3A_1520 : vector<16xf32> to vector<1x16xf32>
    tpu.vector_store %arg11[%swap3A_1522, %swap3A_1523], %swap3A_1526 {strides = array<i32>} : memref<32x128xf32, #tpu.memory_space<vmem>>, vector<1x16xf32>,
    %broadcast_in_dim3A_1527 = arith.constant 0.000000e+00 : f32
    %broadcast_in_dim3A_1528 = vector.broadcast %broadcast_in_dim3A_1527 : f32 to vector<16xf32>
    %swap3A_1529 = arith.constant 23 : i32
    %swap3A_1530 = arith.index_cast %swap3A_1529 : i32 to index
    %swap3A_1531 = arith.constant 112 : index
    %swap3A_1532 = tpu.vector_load %arg11[%swap3A_1530, %swap3A_1531] {strides = array<i32>} : memref<32x128xf32, #tpu.memory_space<vmem>>, vector<1x16xf32>,
    %swap3A_1533 = vector.shape_cast %swap3A_1532 : vector<1x16xf32> to vector<16xf32>
    %swap3A_1534 = vector.shape_cast %broadcast_in_dim3A_1528 : vector<16xf32> to vector<1x16xf32>
    tpu.vector_store %arg11[%swap3A_1530, %swap3A_1531], %swap3A_1534 {strides = array<i32>} : memref<32x128xf32, #tpu.memory_space<vmem>>, vector<1x16xf32>,
    %broadcast_in_dim3A_1535 = arith.constant 0.000000e+00 : f32
    %broadcast_in_dim3A_1536 = vector.broadcast %broadcast_in_dim3A_1535 : f32 to vector<16xf32>
    %swap3A_1537 = arith.constant 24 : i32
    %swap3A_1538 = arith.index_cast %swap3A_1537 : i32 to index
    %swap3A_1539 = arith.constant 0 : index
    %swap3A_1540 = tpu.vector_load %arg11[%swap3A_1538, %swap3A_1539] {strides = array<i32>} : memref<32x128xf32, #tpu.memory_space<vmem>>, vector<1x16xf32>,
    %swap3A_1541 = vector.shape_cast %swap3A_1540 : vector<1x16xf32> to vector<16xf32>
    %swap3A_1542 = vector.shape_cast %broadcast_in_dim3A_1536 : vector<16xf32> to vector<1x16xf32>
    tpu.vector_store %arg11[%swap3A_1538, %swap3A_1539], %swap3A_1542 {strides = array<i32>} : memref<32x128xf32, #tpu.memory_space<vmem>>, vector<1x16xf32>,
    %broadcast_in_dim3A_1543 = arith.constant 0.000000e+00 : f32
    %broadcast_in_dim3A_1544 = vector.broadcast %broadcast_in_dim3A_1543 : f32 to vector<16xf32>
    %swap3A_1545 = arith.constant 24 : i32
    %swap3A_1546 = arith.index_cast %swap3A_1545 : i32 to index
    %swap3A_1547 = arith.constant 16 : index
    %swap3A_1548 = tpu.vector_load %arg11[%swap3A_1546, %swap3A_1547] {strides = array<i32>} : memref<32x128xf32, #tpu.memory_space<vmem>>, vector<1x16xf32>,
    %swap3A_1549 = vector.shape_cast %swap3A_1548 : vector<1x16xf32> to vector<16xf32>
    %swap3A_1550 = vector.shape_cast %broadcast_in_dim3A_1544 : vector<16xf32> to vector<1x16xf32>
    tpu.vector_store %arg11[%swap3A_1546, %swap3A_1547], %swap3A_1550 {strides = array<i32>} : memref<32x128xf32, #tpu.memory_space<vmem>>, vector<1x16xf32>,
    %broadcast_in_dim3A_1551 = arith.constant 0.000000e+00 : f32
    %broadcast_in_dim3A_1552 = vector.broadcast %broadcast_in_dim3A_1551 : f32 to vector<16xf32>
    %swap3A_1553 = arith.constant 24 : i32
    %swap3A_1554 = arith.index_cast %swap3A_1553 : i32 to index
    %swap3A_1555 = arith.constant 32 : index
    %swap3A_1556 = tpu.vector_load %arg11[%swap3A_1554, %swap3A_1555] {strides = array<i32>} : memref<32x128xf32, #tpu.memory_space<vmem>>, vector<1x16xf32>,
    %swap3A_1557 = vector.shape_cast %swap3A_1556 : vector<1x16xf32> to vector<16xf32>
    %swap3A_1558 = vector.shape_cast %broadcast_in_dim3A_1552 : vector<16xf32> to vector<1x16xf32>
    tpu.vector_store %arg11[%swap3A_1554, %swap3A_1555], %swap3A_1558 {strides = array<i32>} : memref<32x128xf32, #tpu.memory_space<vmem>>, vector<1x16xf32>,
    %broadcast_in_dim3A_1559 = arith.constant 0.000000e+00 : f32
    %broadcast_in_dim3A_1560 = vector.broadcast %broadcast_in_dim3A_1559 : f32 to vector<16xf32>
    %swap3A_1561 = arith.constant 24 : i32
    %swap3A_1562 = arith.index_cast %swap3A_1561 : i32 to index
    %swap3A_1563 = arith.constant 48 : index
    %swap3A_1564 = tpu.vector_load %arg11[%swap3A_1562, %swap3A_1563] {strides = array<i32>} : memref<32x128xf32, #tpu.memory_space<vmem>>, vector<1x16xf32>,
    %swap3A_1565 = vector.shape_cast %swap3A_1564 : vector<1x16xf32> to vector<16xf32>
    %swap3A_1566 = vector.shape_cast %broadcast_in_dim3A_1560 : vector<16xf32> to vector<1x16xf32>
    tpu.vector_store %arg11[%swap3A_1562, %swap3A_1563], %swap3A_1566 {strides = array<i32>} : memref<32x128xf32, #tpu.memory_space<vmem>>, vector<1x16xf32>,
    %broadcast_in_dim3A_1567 = arith.constant 0.000000e+00 : f32
    %broadcast_in_dim3A_1568 = vector.broadcast %broadcast_in_dim3A_1567 : f32 to vector<16xf32>
    %swap3A_1569 = arith.constant 24 : i32
    %swap3A_1570 = arith.index_cast %swap3A_1569 : i32 to index
    %swap3A_1571 = arith.constant 64 : index
    %swap3A_1572 = tpu.vector_load %arg11[%swap3A_1570, %swap3A_1571] {strides = array<i32>} : memref<32x128xf32, #tpu.memory_space<vmem>>, vector<1x16xf32>,
    %swap3A_1573 = vector.shape_cast %swap3A_1572 : vector<1x16xf32> to vector<16xf32>
    %swap3A_1574 = vector.shape_cast %broadcast_in_dim3A_1568 : vector<16xf32> to vector<1x16xf32>
    tpu.vector_store %arg11[%swap3A_1570, %swap3A_1571], %swap3A_1574 {strides = array<i32>} : memref<32x128xf32, #tpu.memory_space<vmem>>, vector<1x16xf32>,
    %broadcast_in_dim3A_1575 = arith.constant 0.000000e+00 : f32
    %broadcast_in_dim3A_1576 = vector.broadcast %broadcast_in_dim3A_1575 : f32 to vector<16xf32>
    %swap3A_1577 = arith.constant 24 : i32
    %swap3A_1578 = arith.index_cast %swap3A_1577 : i32 to index
    %swap3A_1579 = arith.constant 80 : index
    %swap3A_1580 = tpu.vector_load %arg11[%swap3A_1578, %swap3A_1579] {strides = array<i32>} : memref<32x128xf32, #tpu.memory_space<vmem>>, vector<1x16xf32>,
    %swap3A_1581 = vector.shape_cast %swap3A_1580 : vector<1x16xf32> to vector<16xf32>
    %swap3A_1582 = vector.shape_cast %broadcast_in_dim3A_1576 : vector<16xf32> to vector<1x16xf32>
    tpu.vector_store %arg11[%swap3A_1578, %swap3A_1579], %swap3A_1582 {strides = array<i32>} : memref<32x128xf32, #tpu.memory_space<vmem>>, vector<1x16xf32>,
    %broadcast_in_dim3A_1583 = arith.constant 0.000000e+00 : f32
    %broadcast_in_dim3A_1584 = vector.broadcast %broadcast_in_dim3A_1583 : f32 to vector<16xf32>
    %swap3A_1585 = arith.constant 24 : i32
    %swap3A_1586 = arith.index_cast %swap3A_1585 : i32 to index
    %swap3A_1587 = arith.constant 96 : index
    %swap3A_1588 = tpu.vector_load %arg11[%swap3A_1586, %swap3A_1587] {strides = array<i32>} : memref<32x128xf32, #tpu.memory_space<vmem>>, vector<1x16xf32>,
    %swap3A_1589 = vector.shape_cast %swap3A_1588 : vector<1x16xf32> to vector<16xf32>
    %swap3A_1590 = vector.shape_cast %broadcast_in_dim3A_1584 : vector<16xf32> to vector<1x16xf32>
    tpu.vector_store %arg11[%swap3A_1586, %swap3A_1587], %swap3A_1590 {strides = array<i32>} : memref<32x128xf32, #tpu.memory_space<vmem>>, vector<1x16xf32>,
    %broadcast_in_dim3A_1591 = arith.constant 0.000000e+00 : f32
    %broadcast_in_dim3A_1592 = vector.broadcast %broadcast_in_dim3A_1591 : f32 to vector<16xf32>
    %swap3A_1593 = arith.constant 24 : i32
    %swap3A_1594 = arith.index_cast %swap3A_1593 : i32 to index
    %swap3A_1595 = arith.constant 112 : index
    %swap3A_1596 = tpu.vector_load %arg11[%swap3A_1594, %swap3A_1595] {strides = array<i32>} : memref<32x128xf32, #tpu.memory_space<vmem>>, vector<1x16xf32>,
    %swap3A_1597 = vector.shape_cast %swap3A_1596 : vector<1x16xf32> to vector<16xf32>
    %swap3A_1598 = vector.shape_cast %broadcast_in_dim3A_1592 : vector<16xf32> to vector<1x16xf32>
    tpu.vector_store %arg11[%swap3A_1594, %swap3A_1595], %swap3A_1598 {strides = array<i32>} : memref<32x128xf32, #tpu.memory_space<vmem>>, vector<1x16xf32>,
    %broadcast_in_dim3A_1599 = arith.constant 0.000000e+00 : f32
    %broadcast_in_dim3A_1600 = vector.broadcast %broadcast_in_dim3A_1599 : f32 to vector<16xf32>
    %swap3A_1601 = arith.constant 25 : i32
    %swap3A_1602 = arith.index_cast %swap3A_1601 : i32 to index
    %swap3A_1603 = arith.constant 0 : index
    %swap3A_1604 = tpu.vector_load %arg11[%swap3A_1602, %swap3A_1603] {strides = array<i32>} : memref<32x128xf32, #tpu.memory_space<vmem>>, vector<1x16xf32>,
    %swap3A_1605 = vector.shape_cast %swap3A_1604 : vector<1x16xf32> to vector<16xf32>
    %swap3A_1606 = vector.shape_cast %broadcast_in_dim3A_1600 : vector<16xf32> to vector<1x16xf32>
    tpu.vector_store %arg11[%swap3A_1602, %swap3A_1603], %swap3A_1606 {strides = array<i32>} : memref<32x128xf32, #tpu.memory_space<vmem>>, vector<1x16xf32>,
    %broadcast_in_dim3A_1607 = arith.constant 0.000000e+00 : f32
    %broadcast_in_dim3A_1608 = vector.broadcast %broadcast_in_dim3A_1607 : f32 to vector<16xf32>
    %swap3A_1609 = arith.constant 25 : i32
    %swap3A_1610 = arith.index_cast %swap3A_1609 : i32 to index
    %swap3A_1611 = arith.constant 16 : index
    %swap3A_1612 = tpu.vector_load %arg11[%swap3A_1610, %swap3A_1611] {strides = array<i32>} : memref<32x128xf32, #tpu.memory_space<vmem>>, vector<1x16xf32>,
    %swap3A_1613 = vector.shape_cast %swap3A_1612 : vector<1x16xf32> to vector<16xf32>
    %swap3A_1614 = vector.shape_cast %broadcast_in_dim3A_1608 : vector<16xf32> to vector<1x16xf32>
    tpu.vector_store %arg11[%swap3A_1610, %swap3A_1611], %swap3A_1614 {strides = array<i32>} : memref<32x128xf32, #tpu.memory_space<vmem>>, vector<1x16xf32>,
    %broadcast_in_dim3A_1615 = arith.constant 0.000000e+00 : f32
    %broadcast_in_dim3A_1616 = vector.broadcast %broadcast_in_dim3A_1615 : f32 to vector<16xf32>
    %swap3A_1617 = arith.constant 25 : i32
    %swap3A_1618 = arith.index_cast %swap3A_1617 : i32 to index
    %swap3A_1619 = arith.constant 32 : index
    %swap3A_1620 = tpu.vector_load %arg11[%swap3A_1618, %swap3A_1619] {strides = array<i32>} : memref<32x128xf32, #tpu.memory_space<vmem>>, vector<1x16xf32>,
    %swap3A_1621 = vector.shape_cast %swap3A_1620 : vector<1x16xf32> to vector<16xf32>
    %swap3A_1622 = vector.shape_cast %broadcast_in_dim3A_1616 : vector<16xf32> to vector<1x16xf32>
    tpu.vector_store %arg11[%swap3A_1618, %swap3A_1619], %swap3A_1622 {strides = array<i32>} : memref<32x128xf32, #tpu.memory_space<vmem>>, vector<1x16xf32>,
    %broadcast_in_dim3A_1623 = arith.constant 0.000000e+00 : f32
    %broadcast_in_dim3A_1624 = vector.broadcast %broadcast_in_dim3A_1623 : f32 to vector<16xf32>
    %swap3A_1625 = arith.constant 25 : i32
    %swap3A_1626 = arith.index_cast %swap3A_1625 : i32 to index
    %swap3A_1627 = arith.constant 48 : index
    %swap3A_1628 = tpu.vector_load %arg11[%swap3A_1626, %swap3A_1627] {strides = array<i32>} : memref<32x128xf32, #tpu.memory_space<vmem>>, vector<1x16xf32>,
    %swap3A_1629 = vector.shape_cast %swap3A_1628 : vector<1x16xf32> to vector<16xf32>
    %swap3A_1630 = vector.shape_cast %broadcast_in_dim3A_1624 : vector<16xf32> to vector<1x16xf32>
    tpu.vector_store %arg11[%swap3A_1626, %swap3A_1627], %swap3A_1630 {strides = array<i32>} : memref<32x128xf32, #tpu.memory_space<vmem>>, vector<1x16xf32>,
    %broadcast_in_dim3A_1631 = arith.constant 0.000000e+00 : f32
    %broadcast_in_dim3A_1632 = vector.broadcast %broadcast_in_dim3A_1631 : f32 to vector<16xf32>
    %swap3A_1633 = arith.constant 25 : i32
    %swap3A_1634 = arith.index_cast %swap3A_1633 : i32 to index
    %swap3A_1635 = arith.constant 64 : index
    %swap3A_1636 = tpu.vector_load %arg11[%swap3A_1634, %swap3A_1635] {strides = array<i32>} : memref<32x128xf32, #tpu.memory_space<vmem>>, vector<1x16xf32>,
    %swap3A_1637 = vector.shape_cast %swap3A_1636 : vector<1x16xf32> to vector<16xf32>
    %swap3A_1638 = vector.shape_cast %broadcast_in_dim3A_1632 : vector<16xf32> to vector<1x16xf32>
    tpu.vector_store %arg11[%swap3A_1634, %swap3A_1635], %swap3A_1638 {strides = array<i32>} : memref<32x128xf32, #tpu.memory_space<vmem>>, vector<1x16xf32>,
    %broadcast_in_dim3A_1639 = arith.constant 0.000000e+00 : f32
    %broadcast_in_dim3A_1640 = vector.broadcast %broadcast_in_dim3A_1639 : f32 to vector<16xf32>
    %swap3A_1641 = arith.constant 25 : i32
    %swap3A_1642 = arith.index_cast %swap3A_1641 : i32 to index
    %swap3A_1643 = arith.constant 80 : index
    %swap3A_1644 = tpu.vector_load %arg11[%swap3A_1642, %swap3A_1643] {strides = array<i32>} : memref<32x128xf32, #tpu.memory_space<vmem>>, vector<1x16xf32>,
    %swap3A_1645 = vector.shape_cast %swap3A_1644 : vector<1x16xf32> to vector<16xf32>
    %swap3A_1646 = vector.shape_cast %broadcast_in_dim3A_1640 : vector<16xf32> to vector<1x16xf32>
    tpu.vector_store %arg11[%swap3A_1642, %swap3A_1643], %swap3A_1646 {strides = array<i32>} : memref<32x128xf32, #tpu.memory_space<vmem>>, vector<1x16xf32>,
    %broadcast_in_dim3A_1647 = arith.constant 0.000000e+00 : f32
    %broadcast_in_dim3A_1648 = vector.broadcast %broadcast_in_dim3A_1647 : f32 to vector<16xf32>
    %swap3A_1649 = arith.constant 25 : i32
    %swap3A_1650 = arith.index_cast %swap3A_1649 : i32 to index
    %swap3A_1651 = arith.constant 96 : index
    %swap3A_1652 = tpu.vector_load %arg11[%swap3A_1650, %swap3A_1651] {strides = array<i32>} : memref<32x128xf32, #tpu.memory_space<vmem>>, vector<1x16xf32>,
    %swap3A_1653 = vector.shape_cast %swap3A_1652 : vector<1x16xf32> to vector<16xf32>
    %swap3A_1654 = vector.shape_cast %broadcast_in_dim3A_1648 : vector<16xf32> to vector<1x16xf32>
    tpu.vector_store %arg11[%swap3A_1650, %swap3A_1651], %swap3A_1654 {strides = array<i32>} : memref<32x128xf32, #tpu.memory_space<vmem>>, vector<1x16xf32>,
    %broadcast_in_dim3A_1655 = arith.constant 0.000000e+00 : f32
    %broadcast_in_dim3A_1656 = vector.broadcast %broadcast_in_dim3A_1655 : f32 to vector<16xf32>
    %swap3A_1657 = arith.constant 25 : i32
    %swap3A_1658 = arith.index_cast %swap3A_1657 : i32 to index
    %swap3A_1659 = arith.constant 112 : index
    %swap3A_1660 = tpu.vector_load %arg11[%swap3A_1658, %swap3A_1659] {strides = array<i32>} : memref<32x128xf32, #tpu.memory_space<vmem>>, vector<1x16xf32>,
    %swap3A_1661 = vector.shape_cast %swap3A_1660 : vector<1x16xf32> to vector<16xf32>
    %swap3A_1662 = vector.shape_cast %broadcast_in_dim3A_1656 : vector<16xf32> to vector<1x16xf32>
    tpu.vector_store %arg11[%swap3A_1658, %swap3A_1659], %swap3A_1662 {strides = array<i32>} : memref<32x128xf32, #tpu.memory_space<vmem>>, vector<1x16xf32>,
    %broadcast_in_dim3A_1663 = arith.constant 0.000000e+00 : f32
    %broadcast_in_dim3A_1664 = vector.broadcast %broadcast_in_dim3A_1663 : f32 to vector<16xf32>
    %swap3A_1665 = arith.constant 26 : i32
    %swap3A_1666 = arith.index_cast %swap3A_1665 : i32 to index
    %swap3A_1667 = arith.constant 0 : index
    %swap3A_1668 = tpu.vector_load %arg11[%swap3A_1666, %swap3A_1667] {strides = array<i32>} : memref<32x128xf32, #tpu.memory_space<vmem>>, vector<1x16xf32>,
    %swap3A_1669 = vector.shape_cast %swap3A_1668 : vector<1x16xf32> to vector<16xf32>
    %swap3A_1670 = vector.shape_cast %broadcast_in_dim3A_1664 : vector<16xf32> to vector<1x16xf32>
    tpu.vector_store %arg11[%swap3A_1666, %swap3A_1667], %swap3A_1670 {strides = array<i32>} : memref<32x128xf32, #tpu.memory_space<vmem>>, vector<1x16xf32>,
    %broadcast_in_dim3A_1671 = arith.constant 0.000000e+00 : f32
    %broadcast_in_dim3A_1672 = vector.broadcast %broadcast_in_dim3A_1671 : f32 to vector<16xf32>
    %swap3A_1673 = arith.constant 26 : i32
    %swap3A_1674 = arith.index_cast %swap3A_1673 : i32 to index
    %swap3A_1675 = arith.constant 16 : index
    %swap3A_1676 = tpu.vector_load %arg11[%swap3A_1674, %swap3A_1675] {strides = array<i32>} : memref<32x128xf32, #tpu.memory_space<vmem>>, vector<1x16xf32>,
    %swap3A_1677 = vector.shape_cast %swap3A_1676 : vector<1x16xf32> to vector<16xf32>
    %swap3A_1678 = vector.shape_cast %broadcast_in_dim3A_1672 : vector<16xf32> to vector<1x16xf32>
    tpu.vector_store %arg11[%swap3A_1674, %swap3A_1675], %swap3A_1678 {strides = array<i32>} : memref<32x128xf32, #tpu.memory_space<vmem>>, vector<1x16xf32>,
    %broadcast_in_dim3A_1679 = arith.constant 0.000000e+00 : f32
    %broadcast_in_dim3A_1680 = vector.broadcast %broadcast_in_dim3A_1679 : f32 to vector<16xf32>
    %swap3A_1681 = arith.constant 26 : i32
    %swap3A_1682 = arith.index_cast %swap3A_1681 : i32 to index
    %swap3A_1683 = arith.constant 32 : index
    %swap3A_1684 = tpu.vector_load %arg11[%swap3A_1682, %swap3A_1683] {strides = array<i32>} : memref<32x128xf32, #tpu.memory_space<vmem>>, vector<1x16xf32>,
    %swap3A_1685 = vector.shape_cast %swap3A_1684 : vector<1x16xf32> to vector<16xf32>
    %swap3A_1686 = vector.shape_cast %broadcast_in_dim3A_1680 : vector<16xf32> to vector<1x16xf32>
    tpu.vector_store %arg11[%swap3A_1682, %swap3A_1683], %swap3A_1686 {strides = array<i32>} : memref<32x128xf32, #tpu.memory_space<vmem>>, vector<1x16xf32>,
    %broadcast_in_dim3A_1687 = arith.constant 0.000000e+00 : f32
    %broadcast_in_dim3A_1688 = vector.broadcast %broadcast_in_dim3A_1687 : f32 to vector<16xf32>
    %swap3A_1689 = arith.constant 26 : i32
    %swap3A_1690 = arith.index_cast %swap3A_1689 : i32 to index
    %swap3A_1691 = arith.constant 48 : index
    %swap3A_1692 = tpu.vector_load %arg11[%swap3A_1690, %swap3A_1691] {strides = array<i32>} : memref<32x128xf32, #tpu.memory_space<vmem>>, vector<1x16xf32>,
    %swap3A_1693 = vector.shape_cast %swap3A_1692 : vector<1x16xf32> to vector<16xf32>
    %swap3A_1694 = vector.shape_cast %broadcast_in_dim3A_1688 : vector<16xf32> to vector<1x16xf32>
    tpu.vector_store %arg11[%swap3A_1690, %swap3A_1691], %swap3A_1694 {strides = array<i32>} : memref<32x128xf32, #tpu.memory_space<vmem>>, vector<1x16xf32>,
    %broadcast_in_dim3A_1695 = arith.constant 0.000000e+00 : f32
    %broadcast_in_dim3A_1696 = vector.broadcast %broadcast_in_dim3A_1695 : f32 to vector<16xf32>
    %swap3A_1697 = arith.constant 26 : i32
    %swap3A_1698 = arith.index_cast %swap3A_1697 : i32 to index
    %swap3A_1699 = arith.constant 64 : index
    %swap3A_1700 = tpu.vector_load %arg11[%swap3A_1698, %swap3A_1699] {strides = array<i32>} : memref<32x128xf32, #tpu.memory_space<vmem>>, vector<1x16xf32>,
    %swap3A_1701 = vector.shape_cast %swap3A_1700 : vector<1x16xf32> to vector<16xf32>
    %swap3A_1702 = vector.shape_cast %broadcast_in_dim3A_1696 : vector<16xf32> to vector<1x16xf32>
    tpu.vector_store %arg11[%swap3A_1698, %swap3A_1699], %swap3A_1702 {strides = array<i32>} : memref<32x128xf32, #tpu.memory_space<vmem>>, vector<1x16xf32>,
    %broadcast_in_dim3A_1703 = arith.constant 0.000000e+00 : f32
    %broadcast_in_dim3A_1704 = vector.broadcast %broadcast_in_dim3A_1703 : f32 to vector<16xf32>
    %swap3A_1705 = arith.constant 26 : i32
    %swap3A_1706 = arith.index_cast %swap3A_1705 : i32 to index
    %swap3A_1707 = arith.constant 80 : index
    %swap3A_1708 = tpu.vector_load %arg11[%swap3A_1706, %swap3A_1707] {strides = array<i32>} : memref<32x128xf32, #tpu.memory_space<vmem>>, vector<1x16xf32>,
    %swap3A_1709 = vector.shape_cast %swap3A_1708 : vector<1x16xf32> to vector<16xf32>
    %swap3A_1710 = vector.shape_cast %broadcast_in_dim3A_1704 : vector<16xf32> to vector<1x16xf32>
    tpu.vector_store %arg11[%swap3A_1706, %swap3A_1707], %swap3A_1710 {strides = array<i32>} : memref<32x128xf32, #tpu.memory_space<vmem>>, vector<1x16xf32>,
    %broadcast_in_dim3A_1711 = arith.constant 0.000000e+00 : f32
    %broadcast_in_dim3A_1712 = vector.broadcast %broadcast_in_dim3A_1711 : f32 to vector<16xf32>
    %swap3A_1713 = arith.constant 26 : i32
    %swap3A_1714 = arith.index_cast %swap3A_1713 : i32 to index
    %swap3A_1715 = arith.constant 96 : index
    %swap3A_1716 = tpu.vector_load %arg11[%swap3A_1714, %swap3A_1715] {strides = array<i32>} : memref<32x128xf32, #tpu.memory_space<vmem>>, vector<1x16xf32>,
    %swap3A_1717 = vector.shape_cast %swap3A_1716 : vector<1x16xf32> to vector<16xf32>
    %swap3A_1718 = vector.shape_cast %broadcast_in_dim3A_1712 : vector<16xf32> to vector<1x16xf32>
    tpu.vector_store %arg11[%swap3A_1714, %swap3A_1715], %swap3A_1718 {strides = array<i32>} : memref<32x128xf32, #tpu.memory_space<vmem>>, vector<1x16xf32>,
    %broadcast_in_dim3A_1719 = arith.constant 0.000000e+00 : f32
    %broadcast_in_dim3A_1720 = vector.broadcast %broadcast_in_dim3A_1719 : f32 to vector<16xf32>
    %swap3A_1721 = arith.constant 26 : i32
    %swap3A_1722 = arith.index_cast %swap3A_1721 : i32 to index
    %swap3A_1723 = arith.constant 112 : index
    %swap3A_1724 = tpu.vector_load %arg11[%swap3A_1722, %swap3A_1723] {strides = array<i32>} : memref<32x128xf32, #tpu.memory_space<vmem>>, vector<1x16xf32>,
    %swap3A_1725 = vector.shape_cast %swap3A_1724 : vector<1x16xf32> to vector<16xf32>
    %swap3A_1726 = vector.shape_cast %broadcast_in_dim3A_1720 : vector<16xf32> to vector<1x16xf32>
    tpu.vector_store %arg11[%swap3A_1722, %swap3A_1723], %swap3A_1726 {strides = array<i32>} : memref<32x128xf32, #tpu.memory_space<vmem>>, vector<1x16xf32>,
    %broadcast_in_dim3A_1727 = arith.constant 0.000000e+00 : f32
    %broadcast_in_dim3A_1728 = vector.broadcast %broadcast_in_dim3A_1727 : f32 to vector<16xf32>
    %swap3A_1729 = arith.constant 27 : i32
    %swap3A_1730 = arith.index_cast %swap3A_1729 : i32 to index
    %swap3A_1731 = arith.constant 0 : index
    %swap3A_1732 = tpu.vector_load %arg11[%swap3A_1730, %swap3A_1731] {strides = array<i32>} : memref<32x128xf32, #tpu.memory_space<vmem>>, vector<1x16xf32>,
    %swap3A_1733 = vector.shape_cast %swap3A_1732 : vector<1x16xf32> to vector<16xf32>
    %swap3A_1734 = vector.shape_cast %broadcast_in_dim3A_1728 : vector<16xf32> to vector<1x16xf32>
    tpu.vector_store %arg11[%swap3A_1730, %swap3A_1731], %swap3A_1734 {strides = array<i32>} : memref<32x128xf32, #tpu.memory_space<vmem>>, vector<1x16xf32>,
    %broadcast_in_dim3A_1735 = arith.constant 0.000000e+00 : f32
    %broadcast_in_dim3A_1736 = vector.broadcast %broadcast_in_dim3A_1735 : f32 to vector<16xf32>
    %swap3A_1737 = arith.constant 27 : i32
    %swap3A_1738 = arith.index_cast %swap3A_1737 : i32 to index
    %swap3A_1739 = arith.constant 16 : index
    %swap3A_1740 = tpu.vector_load %arg11[%swap3A_1738, %swap3A_1739] {strides = array<i32>} : memref<32x128xf32, #tpu.memory_space<vmem>>, vector<1x16xf32>,
    %swap3A_1741 = vector.shape_cast %swap3A_1740 : vector<1x16xf32> to vector<16xf32>
    %swap3A_1742 = vector.shape_cast %broadcast_in_dim3A_1736 : vector<16xf32> to vector<1x16xf32>
    tpu.vector_store %arg11[%swap3A_1738, %swap3A_1739], %swap3A_1742 {strides = array<i32>} : memref<32x128xf32, #tpu.memory_space<vmem>>, vector<1x16xf32>,
    %broadcast_in_dim3A_1743 = arith.constant 0.000000e+00 : f32
    %broadcast_in_dim3A_1744 = vector.broadcast %broadcast_in_dim3A_1743 : f32 to vector<16xf32>
    %swap3A_1745 = arith.constant 27 : i32
    %swap3A_1746 = arith.index_cast %swap3A_1745 : i32 to index
    %swap3A_1747 = arith.constant 32 : index
    %swap3A_1748 = tpu.vector_load %arg11[%swap3A_1746, %swap3A_1747] {strides = array<i32>} : memref<32x128xf32, #tpu.memory_space<vmem>>, vector<1x16xf32>,
    %swap3A_1749 = vector.shape_cast %swap3A_1748 : vector<1x16xf32> to vector<16xf32>
    %swap3A_1750 = vector.shape_cast %broadcast_in_dim3A_1744 : vector<16xf32> to vector<1x16xf32>
    tpu.vector_store %arg11[%swap3A_1746, %swap3A_1747], %swap3A_1750 {strides = array<i32>} : memref<32x128xf32, #tpu.memory_space<vmem>>, vector<1x16xf32>,
    %broadcast_in_dim3A_1751 = arith.constant 0.000000e+00 : f32
    %broadcast_in_dim3A_1752 = vector.broadcast %broadcast_in_dim3A_1751 : f32 to vector<16xf32>
    %swap3A_1753 = arith.constant 27 : i32
    %swap3A_1754 = arith.index_cast %swap3A_1753 : i32 to index
    %swap3A_1755 = arith.constant 48 : index
    %swap3A_1756 = tpu.vector_load %arg11[%swap3A_1754, %swap3A_1755] {strides = array<i32>} : memref<32x128xf32, #tpu.memory_space<vmem>>, vector<1x16xf32>,
    %swap3A_1757 = vector.shape_cast %swap3A_1756 : vector<1x16xf32> to vector<16xf32>
    %swap3A_1758 = vector.shape_cast %broadcast_in_dim3A_1752 : vector<16xf32> to vector<1x16xf32>
    tpu.vector_store %arg11[%swap3A_1754, %swap3A_1755], %swap3A_1758 {strides = array<i32>} : memref<32x128xf32, #tpu.memory_space<vmem>>, vector<1x16xf32>,
    %broadcast_in_dim3A_1759 = arith.constant 0.000000e+00 : f32
    %broadcast_in_dim3A_1760 = vector.broadcast %broadcast_in_dim3A_1759 : f32 to vector<16xf32>
    %swap3A_1761 = arith.constant 27 : i32
    %swap3A_1762 = arith.index_cast %swap3A_1761 : i32 to index
    %swap3A_1763 = arith.constant 64 : index
    %swap3A_1764 = tpu.vector_load %arg11[%swap3A_1762, %swap3A_1763] {strides = array<i32>} : memref<32x128xf32, #tpu.memory_space<vmem>>, vector<1x16xf32>,
    %swap3A_1765 = vector.shape_cast %swap3A_1764 : vector<1x16xf32> to vector<16xf32>
    %swap3A_1766 = vector.shape_cast %broadcast_in_dim3A_1760 : vector<16xf32> to vector<1x16xf32>
    tpu.vector_store %arg11[%swap3A_1762, %swap3A_1763], %swap3A_1766 {strides = array<i32>} : memref<32x128xf32, #tpu.memory_space<vmem>>, vector<1x16xf32>,
    %broadcast_in_dim3A_1767 = arith.constant 0.000000e+00 : f32
    %broadcast_in_dim3A_1768 = vector.broadcast %broadcast_in_dim3A_1767 : f32 to vector<16xf32>
    %swap3A_1769 = arith.constant 27 : i32
    %swap3A_1770 = arith.index_cast %swap3A_1769 : i32 to index
    %swap3A_1771 = arith.constant 80 : index
    %swap3A_1772 = tpu.vector_load %arg11[%swap3A_1770, %swap3A_1771] {strides = array<i32>} : memref<32x128xf32, #tpu.memory_space<vmem>>, vector<1x16xf32>,
    %swap3A_1773 = vector.shape_cast %swap3A_1772 : vector<1x16xf32> to vector<16xf32>
    %swap3A_1774 = vector.shape_cast %broadcast_in_dim3A_1768 : vector<16xf32> to vector<1x16xf32>
    tpu.vector_store %arg11[%swap3A_1770, %swap3A_1771], %swap3A_1774 {strides = array<i32>} : memref<32x128xf32, #tpu.memory_space<vmem>>, vector<1x16xf32>,
    %broadcast_in_dim3A_1775 = arith.constant 0.000000e+00 : f32
    %broadcast_in_dim3A_1776 = vector.broadcast %broadcast_in_dim3A_1775 : f32 to vector<16xf32>
    %swap3A_1777 = arith.constant 27 : i32
    %swap3A_1778 = arith.index_cast %swap3A_1777 : i32 to index
    %swap3A_1779 = arith.constant 96 : index
    %swap3A_1780 = tpu.vector_load %arg11[%swap3A_1778, %swap3A_1779] {strides = array<i32>} : memref<32x128xf32, #tpu.memory_space<vmem>>, vector<1x16xf32>,
    %swap3A_1781 = vector.shape_cast %swap3A_1780 : vector<1x16xf32> to vector<16xf32>
    %swap3A_1782 = vector.shape_cast %broadcast_in_dim3A_1776 : vector<16xf32> to vector<1x16xf32>
    tpu.vector_store %arg11[%swap3A_1778, %swap3A_1779], %swap3A_1782 {strides = array<i32>} : memref<32x128xf32, #tpu.memory_space<vmem>>, vector<1x16xf32>,
    %broadcast_in_dim3A_1783 = arith.constant 0.000000e+00 : f32
    %broadcast_in_dim3A_1784 = vector.broadcast %broadcast_in_dim3A_1783 : f32 to vector<16xf32>
    %swap3A_1785 = arith.constant 27 : i32
    %swap3A_1786 = arith.index_cast %swap3A_1785 : i32 to index
    %swap3A_1787 = arith.constant 112 : index
    %swap3A_1788 = tpu.vector_load %arg11[%swap3A_1786, %swap3A_1787] {strides = array<i32>} : memref<32x128xf32, #tpu.memory_space<vmem>>, vector<1x16xf32>,
    %swap3A_1789 = vector.shape_cast %swap3A_1788 : vector<1x16xf32> to vector<16xf32>
    %swap3A_1790 = vector.shape_cast %broadcast_in_dim3A_1784 : vector<16xf32> to vector<1x16xf32>
    tpu.vector_store %arg11[%swap3A_1786, %swap3A_1787], %swap3A_1790 {strides = array<i32>} : memref<32x128xf32, #tpu.memory_space<vmem>>, vector<1x16xf32>,
    %broadcast_in_dim3A_1791 = arith.constant 0.000000e+00 : f32
    %broadcast_in_dim3A_1792 = vector.broadcast %broadcast_in_dim3A_1791 : f32 to vector<16xf32>
    %swap3A_1793 = arith.constant 28 : i32
    %swap3A_1794 = arith.index_cast %swap3A_1793 : i32 to index
    %swap3A_1795 = arith.constant 0 : index
    %swap3A_1796 = tpu.vector_load %arg11[%swap3A_1794, %swap3A_1795] {strides = array<i32>} : memref<32x128xf32, #tpu.memory_space<vmem>>, vector<1x16xf32>,
    %swap3A_1797 = vector.shape_cast %swap3A_1796 : vector<1x16xf32> to vector<16xf32>
    %swap3A_1798 = vector.shape_cast %broadcast_in_dim3A_1792 : vector<16xf32> to vector<1x16xf32>
    tpu.vector_store %arg11[%swap3A_1794, %swap3A_1795], %swap3A_1798 {strides = array<i32>} : memref<32x128xf32, #tpu.memory_space<vmem>>, vector<1x16xf32>,
    %broadcast_in_dim3A_1799 = arith.constant 0.000000e+00 : f32
    %broadcast_in_dim3A_1800 = vector.broadcast %broadcast_in_dim3A_1799 : f32 to vector<16xf32>
    %swap3A_1801 = arith.constant 28 : i32
    %swap3A_1802 = arith.index_cast %swap3A_1801 : i32 to index
    %swap3A_1803 = arith.constant 16 : index
    %swap3A_1804 = tpu.vector_load %arg11[%swap3A_1802, %swap3A_1803] {strides = array<i32>} : memref<32x128xf32, #tpu.memory_space<vmem>>, vector<1x16xf32>,
    %swap3A_1805 = vector.shape_cast %swap3A_1804 : vector<1x16xf32> to vector<16xf32>
    %swap3A_1806 = vector.shape_cast %broadcast_in_dim3A_1800 : vector<16xf32> to vector<1x16xf32>
    tpu.vector_store %arg11[%swap3A_1802, %swap3A_1803], %swap3A_1806 {strides = array<i32>} : memref<32x128xf32, #tpu.memory_space<vmem>>, vector<1x16xf32>,
    %broadcast_in_dim3A_1807 = arith.constant 0.000000e+00 : f32
    %broadcast_in_dim3A_1808 = vector.broadcast %broadcast_in_dim3A_1807 : f32 to vector<16xf32>
    %swap3A_1809 = arith.constant 28 : i32
    %swap3A_1810 = arith.index_cast %swap3A_1809 : i32 to index
    %swap3A_1811 = arith.constant 32 : index
    %swap3A_1812 = tpu.vector_load %arg11[%swap3A_1810, %swap3A_1811] {strides = array<i32>} : memref<32x128xf32, #tpu.memory_space<vmem>>, vector<1x16xf32>,
    %swap3A_1813 = vector.shape_cast %swap3A_1812 : vector<1x16xf32> to vector<16xf32>
    %swap3A_1814 = vector.shape_cast %broadcast_in_dim3A_1808 : vector<16xf32> to vector<1x16xf32>
    tpu.vector_store %arg11[%swap3A_1810, %swap3A_1811], %swap3A_1814 {strides = array<i32>} : memref<32x128xf32, #tpu.memory_space<vmem>>, vector<1x16xf32>,
    %broadcast_in_dim3A_1815 = arith.constant 0.000000e+00 : f32
    %broadcast_in_dim3A_1816 = vector.broadcast %broadcast_in_dim3A_1815 : f32 to vector<16xf32>
    %swap3A_1817 = arith.constant 28 : i32
    %swap3A_1818 = arith.index_cast %swap3A_1817 : i32 to index
    %swap3A_1819 = arith.constant 48 : index
    %swap3A_1820 = tpu.vector_load %arg11[%swap3A_1818, %swap3A_1819] {strides = array<i32>} : memref<32x128xf32, #tpu.memory_space<vmem>>, vector<1x16xf32>,
    %swap3A_1821 = vector.shape_cast %swap3A_1820 : vector<1x16xf32> to vector<16xf32>
    %swap3A_1822 = vector.shape_cast %broadcast_in_dim3A_1816 : vector<16xf32> to vector<1x16xf32>
    tpu.vector_store %arg11[%swap3A_1818, %swap3A_1819], %swap3A_1822 {strides = array<i32>} : memref<32x128xf32, #tpu.memory_space<vmem>>, vector<1x16xf32>,
    %broadcast_in_dim3A_1823 = arith.constant 0.000000e+00 : f32
    %broadcast_in_dim3A_1824 = vector.broadcast %broadcast_in_dim3A_1823 : f32 to vector<16xf32>
    %swap3A_1825 = arith.constant 28 : i32
    %swap3A_1826 = arith.index_cast %swap3A_1825 : i32 to index
    %swap3A_1827 = arith.constant 64 : index
    %swap3A_1828 = tpu.vector_load %arg11[%swap3A_1826, %swap3A_1827] {strides = array<i32>} : memref<32x128xf32, #tpu.memory_space<vmem>>, vector<1x16xf32>,
    %swap3A_1829 = vector.shape_cast %swap3A_1828 : vector<1x16xf32> to vector<16xf32>
    %swap3A_1830 = vector.shape_cast %broadcast_in_dim3A_1824 : vector<16xf32> to vector<1x16xf32>
    tpu.vector_store %arg11[%swap3A_1826, %swap3A_1827], %swap3A_1830 {strides = array<i32>} : memref<32x128xf32, #tpu.memory_space<vmem>>, vector<1x16xf32>,
    %broadcast_in_dim3A_1831 = arith.constant 0.000000e+00 : f32
    %broadcast_in_dim3A_1832 = vector.broadcast %broadcast_in_dim3A_1831 : f32 to vector<16xf32>
    %swap3A_1833 = arith.constant 28 : i32
    %swap3A_1834 = arith.index_cast %swap3A_1833 : i32 to index
    %swap3A_1835 = arith.constant 80 : index
    %swap3A_1836 = tpu.vector_load %arg11[%swap3A_1834, %swap3A_1835] {strides = array<i32>} : memref<32x128xf32, #tpu.memory_space<vmem>>, vector<1x16xf32>,
    %swap3A_1837 = vector.shape_cast %swap3A_1836 : vector<1x16xf32> to vector<16xf32>
    %swap3A_1838 = vector.shape_cast %broadcast_in_dim3A_1832 : vector<16xf32> to vector<1x16xf32>
    tpu.vector_store %arg11[%swap3A_1834, %swap3A_1835], %swap3A_1838 {strides = array<i32>} : memref<32x128xf32, #tpu.memory_space<vmem>>, vector<1x16xf32>,
    %broadcast_in_dim3A_1839 = arith.constant 0.000000e+00 : f32
    %broadcast_in_dim3A_1840 = vector.broadcast %broadcast_in_dim3A_1839 : f32 to vector<16xf32>
    %swap3A_1841 = arith.constant 28 : i32
    %swap3A_1842 = arith.index_cast %swap3A_1841 : i32 to index
    %swap3A_1843 = arith.constant 96 : index
    %swap3A_1844 = tpu.vector_load %arg11[%swap3A_1842, %swap3A_1843] {strides = array<i32>} : memref<32x128xf32, #tpu.memory_space<vmem>>, vector<1x16xf32>,
    %swap3A_1845 = vector.shape_cast %swap3A_1844 : vector<1x16xf32> to vector<16xf32>
    %swap3A_1846 = vector.shape_cast %broadcast_in_dim3A_1840 : vector<16xf32> to vector<1x16xf32>
    tpu.vector_store %arg11[%swap3A_1842, %swap3A_1843], %swap3A_1846 {strides = array<i32>} : memref<32x128xf32, #tpu.memory_space<vmem>>, vector<1x16xf32>,
    %broadcast_in_dim3A_1847 = arith.constant 0.000000e+00 : f32
    %broadcast_in_dim3A_1848 = vector.broadcast %broadcast_in_dim3A_1847 : f32 to vector<16xf32>
    %swap3A_1849 = arith.constant 28 : i32
    %swap3A_1850 = arith.index_cast %swap3A_1849 : i32 to index
    %swap3A_1851 = arith.constant 112 : index
    %swap3A_1852 = tpu.vector_load %arg11[%swap3A_1850, %swap3A_1851] {strides = array<i32>} : memref<32x128xf32, #tpu.memory_space<vmem>>, vector<1x16xf32>,
    %swap3A_1853 = vector.shape_cast %swap3A_1852 : vector<1x16xf32> to vector<16xf32>
    %swap3A_1854 = vector.shape_cast %broadcast_in_dim3A_1848 : vector<16xf32> to vector<1x16xf32>
    tpu.vector_store %arg11[%swap3A_1850, %swap3A_1851], %swap3A_1854 {strides = array<i32>} : memref<32x128xf32, #tpu.memory_space<vmem>>, vector<1x16xf32>,
    %broadcast_in_dim3A_1855 = arith.constant 0.000000e+00 : f32
    %broadcast_in_dim3A_1856 = vector.broadcast %broadcast_in_dim3A_1855 : f32 to vector<16xf32>
    %swap3A_1857 = arith.constant 29 : i32
    %swap3A_1858 = arith.index_cast %swap3A_1857 : i32 to index
    %swap3A_1859 = arith.constant 0 : index
    %swap3A_1860 = tpu.vector_load %arg11[%swap3A_1858, %swap3A_1859] {strides = array<i32>} : memref<32x128xf32, #tpu.memory_space<vmem>>, vector<1x16xf32>,
    %swap3A_1861 = vector.shape_cast %swap3A_1860 : vector<1x16xf32> to vector<16xf32>
    %swap3A_1862 = vector.shape_cast %broadcast_in_dim3A_1856 : vector<16xf32> to vector<1x16xf32>
    tpu.vector_store %arg11[%swap3A_1858, %swap3A_1859], %swap3A_1862 {strides = array<i32>} : memref<32x128xf32, #tpu.memory_space<vmem>>, vector<1x16xf32>,
    %broadcast_in_dim3A_1863 = arith.constant 0.000000e+00 : f32
    %broadcast_in_dim3A_1864 = vector.broadcast %broadcast_in_dim3A_1863 : f32 to vector<16xf32>
    %swap3A_1865 = arith.constant 29 : i32
    %swap3A_1866 = arith.index_cast %swap3A_1865 : i32 to index
    %swap3A_1867 = arith.constant 16 : index
    %swap3A_1868 = tpu.vector_load %arg11[%swap3A_1866, %swap3A_1867] {strides = array<i32>} : memref<32x128xf32, #tpu.memory_space<vmem>>, vector<1x16xf32>,
    %swap3A_1869 = vector.shape_cast %swap3A_1868 : vector<1x16xf32> to vector<16xf32>
    %swap3A_1870 = vector.shape_cast %broadcast_in_dim3A_1864 : vector<16xf32> to vector<1x16xf32>
    tpu.vector_store %arg11[%swap3A_1866, %swap3A_1867], %swap3A_1870 {strides = array<i32>} : memref<32x128xf32, #tpu.memory_space<vmem>>, vector<1x16xf32>,
    %broadcast_in_dim3A_1871 = arith.constant 0.000000e+00 : f32
    %broadcast_in_dim3A_1872 = vector.broadcast %broadcast_in_dim3A_1871 : f32 to vector<16xf32>
    %swap3A_1873 = arith.constant 29 : i32
    %swap3A_1874 = arith.index_cast %swap3A_1873 : i32 to index
    %swap3A_1875 = arith.constant 32 : index
    %swap3A_1876 = tpu.vector_load %arg11[%swap3A_1874, %swap3A_1875] {strides = array<i32>} : memref<32x128xf32, #tpu.memory_space<vmem>>, vector<1x16xf32>,
    %swap3A_1877 = vector.shape_cast %swap3A_1876 : vector<1x16xf32> to vector<16xf32>
    %swap3A_1878 = vector.shape_cast %broadcast_in_dim3A_1872 : vector<16xf32> to vector<1x16xf32>
    tpu.vector_store %arg11[%swap3A_1874, %swap3A_1875], %swap3A_1878 {strides = array<i32>} : memref<32x128xf32, #tpu.memory_space<vmem>>, vector<1x16xf32>,
    %broadcast_in_dim3A_1879 = arith.constant 0.000000e+00 : f32
    %broadcast_in_dim3A_1880 = vector.broadcast %broadcast_in_dim3A_1879 : f32 to vector<16xf32>
    %swap3A_1881 = arith.constant 29 : i32
    %swap3A_1882 = arith.index_cast %swap3A_1881 : i32 to index
    %swap3A_1883 = arith.constant 48 : index
    %swap3A_1884 = tpu.vector_load %arg11[%swap3A_1882, %swap3A_1883] {strides = array<i32>} : memref<32x128xf32, #tpu.memory_space<vmem>>, vector<1x16xf32>,
    %swap3A_1885 = vector.shape_cast %swap3A_1884 : vector<1x16xf32> to vector<16xf32>
    %swap3A_1886 = vector.shape_cast %broadcast_in_dim3A_1880 : vector<16xf32> to vector<1x16xf32>
    tpu.vector_store %arg11[%swap3A_1882, %swap3A_1883], %swap3A_1886 {strides = array<i32>} : memref<32x128xf32, #tpu.memory_space<vmem>>, vector<1x16xf32>,
    %broadcast_in_dim3A_1887 = arith.constant 0.000000e+00 : f32
    %broadcast_in_dim3A_1888 = vector.broadcast %broadcast_in_dim3A_1887 : f32 to vector<16xf32>
    %swap3A_1889 = arith.constant 29 : i32
    %swap3A_1890 = arith.index_cast %swap3A_1889 : i32 to index
    %swap3A_1891 = arith.constant 64 : index
    %swap3A_1892 = tpu.vector_load %arg11[%swap3A_1890, %swap3A_1891] {strides = array<i32>} : memref<32x128xf32, #tpu.memory_space<vmem>>, vector<1x16xf32>,
    %swap3A_1893 = vector.shape_cast %swap3A_1892 : vector<1x16xf32> to vector<16xf32>
    %swap3A_1894 = vector.shape_cast %broadcast_in_dim3A_1888 : vector<16xf32> to vector<1x16xf32>
    tpu.vector_store %arg11[%swap3A_1890, %swap3A_1891], %swap3A_1894 {strides = array<i32>} : memref<32x128xf32, #tpu.memory_space<vmem>>, vector<1x16xf32>,
    %broadcast_in_dim3A_1895 = arith.constant 0.000000e+00 : f32
    %broadcast_in_dim3A_1896 = vector.broadcast %broadcast_in_dim3A_1895 : f32 to vector<16xf32>
    %swap3A_1897 = arith.constant 29 : i32
    %swap3A_1898 = arith.index_cast %swap3A_1897 : i32 to index
    %swap3A_1899 = arith.constant 80 : index
    %swap3A_1900 = tpu.vector_load %arg11[%swap3A_1898, %swap3A_1899] {strides = array<i32>} : memref<32x128xf32, #tpu.memory_space<vmem>>, vector<1x16xf32>,
    %swap3A_1901 = vector.shape_cast %swap3A_1900 : vector<1x16xf32> to vector<16xf32>
    %swap3A_1902 = vector.shape_cast %broadcast_in_dim3A_1896 : vector<16xf32> to vector<1x16xf32>
    tpu.vector_store %arg11[%swap3A_1898, %swap3A_1899], %swap3A_1902 {strides = array<i32>} : memref<32x128xf32, #tpu.memory_space<vmem>>, vector<1x16xf32>,
    %broadcast_in_dim3A_1903 = arith.constant 0.000000e+00 : f32
    %broadcast_in_dim3A_1904 = vector.broadcast %broadcast_in_dim3A_1903 : f32 to vector<16xf32>
    %swap3A_1905 = arith.constant 29 : i32
    %swap3A_1906 = arith.index_cast %swap3A_1905 : i32 to index
    %swap3A_1907 = arith.constant 96 : index
    %swap3A_1908 = tpu.vector_load %arg11[%swap3A_1906, %swap3A_1907] {strides = array<i32>} : memref<32x128xf32, #tpu.memory_space<vmem>>, vector<1x16xf32>,
    %swap3A_1909 = vector.shape_cast %swap3A_1908 : vector<1x16xf32> to vector<16xf32>
    %swap3A_1910 = vector.shape_cast %broadcast_in_dim3A_1904 : vector<16xf32> to vector<1x16xf32>
    tpu.vector_store %arg11[%swap3A_1906, %swap3A_1907], %swap3A_1910 {strides = array<i32>} : memref<32x128xf32, #tpu.memory_space<vmem>>, vector<1x16xf32>,
    %broadcast_in_dim3A_1911 = arith.constant 0.000000e+00 : f32
    %broadcast_in_dim3A_1912 = vector.broadcast %broadcast_in_dim3A_1911 : f32 to vector<16xf32>
    %swap3A_1913 = arith.constant 29 : i32
    %swap3A_1914 = arith.index_cast %swap3A_1913 : i32 to index
    %swap3A_1915 = arith.constant 112 : index
    %swap3A_1916 = tpu.vector_load %arg11[%swap3A_1914, %swap3A_1915] {strides = array<i32>} : memref<32x128xf32, #tpu.memory_space<vmem>>, vector<1x16xf32>,
    %swap3A_1917 = vector.shape_cast %swap3A_1916 : vector<1x16xf32> to vector<16xf32>
    %swap3A_1918 = vector.shape_cast %broadcast_in_dim3A_1912 : vector<16xf32> to vector<1x16xf32>
    tpu.vector_store %arg11[%swap3A_1914, %swap3A_1915], %swap3A_1918 {strides = array<i32>} : memref<32x128xf32, #tpu.memory_space<vmem>>, vector<1x16xf32>,
    %broadcast_in_dim3A_1919 = arith.constant 0.000000e+00 : f32
    %broadcast_in_dim3A_1920 = vector.broadcast %broadcast_in_dim3A_1919 : f32 to vector<16xf32>
    %swap3A_1921 = arith.constant 30 : i32
    %swap3A_1922 = arith.index_cast %swap3A_1921 : i32 to index
    %swap3A_1923 = arith.constant 0 : index
    %swap3A_1924 = tpu.vector_load %arg11[%swap3A_1922, %swap3A_1923] {strides = array<i32>} : memref<32x128xf32, #tpu.memory_space<vmem>>, vector<1x16xf32>,
    %swap3A_1925 = vector.shape_cast %swap3A_1924 : vector<1x16xf32> to vector<16xf32>
    %swap3A_1926 = vector.shape_cast %broadcast_in_dim3A_1920 : vector<16xf32> to vector<1x16xf32>
    tpu.vector_store %arg11[%swap3A_1922, %swap3A_1923], %swap3A_1926 {strides = array<i32>} : memref<32x128xf32, #tpu.memory_space<vmem>>, vector<1x16xf32>,
    %broadcast_in_dim3A_1927 = arith.constant 0.000000e+00 : f32
    %broadcast_in_dim3A_1928 = vector.broadcast %broadcast_in_dim3A_1927 : f32 to vector<16xf32>
    %swap3A_1929 = arith.constant 30 : i32
    %swap3A_1930 = arith.index_cast %swap3A_1929 : i32 to index
    %swap3A_1931 = arith.constant 16 : index
    %swap3A_1932 = tpu.vector_load %arg11[%swap3A_1930, %swap3A_1931] {strides = array<i32>} : memref<32x128xf32, #tpu.memory_space<vmem>>, vector<1x16xf32>,
    %swap3A_1933 = vector.shape_cast %swap3A_1932 : vector<1x16xf32> to vector<16xf32>
    %swap3A_1934 = vector.shape_cast %broadcast_in_dim3A_1928 : vector<16xf32> to vector<1x16xf32>
    tpu.vector_store %arg11[%swap3A_1930, %swap3A_1931], %swap3A_1934 {strides = array<i32>} : memref<32x128xf32, #tpu.memory_space<vmem>>, vector<1x16xf32>,
    %broadcast_in_dim3A_1935 = arith.constant 0.000000e+00 : f32
    %broadcast_in_dim3A_1936 = vector.broadcast %broadcast_in_dim3A_1935 : f32 to vector<16xf32>
    %swap3A_1937 = arith.constant 30 : i32
    %swap3A_1938 = arith.index_cast %swap3A_1937 : i32 to index
    %swap3A_1939 = arith.constant 32 : index
    %swap3A_1940 = tpu.vector_load %arg11[%swap3A_1938, %swap3A_1939] {strides = array<i32>} : memref<32x128xf32, #tpu.memory_space<vmem>>, vector<1x16xf32>,
    %swap3A_1941 = vector.shape_cast %swap3A_1940 : vector<1x16xf32> to vector<16xf32>
    %swap3A_1942 = vector.shape_cast %broadcast_in_dim3A_1936 : vector<16xf32> to vector<1x16xf32>
    tpu.vector_store %arg11[%swap3A_1938, %swap3A_1939], %swap3A_1942 {strides = array<i32>} : memref<32x128xf32, #tpu.memory_space<vmem>>, vector<1x16xf32>,
    %broadcast_in_dim3A_1943 = arith.constant 0.000000e+00 : f32
    %broadcast_in_dim3A_1944 = vector.broadcast %broadcast_in_dim3A_1943 : f32 to vector<16xf32>
    %swap3A_1945 = arith.constant 30 : i32
    %swap3A_1946 = arith.index_cast %swap3A_1945 : i32 to index
    %swap3A_1947 = arith.constant 48 : index
    %swap3A_1948 = tpu.vector_load %arg11[%swap3A_1946, %swap3A_1947] {strides = array<i32>} : memref<32x128xf32, #tpu.memory_space<vmem>>, vector<1x16xf32>,
    %swap3A_1949 = vector.shape_cast %swap3A_1948 : vector<1x16xf32> to vector<16xf32>
    %swap3A_1950 = vector.shape_cast %broadcast_in_dim3A_1944 : vector<16xf32> to vector<1x16xf32>
    tpu.vector_store %arg11[%swap3A_1946, %swap3A_1947], %swap3A_1950 {strides = array<i32>} : memref<32x128xf32, #tpu.memory_space<vmem>>, vector<1x16xf32>,
    %broadcast_in_dim3A_1951 = arith.constant 0.000000e+00 : f32
    %broadcast_in_dim3A_1952 = vector.broadcast %broadcast_in_dim3A_1951 : f32 to vector<16xf32>
    %swap3A_1953 = arith.constant 30 : i32
    %swap3A_1954 = arith.index_cast %swap3A_1953 : i32 to index
    %swap3A_1955 = arith.constant 64 : index
    %swap3A_1956 = tpu.vector_load %arg11[%swap3A_1954, %swap3A_1955] {strides = array<i32>} : memref<32x128xf32, #tpu.memory_space<vmem>>, vector<1x16xf32>,
    %swap3A_1957 = vector.shape_cast %swap3A_1956 : vector<1x16xf32> to vector<16xf32>
    %swap3A_1958 = vector.shape_cast %broadcast_in_dim3A_1952 : vector<16xf32> to vector<1x16xf32>
    tpu.vector_store %arg11[%swap3A_1954, %swap3A_1955], %swap3A_1958 {strides = array<i32>} : memref<32x128xf32, #tpu.memory_space<vmem>>, vector<1x16xf32>,
    %broadcast_in_dim3A_1959 = arith.constant 0.000000e+00 : f32
    %broadcast_in_dim3A_1960 = vector.broadcast %broadcast_in_dim3A_1959 : f32 to vector<16xf32>
    %swap3A_1961 = arith.constant 30 : i32
    %swap3A_1962 = arith.index_cast %swap3A_1961 : i32 to index
    %swap3A_1963 = arith.constant 80 : index
    %swap3A_1964 = tpu.vector_load %arg11[%swap3A_1962, %swap3A_1963] {strides = array<i32>} : memref<32x128xf32, #tpu.memory_space<vmem>>, vector<1x16xf32>,
    %swap3A_1965 = vector.shape_cast %swap3A_1964 : vector<1x16xf32> to vector<16xf32>
    %swap3A_1966 = vector.shape_cast %broadcast_in_dim3A_1960 : vector<16xf32> to vector<1x16xf32>
    tpu.vector_store %arg11[%swap3A_1962, %swap3A_1963], %swap3A_1966 {strides = array<i32>} : memref<32x128xf32, #tpu.memory_space<vmem>>, vector<1x16xf32>,
    %broadcast_in_dim3A_1967 = arith.constant 0.000000e+00 : f32
    %broadcast_in_dim3A_1968 = vector.broadcast %broadcast_in_dim3A_1967 : f32 to vector<16xf32>
    %swap3A_1969 = arith.constant 30 : i32
    %swap3A_1970 = arith.index_cast %swap3A_1969 : i32 to index
    %swap3A_1971 = arith.constant 96 : index
    %swap3A_1972 = tpu.vector_load %arg11[%swap3A_1970, %swap3A_1971] {strides = array<i32>} : memref<32x128xf32, #tpu.memory_space<vmem>>, vector<1x16xf32>,
    %swap3A_1973 = vector.shape_cast %swap3A_1972 : vector<1x16xf32> to vector<16xf32>
    %swap3A_1974 = vector.shape_cast %broadcast_in_dim3A_1968 : vector<16xf32> to vector<1x16xf32>
    tpu.vector_store %arg11[%swap3A_1970, %swap3A_1971], %swap3A_1974 {strides = array<i32>} : memref<32x128xf32, #tpu.memory_space<vmem>>, vector<1x16xf32>,
    %broadcast_in_dim3A_1975 = arith.constant 0.000000e+00 : f32
    %broadcast_in_dim3A_1976 = vector.broadcast %broadcast_in_dim3A_1975 : f32 to vector<16xf32>
    %swap3A_1977 = arith.constant 30 : i32
    %swap3A_1978 = arith.index_cast %swap3A_1977 : i32 to index
    %swap3A_1979 = arith.constant 112 : index
    %swap3A_1980 = tpu.vector_load %arg11[%swap3A_1978, %swap3A_1979] {strides = array<i32>} : memref<32x128xf32, #tpu.memory_space<vmem>>, vector<1x16xf32>,
    %swap3A_1981 = vector.shape_cast %swap3A_1980 : vector<1x16xf32> to vector<16xf32>
    %swap3A_1982 = vector.shape_cast %broadcast_in_dim3A_1976 : vector<16xf32> to vector<1x16xf32>
    tpu.vector_store %arg11[%swap3A_1978, %swap3A_1979], %swap3A_1982 {strides = array<i32>} : memref<32x128xf32, #tpu.memory_space<vmem>>, vector<1x16xf32>,
    %broadcast_in_dim3A_1983 = arith.constant 0.000000e+00 : f32
    %broadcast_in_dim3A_1984 = vector.broadcast %broadcast_in_dim3A_1983 : f32 to vector<16xf32>
    %swap3A_1985 = arith.constant 31 : i32
    %swap3A_1986 = arith.index_cast %swap3A_1985 : i32 to index
    %swap3A_1987 = arith.constant 0 : index
    %swap3A_1988 = tpu.vector_load %arg11[%swap3A_1986, %swap3A_1987] {strides = array<i32>} : memref<32x128xf32, #tpu.memory_space<vmem>>, vector<1x16xf32>,
    %swap3A_1989 = vector.shape_cast %swap3A_1988 : vector<1x16xf32> to vector<16xf32>
    %swap3A_1990 = vector.shape_cast %broadcast_in_dim3A_1984 : vector<16xf32> to vector<1x16xf32>
    tpu.vector_store %arg11[%swap3A_1986, %swap3A_1987], %swap3A_1990 {strides = array<i32>} : memref<32x128xf32, #tpu.memory_space<vmem>>, vector<1x16xf32>,
    %broadcast_in_dim3A_1991 = arith.constant 0.000000e+00 : f32
    %broadcast_in_dim3A_1992 = vector.broadcast %broadcast_in_dim3A_1991 : f32 to vector<16xf32>
    %swap3A_1993 = arith.constant 31 : i32
    %swap3A_1994 = arith.index_cast %swap3A_1993 : i32 to index
    %swap3A_1995 = arith.constant 16 : index
    %swap3A_1996 = tpu.vector_load %arg11[%swap3A_1994, %swap3A_1995] {strides = array<i32>} : memref<32x128xf32, #tpu.memory_space<vmem>>, vector<1x16xf32>,
    %swap3A_1997 = vector.shape_cast %swap3A_1996 : vector<1x16xf32> to vector<16xf32>
    %swap3A_1998 = vector.shape_cast %broadcast_in_dim3A_1992 : vector<16xf32> to vector<1x16xf32>
    tpu.vector_store %arg11[%swap3A_1994, %swap3A_1995], %swap3A_1998 {strides = array<i32>} : memref<32x128xf32, #tpu.memory_space<vmem>>, vector<1x16xf32>,
    %broadcast_in_dim3A_1999 = arith.constant 0.000000e+00 : f32
    %broadcast_in_dim3A_2000 = vector.broadcast %broadcast_in_dim3A_1999 : f32 to vector<16xf32>
    %swap3A_2001 = arith.constant 31 : i32
    %swap3A_2002 = arith.index_cast %swap3A_2001 : i32 to index
    %swap3A_2003 = arith.constant 32 : index
    %swap3A_2004 = tpu.vector_load %arg11[%swap3A_2002, %swap3A_2003] {strides = array<i32>} : memref<32x128xf32, #tpu.memory_space<vmem>>, vector<1x16xf32>,
    %swap3A_2005 = vector.shape_cast %swap3A_2004 : vector<1x16xf32> to vector<16xf32>
    %swap3A_2006 = vector.shape_cast %broadcast_in_dim3A_2000 : vector<16xf32> to vector<1x16xf32>
    tpu.vector_store %arg11[%swap3A_2002, %swap3A_2003], %swap3A_2006 {strides = array<i32>} : memref<32x128xf32, #tpu.memory_space<vmem>>, vector<1x16xf32>,
    %broadcast_in_dim3A_2007 = arith.constant 0.000000e+00 : f32
    %broadcast_in_dim3A_2008 = vector.broadcast %broadcast_in_dim3A_2007 : f32 to vector<16xf32>
    %swap3A_2009 = arith.constant 31 : i32
    %swap3A_2010 = arith.index_cast %swap3A_2009 : i32 to index
    %swap3A_2011 = arith.constant 48 : index
    %swap3A_2012 = tpu.vector_load %arg11[%swap3A_2010, %swap3A_2011] {strides = array<i32>} : memref<32x128xf32, #tpu.memory_space<vmem>>, vector<1x16xf32>,
    %swap3A_2013 = vector.shape_cast %swap3A_2012 : vector<1x16xf32> to vector<16xf32>
    %swap3A_2014 = vector.shape_cast %broadcast_in_dim3A_2008 : vector<16xf32> to vector<1x16xf32>
    tpu.vector_store %arg11[%swap3A_2010, %swap3A_2011], %swap3A_2014 {strides = array<i32>} : memref<32x128xf32, #tpu.memory_space<vmem>>, vector<1x16xf32>,
    %broadcast_in_dim3A_2015 = arith.constant 0.000000e+00 : f32
    %broadcast_in_dim3A_2016 = vector.broadcast %broadcast_in_dim3A_2015 : f32 to vector<16xf32>
    %swap3A_2017 = arith.constant 31 : i32
    %swap3A_2018 = arith.index_cast %swap3A_2017 : i32 to index
    %swap3A_2019 = arith.constant 64 : index
    %swap3A_2020 = tpu.vector_load %arg11[%swap3A_2018, %swap3A_2019] {strides = array<i32>} : memref<32x128xf32, #tpu.memory_space<vmem>>, vector<1x16xf32>,
    %swap3A_2021 = vector.shape_cast %swap3A_2020 : vector<1x16xf32> to vector<16xf32>
    %swap3A_2022 = vector.shape_cast %broadcast_in_dim3A_2016 : vector<16xf32> to vector<1x16xf32>
    tpu.vector_store %arg11[%swap3A_2018, %swap3A_2019], %swap3A_2022 {strides = array<i32>} : memref<32x128xf32, #tpu.memory_space<vmem>>, vector<1x16xf32>,
    %broadcast_in_dim3A_2023 = arith.constant 0.000000e+00 : f32
    %broadcast_in_dim3A_2024 = vector.broadcast %broadcast_in_dim3A_2023 : f32 to vector<16xf32>
    %swap3A_2025 = arith.constant 31 : i32
    %swap3A_2026 = arith.index_cast %swap3A_2025 : i32 to index
    %swap3A_2027 = arith.constant 80 : index
    %swap3A_2028 = tpu.vector_load %arg11[%swap3A_2026, %swap3A_2027] {strides = array<i32>} : memref<32x128xf32, #tpu.memory_space<vmem>>, vector<1x16xf32>,
    %swap3A_2029 = vector.shape_cast %swap3A_2028 : vector<1x16xf32> to vector<16xf32>
    %swap3A_2030 = vector.shape_cast %broadcast_in_dim3A_2024 : vector<16xf32> to vector<1x16xf32>
    tpu.vector_store %arg11[%swap3A_2026, %swap3A_2027], %swap3A_2030 {strides = array<i32>} : memref<32x128xf32, #tpu.memory_space<vmem>>, vector<1x16xf32>,
    %broadcast_in_dim3A_2031 = arith.constant 0.000000e+00 : f32
    %broadcast_in_dim3A_2032 = vector.broadcast %broadcast_in_dim3A_2031 : f32 to vector<16xf32>
    %swap3A_2033 = arith.constant 31 : i32
    %swap3A_2034 = arith.index_cast %swap3A_2033 : i32 to index
    %swap3A_2035 = arith.constant 96 : index
    %swap3A_2036 = tpu.vector_load %arg11[%swap3A_2034, %swap3A_2035] {strides = array<i32>} : memref<32x128xf32, #tpu.memory_space<vmem>>, vector<1x16xf32>,
    %swap3A_2037 = vector.shape_cast %swap3A_2036 : vector<1x16xf32> to vector<16xf32>
    %swap3A_2038 = vector.shape_cast %broadcast_in_dim3A_2032 : vector<16xf32> to vector<1x16xf32>
    tpu.vector_store %arg11[%swap3A_2034, %swap3A_2035], %swap3A_2038 {strides = array<i32>} : memref<32x128xf32, #tpu.memory_space<vmem>>, vector<1x16xf32>,
    %broadcast_in_dim3A_2039 = arith.constant 0.000000e+00 : f32
    %broadcast_in_dim3A_2040 = vector.broadcast %broadcast_in_dim3A_2039 : f32 to vector<16xf32>
    %swap3A_2041 = arith.constant 31 : i32
    %swap3A_2042 = arith.index_cast %swap3A_2041 : i32 to index
    %swap3A_2043 = arith.constant 112 : index
    %swap3A_2044 = tpu.vector_load %arg11[%swap3A_2042, %swap3A_2043] {strides = array<i32>} : memref<32x128xf32, #tpu.memory_space<vmem>>, vector<1x16xf32>,
    %swap3A_2045 = vector.shape_cast %swap3A_2044 : vector<1x16xf32> to vector<16xf32>
    %swap3A_2046 = vector.shape_cast %broadcast_in_dim3A_2040 : vector<16xf32> to vector<1x16xf32>
    tpu.vector_store %arg11[%swap3A_2042, %swap3A_2043], %swap3A_2046 {strides = array<i32>} : memref<32x128xf32, #tpu.memory_space<vmem>>, vector<1x16xf32>,
    %mul3A_2047 = arith.constant 32 : i32
    %mul3A_2048 = arith.muli %arg1, %mul3A_2047 : i32
    "tpu.region"() ({
      %run_scoped3A = tpu.sem_alloc : memref<!tpu.dma_semaphore, #tpu.memory_space<semaphore_mem>>
      %dma_start3A_2070 = arith.constant 0 : i32
      %dma_start3A_2071 = tpu.memref_slice %arg14[%mul3A_2048, %dma_start3A_2070] : memref<512x128xf32, #tpu.memory_space<vmem_shared>> -> memref<32x128xf32, #tpu.memory_space<vmem_shared>>
      %dma_start3A_2072 = arith.constant 0 : i32
      %dma_start3A_2073 = tpu.memref_slice %arg14[%mul3A_2048, %dma_start3A_2072] : memref<512x128xf32, #tpu.memory_space<vmem_shared>> -> memref<32x128xf32, #tpu.memory_space<vmem_shared>>
      tpu.enqueue_dma source(%arg11 : memref<32x128xf32, #tpu.memory_space<vmem>>) target(%dma_start3A_2073 : memref<32x128xf32, #tpu.memory_space<vmem_shared>>) target_semaphore(%run_scoped3A : memref<!tpu.dma_semaphore, #tpu.memory_space<semaphore_mem>>)
      %dma_wait3A = arith.constant 0 : i32
      %dma_wait3A_2074 = tpu.memref_slice %arg14[%mul3A_2048, %dma_wait3A] : memref<512x128xf32, #tpu.memory_space<vmem_shared>> -> memref<32x128xf32, #tpu.memory_space<vmem_shared>>
      %dma_wait3A_2075 = arith.constant 0 : i32
      %dma_wait3A_2076 = tpu.memref_slice %arg14[%mul3A_2048, %dma_wait3A_2075] : memref<512x128xf32, #tpu.memory_space<vmem_shared>> -> memref<32x128xf32, #tpu.memory_space<vmem_shared>>
      tpu.wait_dma2 semaphore(%run_scoped3A : memref<!tpu.dma_semaphore, #tpu.memory_space<semaphore_mem>>) src(%arg11 : memref<32x128xf32, #tpu.memory_space<vmem>>) dst(%dma_wait3A_2076 : memref<32x128xf32, #tpu.memory_space<vmem_shared>>)
      tpu.yield
    }) : () -> ()
    %barrier3A = arith.constant 0 : index
    tpu.barrier barrier_id(%barrier3A)
    %mul3A_2049 = arith.constant 14 : i32
    %mul3A_2050 = arith.muli %add3A, %mul3A_2049 : i32
    %add3A_2051 = arith.constant 333 : i32
    %add3A_2052 = arith.addi %add3A_2051, %mul3A_2050 : i32
    %mul3A_2053 = arith.constant 128 : i32
    %mul3A_2054 = arith.muli %add3A_2052, %mul3A_2053 : i32
    %multiple_of3A = tpu.assume_multiple %mul3A_2054, 128 : i32
    %multiple_of3A_2055 = tpu.assume_multiple %multiple_of3A, 128 : i32
    %dma_start3A = tpu.memref_slice %arg3[%multiple_of3A_2055] : memref<100000xi32, #tpu.memory_space<hbm>> -> memref<128xi32, #tpu.memory_space<hbm>>
    %dma_start3A_2056 = tpu.memref_slice %arg3[%multiple_of3A_2055] : memref<100000xi32, #tpu.memory_space<hbm>> -> memref<128xi32, #tpu.memory_space<hbm>>
    tpu.enqueue_dma source(%dma_start3A_2056 : memref<128xi32, #tpu.memory_space<hbm>>) target(%arg5 : memref<128xi32, #tpu.memory_space<vmem>>) target_semaphore(%arg12 : memref<!tpu.dma_semaphore, #tpu.memory_space<semaphore_mem>>)
    %dma_start3A_2057 = arith.constant 0 : i32
    %dma_start3A_2058 = tpu.memref_slice %arg2[%multiple_of3A_2055, %dma_start3A_2057] : memref<100000x128xf32, #tpu.memory_space<hbm>> -> memref<128x128xf32, #tpu.memory_space<hbm>>
    %dma_start3A_2059 = arith.constant 0 : i32
    %dma_start3A_2060 = tpu.memref_slice %arg2[%multiple_of3A_2055, %dma_start3A_2059] : memref<100000x128xf32, #tpu.memory_space<hbm>> -> memref<128x128xf32, #tpu.memory_space<hbm>>
    tpu.enqueue_dma source(%dma_start3A_2060 : memref<128x128xf32, #tpu.memory_space<hbm>>) target(%arg7 : memref<128x128xf32, #tpu.memory_space<vmem>>) target_semaphore(%arg12 : memref<!tpu.dma_semaphore, #tpu.memory_space<semaphore_mem>>)
    %scan3A = arith.constant 0 : i32
    %scan3A_2061 = arith.constant 7 : i32
    %scan3A_2062 = arith.addi %scan3A, %scan3A_2061 : i32
    %scan3A_2063 = arith.constant 1 : i32
    scf.for %scan3A_2070 = %scan3A to %scan3A_2062 step %scan3A_2063  : i32 {
      %mul3A_2071 = arith.constant 1 : i32
      %mul3A_2072 = arith.muli %scan3A_2070, %mul3A_2071 : i32
      %add3A_2073 = arith.constant 0 : i32
      %add3A_2074 = arith.addi %add3A_2073, %mul3A_2072 : i32
      %mul3A_2075 = arith.constant 2 : i32
      %mul3A_2076 = arith.muli %mul3A_2075, %add3A_2074 : i32
      %add3A_2077 = arith.constant 0 : i32
      %add3A_2078 = arith.addi %mul3A_2076, %add3A_2077 : i32
      %dma_wait3A = arith.constant 0 : i32
      %dma_wait3A_2079 = tpu.memref_slice %arg3[%dma_wait3A] : memref<100000xi32, #tpu.memory_space<hbm>> -> memref<128xi32, #tpu.memory_space<hbm>>
      %dma_wait3A_2080 = arith.constant 0 : i32
      %dma_wait3A_2081 = tpu.memref_slice %arg3[%dma_wait3A_2080] : memref<100000xi32, #tpu.memory_space<hbm>> -> memref<128xi32, #tpu.memory_space<hbm>>
      tpu.wait_dma2 semaphore(%arg12 : memref<!tpu.dma_semaphore, #tpu.memory_space<semaphore_mem>>) src(%dma_wait3A_2081 : memref<128xi32, #tpu.memory_space<hbm>>) dst(%arg5 : memref<128xi32, #tpu.memory_space<vmem>>)
      %dma_wait3A_2082 = arith.constant 0 : i32
      %dma_wait3A_2083 = arith.constant 0 : i32
      %dma_wait3A_2084 = tpu.memref_slice %arg2[%dma_wait3A_2082, %dma_wait3A_2083] : memref<100000x128xf32, #tpu.memory_space<hbm>> -> memref<128x128xf32, #tpu.memory_space<hbm>>
      %dma_wait3A_2085 = arith.constant 0 : i32
      %dma_wait3A_2086 = arith.constant 0 : i32
      %dma_wait3A_2087 = tpu.memref_slice %arg2[%dma_wait3A_2085, %dma_wait3A_2086] : memref<100000x128xf32, #tpu.memory_space<hbm>> -> memref<128x128xf32, #tpu.memory_space<hbm>>
      tpu.wait_dma2 semaphore(%arg12 : memref<!tpu.dma_semaphore, #tpu.memory_space<semaphore_mem>>) src(%dma_wait3A_2087 : memref<128x128xf32, #tpu.memory_space<hbm>>) dst(%arg7 : memref<128x128xf32, #tpu.memory_space<vmem>>)
      %add3A_2088 = arith.constant 1 : i32
      %add3A_2089 = arith.addi %add3A_2078, %add3A_2088 : i32
      %lt3A = arith.constant 14 : i32
      %lt3A_2090 = arith.cmpi slt, %add3A_2089, %lt3A : i32
      %convert_element_type3A_2091 = arith.extui %lt3A_2090 : i1 to i32
      %cond3A_2092 = arith.constant 0 : i32
      %cond3A_2093 = arith.cmpi ne, %convert_element_type3A_2091, %cond3A_2092 : i32
      scf.if %cond3A_2093 {
        %add3A_2115 = arith.constant 1 : i32
        %add3A_2116 = arith.addi %add3A_2078, %add3A_2115 : i32
        %mul3A_2117 = arith.constant 128 : i32
        %mul3A_2118 = arith.muli %add3A_2116, %mul3A_2117 : i32
        %add3A_2119 = arith.addi %multiple_of3A, %mul3A_2118 : i32
        %multiple_of3A_2120 = tpu.assume_multiple %add3A_2119, 128 : i32
        %dma_start3A_2121 = tpu.memref_slice %arg3[%multiple_of3A_2120] : memref<100000xi32, #tpu.memory_space<hbm>> -> memref<128xi32, #tpu.memory_space<hbm>>
        %dma_start3A_2122 = tpu.memref_slice %arg3[%multiple_of3A_2120] : memref<100000xi32, #tpu.memory_space<hbm>> -> memref<128xi32, #tpu.memory_space<hbm>>
        tpu.enqueue_dma source(%dma_start3A_2122 : memref<128xi32, #tpu.memory_space<hbm>>) target(%arg6 : memref<128xi32, #tpu.memory_space<vmem>>) target_semaphore(%arg13 : memref<!tpu.dma_semaphore, #tpu.memory_space<semaphore_mem>>)
        %dma_start3A_2123 = arith.constant 0 : i32
        %dma_start3A_2124 = tpu.memref_slice %arg2[%multiple_of3A_2120, %dma_start3A_2123] : memref<100000x128xf32, #tpu.memory_space<hbm>> -> memref<128x128xf32, #tpu.memory_space<hbm>>
        %dma_start3A_2125 = arith.constant 0 : i32
        %dma_start3A_2126 = tpu.memref_slice %arg2[%multiple_of3A_2120, %dma_start3A_2125] : memref<100000x128xf32, #tpu.memory_space<hbm>> -> memref<128x128xf32, #tpu.memory_space<hbm>>
        tpu.enqueue_dma source(%dma_start3A_2126 : memref<128x128xf32, #tpu.memory_space<hbm>>) target(%arg8 : memref<128x128xf32, #tpu.memory_space<vmem>>) target_semaphore(%arg13 : memref<!tpu.dma_semaphore, #tpu.memory_space<semaphore_mem>>)
      } else {
      }
      "tpu.region"() ({
        %run_scoped3A = tpu.sem_alloc : memref<!tpu.dma_semaphore, #tpu.memory_space<semaphore_mem>>
        %dma_start3A_2115 = arith.constant 0 : i32
        %dma_start3A_2116 = arith.constant 0 : i32
        %dma_start3A_2117 = tpu.memref_slice %arg14[%dma_start3A_2115, %dma_start3A_2116] : memref<512x128xf32, #tpu.memory_space<vmem_shared>> -> memref<512x128xf32, #tpu.memory_space<vmem_shared>>
        tpu.enqueue_indirect_dma source(%arg7 : memref<128x128xf32, #tpu.memory_space<vmem>>) target(%dma_start3A_2117 : memref<512x128xf32, #tpu.memory_space<vmem_shared>>) offsets(%arg5 : memref<128xi32, #tpu.memory_space<vmem>>) semaphore(%run_scoped3A : memref<!tpu.dma_semaphore, #tpu.memory_space<semaphore_mem>>) {add = true}
        %dma_wait3A_2118 = arith.constant 0 : i32
        %dma_wait3A_2119 = arith.constant 0 : i32
        %dma_wait3A_2120 = tpu.memref_slice %arg14[%dma_wait3A_2118, %dma_wait3A_2119] : memref<512x128xf32, #tpu.memory_space<vmem_shared>> -> memref<512x128xf32, #tpu.memory_space<vmem_shared>>
        tpu.wait_indirect_dma semaphore(%run_scoped3A : memref<!tpu.dma_semaphore, #tpu.memory_space<semaphore_mem>>) src(%arg7 : memref<128x128xf32, #tpu.memory_space<vmem>>) dst(%dma_wait3A_2120 : memref<512x128xf32, #tpu.memory_space<vmem_shared>>)
        tpu.yield
      }) : () -> ()
      %mul3A_2094 = arith.constant 2 : i32
      %mul3A_2095 = arith.muli %mul3A_2094, %add3A_2074 : i32
      %add3A_2096 = arith.constant 1 : i32
      %add3A_2097 = arith.addi %mul3A_2095, %add3A_2096 : i32
      %dma_wait3A_2098 = arith.constant 0 : i32
      %dma_wait3A_2099 = tpu.memref_slice %arg3[%dma_wait3A_2098] : memref<100000xi32, #tpu.memory_space<hbm>> -> memref<128xi32, #tpu.memory_space<hbm>>
      %dma_wait3A_2100 = arith.constant 0 : i32
      %dma_wait3A_2101 = tpu.memref_slice %arg3[%dma_wait3A_2100] : memref<100000xi32, #tpu.memory_space<hbm>> -> memref<128xi32, #tpu.memory_space<hbm>>
      tpu.wait_dma2 semaphore(%arg13 : memref<!tpu.dma_semaphore, #tpu.memory_space<semaphore_mem>>) src(%dma_wait3A_2101 : memref<128xi32, #tpu.memory_space<hbm>>) dst(%arg6 : memref<128xi32, #tpu.memory_space<vmem>>)
      %dma_wait3A_2102 = arith.constant 0 : i32
      %dma_wait3A_2103 = arith.constant 0 : i32
      %dma_wait3A_2104 = tpu.memref_slice %arg2[%dma_wait3A_2102, %dma_wait3A_2103] : memref<100000x128xf32, #tpu.memory_space<hbm>> -> memref<128x128xf32, #tpu.memory_space<hbm>>
      %dma_wait3A_2105 = arith.constant 0 : i32
      %dma_wait3A_2106 = arith.constant 0 : i32
      %dma_wait3A_2107 = tpu.memref_slice %arg2[%dma_wait3A_2105, %dma_wait3A_2106] : memref<100000x128xf32, #tpu.memory_space<hbm>> -> memref<128x128xf32, #tpu.memory_space<hbm>>
      tpu.wait_dma2 semaphore(%arg13 : memref<!tpu.dma_semaphore, #tpu.memory_space<semaphore_mem>>) src(%dma_wait3A_2107 : memref<128x128xf32, #tpu.memory_space<hbm>>) dst(%arg8 : memref<128x128xf32, #tpu.memory_space<vmem>>)
      %add3A_2108 = arith.constant 1 : i32
      %add3A_2109 = arith.addi %add3A_2097, %add3A_2108 : i32
      %lt3A_2110 = arith.constant 14 : i32
      %lt3A_2111 = arith.cmpi slt, %add3A_2109, %lt3A_2110 : i32
      %convert_element_type3A_2112 = arith.extui %lt3A_2111 : i1 to i32
      %cond3A_2113 = arith.constant 0 : i32
      %cond3A_2114 = arith.cmpi ne, %convert_element_type3A_2112, %cond3A_2113 : i32
      scf.if %cond3A_2114 {
        %add3A_2115 = arith.constant 1 : i32
        %add3A_2116 = arith.addi %add3A_2097, %add3A_2115 : i32
        %mul3A_2117 = arith.constant 128 : i32
        %mul3A_2118 = arith.muli %add3A_2116, %mul3A_2117 : i32
        %add3A_2119 = arith.addi %multiple_of3A, %mul3A_2118 : i32
        %multiple_of3A_2120 = tpu.assume_multiple %add3A_2119, 128 : i32
        %dma_start3A_2121 = tpu.memref_slice %arg3[%multiple_of3A_2120] : memref<100000xi32, #tpu.memory_space<hbm>> -> memref<128xi32, #tpu.memory_space<hbm>>
        %dma_start3A_2122 = tpu.memref_slice %arg3[%multiple_of3A_2120] : memref<100000xi32, #tpu.memory_space<hbm>> -> memref<128xi32, #tpu.memory_space<hbm>>
        tpu.enqueue_dma source(%dma_start3A_2122 : memref<128xi32, #tpu.memory_space<hbm>>) target(%arg5 : memref<128xi32, #tpu.memory_space<vmem>>) target_semaphore(%arg12 : memref<!tpu.dma_semaphore, #tpu.memory_space<semaphore_mem>>)
        %dma_start3A_2123 = arith.constant 0 : i32
        %dma_start3A_2124 = tpu.memref_slice %arg2[%multiple_of3A_2120, %dma_start3A_2123] : memref<100000x128xf32, #tpu.memory_space<hbm>> -> memref<128x128xf32, #tpu.memory_space<hbm>>
        %dma_start3A_2125 = arith.constant 0 : i32
        %dma_start3A_2126 = tpu.memref_slice %arg2[%multiple_of3A_2120, %dma_start3A_2125] : memref<100000x128xf32, #tpu.memory_space<hbm>> -> memref<128x128xf32, #tpu.memory_space<hbm>>
        tpu.enqueue_dma source(%dma_start3A_2126 : memref<128x128xf32, #tpu.memory_space<hbm>>) target(%arg7 : memref<128x128xf32, #tpu.memory_space<vmem>>) target_semaphore(%arg12 : memref<!tpu.dma_semaphore, #tpu.memory_space<semaphore_mem>>)
      } else {
      }
      "tpu.region"() ({
        %run_scoped3A = tpu.sem_alloc : memref<!tpu.dma_semaphore, #tpu.memory_space<semaphore_mem>>
        %dma_start3A_2115 = arith.constant 0 : i32
        %dma_start3A_2116 = arith.constant 0 : i32
        %dma_start3A_2117 = tpu.memref_slice %arg14[%dma_start3A_2115, %dma_start3A_2116] : memref<512x128xf32, #tpu.memory_space<vmem_shared>> -> memref<512x128xf32, #tpu.memory_space<vmem_shared>>
        tpu.enqueue_indirect_dma source(%arg8 : memref<128x128xf32, #tpu.memory_space<vmem>>) target(%dma_start3A_2117 : memref<512x128xf32, #tpu.memory_space<vmem_shared>>) offsets(%arg6 : memref<128xi32, #tpu.memory_space<vmem>>) semaphore(%run_scoped3A : memref<!tpu.dma_semaphore, #tpu.memory_space<semaphore_mem>>) {add = true}
        %dma_wait3A_2118 = arith.constant 0 : i32
        %dma_wait3A_2119 = arith.constant 0 : i32
        %dma_wait3A_2120 = tpu.memref_slice %arg14[%dma_wait3A_2118, %dma_wait3A_2119] : memref<512x128xf32, #tpu.memory_space<vmem_shared>> -> memref<512x128xf32, #tpu.memory_space<vmem_shared>>
        tpu.wait_indirect_dma semaphore(%run_scoped3A : memref<!tpu.dma_semaphore, #tpu.memory_space<semaphore_mem>>) src(%arg8 : memref<128x128xf32, #tpu.memory_space<vmem>>) dst(%dma_wait3A_2120 : memref<512x128xf32, #tpu.memory_space<vmem_shared>>)
        tpu.yield
      }) : () -> ()
    }
    %scan3A_2064 = arith.constant 7 : i32
    %eq3A = arith.constant 31 : i32
    %eq3A_2065 = arith.cmpi eq, %add3A, %eq3A : i32
    %convert_element_type3A = arith.extui %eq3A_2065 : i1 to i32
    %cond3A = arith.constant 0 : i32
    %cond3A_2066 = arith.cmpi ne, %convert_element_type3A, %cond3A : i32
    scf.if %cond3A_2066 {
      "tpu.region"() ({
        %run_scoped3A = tpu.sem_alloc : memref<!tpu.dma_semaphore, #tpu.memory_space<semaphore_mem>>
        %dma_start3A_2070 = arith.constant 99968 : i32
        %dma_start3A_2071 = tpu.memref_slice %arg3[%dma_start3A_2070] : memref<100000xi32, #tpu.memory_space<hbm>> -> memref<32xi32, #tpu.memory_space<hbm>>
        %dma_start3A_2072 = arith.constant 99968 : i32
        %dma_start3A_2073 = tpu.memref_slice %arg3[%dma_start3A_2072] : memref<100000xi32, #tpu.memory_space<hbm>> -> memref<32xi32, #tpu.memory_space<hbm>>
        tpu.enqueue_dma source(%dma_start3A_2073 : memref<32xi32, #tpu.memory_space<hbm>>) target(%arg9 : memref<32xi32, #tpu.memory_space<vmem>>) target_semaphore(%run_scoped3A : memref<!tpu.dma_semaphore, #tpu.memory_space<semaphore_mem>>)
        %dma_wait3A = arith.constant 99968 : i32
        %dma_wait3A_2074 = tpu.memref_slice %arg3[%dma_wait3A] : memref<100000xi32, #tpu.memory_space<hbm>> -> memref<32xi32, #tpu.memory_space<hbm>>
        %dma_wait3A_2075 = arith.constant 99968 : i32
        %dma_wait3A_2076 = tpu.memref_slice %arg3[%dma_wait3A_2075] : memref<100000xi32, #tpu.memory_space<hbm>> -> memref<32xi32, #tpu.memory_space<hbm>>
        tpu.wait_dma2 semaphore(%run_scoped3A : memref<!tpu.dma_semaphore, #tpu.memory_space<semaphore_mem>>) src(%dma_wait3A_2076 : memref<32xi32, #tpu.memory_space<hbm>>) dst(%arg9 : memref<32xi32, #tpu.memory_space<vmem>>)
        tpu.yield
      }) : () -> ()
      "tpu.region"() ({
        %run_scoped3A = tpu.sem_alloc : memref<!tpu.dma_semaphore, #tpu.memory_space<semaphore_mem>>
        %dma_start3A_2070 = arith.constant 99968 : i32
        %dma_start3A_2071 = arith.constant 0 : i32
        %dma_start3A_2072 = tpu.memref_slice %arg2[%dma_start3A_2070, %dma_start3A_2071] : memref<100000x128xf32, #tpu.memory_space<hbm>> -> memref<32x128xf32, #tpu.memory_space<hbm>>
        %dma_start3A_2073 = arith.constant 99968 : i32
        %dma_start3A_2074 = arith.constant 0 : i32
        %dma_start3A_2075 = tpu.memref_slice %arg2[%dma_start3A_2073, %dma_start3A_2074] : memref<100000x128xf32, #tpu.memory_space<hbm>> -> memref<32x128xf32, #tpu.memory_space<hbm>>
        tpu.enqueue_dma source(%dma_start3A_2075 : memref<32x128xf32, #tpu.memory_space<hbm>>) target(%arg10 : memref<32x128xf32, #tpu.memory_space<vmem>>) target_semaphore(%run_scoped3A : memref<!tpu.dma_semaphore, #tpu.memory_space<semaphore_mem>>)
        %dma_wait3A = arith.constant 99968 : i32
        %dma_wait3A_2076 = arith.constant 0 : i32
        %dma_wait3A_2077 = tpu.memref_slice %arg2[%dma_wait3A, %dma_wait3A_2076] : memref<100000x128xf32, #tpu.memory_space<hbm>> -> memref<32x128xf32, #tpu.memory_space<hbm>>
        %dma_wait3A_2078 = arith.constant 99968 : i32
        %dma_wait3A_2079 = arith.constant 0 : i32
        %dma_wait3A_2080 = tpu.memref_slice %arg2[%dma_wait3A_2078, %dma_wait3A_2079] : memref<100000x128xf32, #tpu.memory_space<hbm>> -> memref<32x128xf32, #tpu.memory_space<hbm>>
        tpu.wait_dma2 semaphore(%run_scoped3A : memref<!tpu.dma_semaphore, #tpu.memory_space<semaphore_mem>>) src(%dma_wait3A_2080 : memref<32x128xf32, #tpu.memory_space<hbm>>) dst(%arg10 : memref<32x128xf32, #tpu.memory_space<vmem>>)
        tpu.yield
      }) : () -> ()
      "tpu.region"() ({
        %run_scoped3A = tpu.sem_alloc : memref<!tpu.dma_semaphore, #tpu.memory_space<semaphore_mem>>
        %dma_start3A_2070 = arith.constant 0 : i32
        %dma_start3A_2071 = arith.constant 0 : i32
        %dma_start3A_2072 = tpu.memref_slice %arg14[%dma_start3A_2070, %dma_start3A_2071] : memref<512x128xf32, #tpu.memory_space<vmem_shared>> -> memref<512x128xf32, #tpu.memory_space<vmem_shared>>
        tpu.enqueue_indirect_dma source(%arg10 : memref<32x128xf32, #tpu.memory_space<vmem>>) target(%dma_start3A_2072 : memref<512x128xf32, #tpu.memory_space<vmem_shared>>) offsets(%arg9 : memref<32xi32, #tpu.memory_space<vmem>>) semaphore(%run_scoped3A : memref<!tpu.dma_semaphore, #tpu.memory_space<semaphore_mem>>) {add = true}
        %dma_wait3A = arith.constant 0 : i32
        %dma_wait3A_2073 = arith.constant 0 : i32
        %dma_wait3A_2074 = tpu.memref_slice %arg14[%dma_wait3A, %dma_wait3A_2073] : memref<512x128xf32, #tpu.memory_space<vmem_shared>> -> memref<512x128xf32, #tpu.memory_space<vmem_shared>>
        tpu.wait_indirect_dma semaphore(%run_scoped3A : memref<!tpu.dma_semaphore, #tpu.memory_space<semaphore_mem>>) src(%arg10 : memref<32x128xf32, #tpu.memory_space<vmem>>) dst(%dma_wait3A_2074 : memref<512x128xf32, #tpu.memory_space<vmem_shared>>)
        tpu.yield
      }) : () -> ()
    } else {
    }
    %barrier3A_2067 = arith.constant 0 : index
    tpu.barrier barrier_id(%barrier3A_2067)
    %mul3A_2068 = arith.constant 32 : i32
    %mul3A_2069 = arith.muli %arg1, %mul3A_2068 : i32
    "tpu.region"() ({
      %run_scoped3A = tpu.sem_alloc : memref<!tpu.dma_semaphore, #tpu.memory_space<semaphore_mem>>
      %dma_start3A_2070 = arith.constant 0 : i32
      %dma_start3A_2071 = tpu.memref_slice %arg14[%mul3A_2069, %dma_start3A_2070] : memref<512x128xf32, #tpu.memory_space<vmem_shared>> -> memref<32x128xf32, #tpu.memory_space<vmem_shared>>
      %dma_start3A_2072 = arith.constant 0 : i32
      %dma_start3A_2073 = tpu.memref_slice %arg14[%mul3A_2069, %dma_start3A_2072] : memref<512x128xf32, #tpu.memory_space<vmem_shared>> -> memref<32x128xf32, #tpu.memory_space<vmem_shared>>
      tpu.enqueue_dma source(%dma_start3A_2073 : memref<32x128xf32, #tpu.memory_space<vmem_shared>>) target(%arg11 : memref<32x128xf32, #tpu.memory_space<vmem>>) target_semaphore(%run_scoped3A : memref<!tpu.dma_semaphore, #tpu.memory_space<semaphore_mem>>)
      %dma_wait3A = arith.constant 0 : i32
      %dma_wait3A_2074 = tpu.memref_slice %arg14[%mul3A_2069, %dma_wait3A] : memref<512x128xf32, #tpu.memory_space<vmem_shared>> -> memref<32x128xf32, #tpu.memory_space<vmem_shared>>
      %dma_wait3A_2075 = arith.constant 0 : i32
      %dma_wait3A_2076 = tpu.memref_slice %arg14[%mul3A_2069, %dma_wait3A_2075] : memref<512x128xf32, #tpu.memory_space<vmem_shared>> -> memref<32x128xf32, #tpu.memory_space<vmem_shared>>
      tpu.wait_dma2 semaphore(%run_scoped3A : memref<!tpu.dma_semaphore, #tpu.memory_space<semaphore_mem>>) src(%dma_wait3A_2076 : memref<32x128xf32, #tpu.memory_space<vmem_shared>>) dst(%arg11 : memref<32x128xf32, #tpu.memory_space<vmem>>)
      tpu.yield
    }) : () -> ()
    "tpu.region"() ({
      %run_scoped3A = tpu.sem_alloc : memref<!tpu.dma_semaphore, #tpu.memory_space<semaphore_mem>>
      %dma_start3A_2070 = arith.constant 0 : i32
      %dma_start3A_2071 = tpu.memref_slice %arg4[%arg0, %mul3A_2069, %dma_start3A_2070] : memref<2x512x128xf32, #tpu.memory_space<hbm>> -> memref<1x32x128xf32, #tpu.memory_space<hbm>>
      %dma_start3A_2072 = tpu.memref_squeeze %dma_start3A_2071 : memref<1x32x128xf32, #tpu.memory_space<hbm>> -> memref<32x128xf32, #tpu.memory_space<hbm>>
      %dma_start3A_2073 = arith.constant 0 : i32
      %dma_start3A_2074 = tpu.memref_slice %arg4[%arg0, %mul3A_2069, %dma_start3A_2073] : memref<2x512x128xf32, #tpu.memory_space<hbm>> -> memref<1x32x128xf32, #tpu.memory_space<hbm>>
      %dma_start3A_2075 = tpu.memref_squeeze %dma_start3A_2074 : memref<1x32x128xf32, #tpu.memory_space<hbm>> -> memref<32x128xf32, #tpu.memory_space<hbm>>
      tpu.enqueue_dma source(%arg11 : memref<32x128xf32, #tpu.memory_space<vmem>>) target(%dma_start3A_2075 : memref<32x128xf32, #tpu.memory_space<hbm>>) target_semaphore(%run_scoped3A : memref<!tpu.dma_semaphore, #tpu.memory_space<semaphore_mem>>)
      %dma_wait3A = arith.constant 0 : i32
      %dma_wait3A_2076 = tpu.memref_slice %arg4[%arg0, %mul3A_2069, %dma_wait3A] : memref<2x512x128xf32, #tpu.memory_space<hbm>> -> memref<1x32x128xf32, #tpu.memory_space<hbm>>
      %dma_wait3A_2077 = tpu.memref_squeeze %dma_wait3A_2076 : memref<1x32x128xf32, #tpu.memory_space<hbm>> -> memref<32x128xf32, #tpu.memory_space<hbm>>
      %dma_wait3A_2078 = arith.constant 0 : i32
      %dma_wait3A_2079 = tpu.memref_slice %arg4[%arg0, %mul3A_2069, %dma_wait3A_2078] : memref<2x512x128xf32, #tpu.memory_space<hbm>> -> memref<1x32x128xf32, #tpu.memory_space<hbm>>
      %dma_wait3A_2080 = tpu.memref_squeeze %dma_wait3A_2079 : memref<1x32x128xf32, #tpu.memory_space<hbm>> -> memref<32x128xf32, #tpu.memory_space<hbm>>
      tpu.wait_dma2 semaphore(%run_scoped3A : memref<!tpu.dma_semaphore, #tpu.memory_space<semaphore_mem>>) src(%arg11 : memref<32x128xf32, #tpu.memory_space<vmem>>) dst(%dma_wait3A_2080 : memref<32x128xf32, #tpu.memory_space<hbm>>)
      tpu.yield
    }) : () -> ()
    return
  }
}

module attributes {stable_mosaic.version = 14 : i64} {
  func.func @_tcsum_body(%arg0: i32, %arg1: memref<5328x128xf32, #tpu.memory_space<vmem>>, %arg2: memref<1x1x5328xi32, #tpu.memory_space<vmem>>, %arg3: memref<512x128xf32, #tpu.memory_space<vmem>>) attributes {dimension_semantics = [#tpu.dimension_semantics<arbitrary>], iteration_bounds = array<i64: 8>, scalar_prefetch = 0 : i64, scratch_operands = 0 : i64, tpu.core_type = #tpu.core_type<tc>, window_params = [{transform_indices = @transform_0, window_bounds = array<i64: 5328, 128>}, {transform_indices = @transform_1, window_bounds = array<i64: 1, 1, 5328>}, {pipeline_mode = #tpu.pipeline_mode<synchronous>, transform_indices = @transform_2, window_bounds = array<i64: 512, 128>}]} {
    %eq3A = arith.constant 0 : i32
    %eq3A_0 = arith.cmpi eq, %arg0, %eq3A : i32
    %convert_element_type3A = arith.extui %eq3A_0 : i1 to i32
    %cond3A = arith.constant 0 : i32
    %cond3A_1 = arith.cmpi ne, %convert_element_type3A, %cond3A : i32
    scf.if %cond3A_1 {
      %broadcast_in_dim3A = arith.constant 0.000000e+00 : f32
      %broadcast_in_dim3A_19 = vector.broadcast %broadcast_in_dim3A : f32 to vector<512x128xf32>
      %swap3A_20 = arith.constant 0 : index
      %swap3A_21 = arith.constant 0 : index
      %swap3A_22 = vector.load %arg3[%swap3A_20, %swap3A_21] : memref<512x128xf32, #tpu.memory_space<vmem>>, vector<512x128xf32>
      tpu.vector_store %arg3[%swap3A_20, %swap3A_21], %broadcast_in_dim3A_19 {strides = array<i32>} : memref<512x128xf32, #tpu.memory_space<vmem>>, vector<512x128xf32>,
    } else {
    }
    %get3A = arith.constant 0 : index
    %get3A_2 = arith.constant 0 : index
    %get3A_3 = arith.constant 0 : index
    %get3A_4 = vector.load %arg2[%get3A, %get3A_2, %get3A_3] : memref<1x1x5328xi32, #tpu.memory_space<vmem>>, vector<1x1x5328xi32>
    %get3A_5 = vector.shape_cast %get3A_4 : vector<1x1x5328xi32> to vector<1x5328xi32>
    %iota3A = tpu.iota {dimensions = array<i32: 0>} : vector<512x5328xi32>
    %eq3A_6 = vector.broadcast %get3A_5 : vector<1x5328xi32> to vector<512x5328xi32>
    %eq3A_7 = arith.cmpi eq, %eq3A_6, %iota3A : vector<512x5328xi32>
    %convert_element_type3A_8 = arith.extui %eq3A_7 : vector<512x5328xi1> to vector<512x5328xi32>
    %convert_element_type3A_9 = arith.sitofp %convert_element_type3A_8 : vector<512x5328xi32> to vector<512x5328xf32>
    %get3A_10 = arith.constant 0 : index
    %get3A_11 = arith.constant 0 : index
    %get3A_12 = vector.load %arg3[%get3A_10, %get3A_11] : memref<512x128xf32, #tpu.memory_space<vmem>>, vector<512x128xf32>
    %get3A_13 = arith.constant 0 : index
    %get3A_14 = arith.constant 0 : index
    %get3A_15 = vector.load %arg1[%get3A_13, %get3A_14] : memref<5328x128xf32, #tpu.memory_space<vmem>>, vector<5328x128xf32>
    %dot_general3A = arith.constant dense<0.000000e+00> : vector<512x128xf32>
    %dot_general3A_16 = tpu.matmul %convert_element_type3A_9, %get3A_15, %dot_general3A {dimension_numbers = #tpu.dot_dimension_numbers<[1], [0], [0], [1], [0, 0, 1, 1], [], []>, transpose_lhs_hint = false} : vector<512x5328xf32>, vector<5328x128xf32>, vector<512x128xf32> -> vector<512x128xf32>
    %add3A = arith.addf %get3A_12, %dot_general3A_16 : vector<512x128xf32>
    %swap3A = arith.constant 0 : index
    %swap3A_17 = arith.constant 0 : index
    %swap3A_18 = vector.load %arg3[%swap3A, %swap3A_17] : memref<512x128xf32, #tpu.memory_space<vmem>>, vector<512x128xf32>
    tpu.vector_store %arg3[%swap3A, %swap3A_17], %add3A {strides = array<i32>} : memref<512x128xf32, #tpu.memory_space<vmem>>, vector<512x128xf32>,
    return
  }
  func.func @transform_0(%arg0: i32) -> (i32, i32) {
    %c0_i32 = arith.constant 0 : i32
    %c0_i32_0 = arith.constant 0 : i32
    return %arg0, %c0_i32 : i32, i32
  }
  func.func @transform_1(%arg0: i32) -> (i32, i32, i32) {
    %c0_i32 = arith.constant 0 : i32
    %c0_i32_0 = arith.constant 0 : i32
    %c0_i32_1 = arith.constant 0 : i32
    return %arg0, %c0_i32, %c0_i32_0 : i32, i32, i32
  }
  func.func @transform_2(%arg0: i32) -> (i32, i32) {
    %c0_i32 = arith.constant 0 : i32
    %c0_i32_0 = arith.constant 0 : i32
    %c0_i32_1 = arith.constant 0 : i32
    return %c0_i32, %c0_i32_0 : i32, i32
  }
}

module attributes {stable_mosaic.version = 14 : i64} {
  func.func @_cnt_body(%arg0: i32, %arg1: memref<1x1x25000xi32, #tpu.memory_space<vmem>>, %arg2: memref<16x32xf32, #tpu.memory_space<vmem>>) attributes {dimension_semantics = [#tpu.dimension_semantics<arbitrary>], iteration_bounds = array<i64: 4>, scalar_prefetch = 0 : i64, scratch_operands = 0 : i64, tpu.core_type = #tpu.core_type<tc>, window_params = [{transform_indices = @transform_0, window_bounds = array<i64: 1, 1, 25000>}, {pipeline_mode = #tpu.pipeline_mode<synchronous>, transform_indices = @transform_1, window_bounds = array<i64: 16, 32>}]} {
    %eq3A = arith.constant 0 : i32
    %eq3A_0 = arith.cmpi eq, %arg0, %eq3A : i32
    %convert_element_type3A = arith.extui %eq3A_0 : i1 to i32
    %cond3A = arith.constant 0 : i32
    %cond3A_1 = arith.cmpi ne, %convert_element_type3A, %cond3A : i32
    scf.if %cond3A_1 {
      %broadcast_in_dim3A = arith.constant 0.000000e+00 : f32
      %broadcast_in_dim3A_25 = vector.broadcast %broadcast_in_dim3A : f32 to vector<16x32xf32>
      %swap3A_26 = arith.constant 0 : index
      %swap3A_27 = arith.constant 0 : index
      %swap3A_28 = vector.load %arg2[%swap3A_26, %swap3A_27] : memref<16x32xf32, #tpu.memory_space<vmem>>, vector<16x32xf32>
      tpu.vector_store %arg2[%swap3A_26, %swap3A_27], %broadcast_in_dim3A_25 {strides = array<i32>} : memref<16x32xf32, #tpu.memory_space<vmem>>, vector<16x32xf32>,
    } else {
    }
    %get3A = arith.constant 0 : index
    %get3A_2 = arith.constant 0 : index
    %get3A_3 = arith.constant 0 : index
    %get3A_4 = vector.load %arg1[%get3A, %get3A_2, %get3A_3] : memref<1x1x25000xi32, #tpu.memory_space<vmem>>, vector<1x1x25000xi32>
    %get3A_5 = vector.shape_cast %get3A_4 : vector<1x1x25000xi32> to vector<1x25000xi32>
    %shift_right_arithmetic3A = arith.constant 5 : i32
    %shift_right_arithmetic3A_6 = vector.broadcast %shift_right_arithmetic3A : i32 to vector<1x25000xi32>
    %shift_right_arithmetic3A_7 = arith.shrsi %get3A_5, %shift_right_arithmetic3A_6 : vector<1x25000xi32>
    %and3A = arith.constant 31 : i32
    %and3A_8 = vector.broadcast %and3A : i32 to vector<1x25000xi32>
    %and3A_9 = arith.andi %get3A_5, %and3A_8 : vector<1x25000xi32>
    %iota3A = tpu.iota {dimensions = array<i32: 0>} : vector<16x25000xi32>
    %eq3A_10 = vector.broadcast %shift_right_arithmetic3A_7 : vector<1x25000xi32> to vector<16x25000xi32>
    %eq3A_11 = arith.cmpi eq, %eq3A_10, %iota3A : vector<16x25000xi32>
    %convert_element_type3A_12 = arith.extui %eq3A_11 : vector<16x25000xi1> to vector<16x25000xi32>
    %convert_element_type3A_13 = arith.sitofp %convert_element_type3A_12 : vector<16x25000xi32> to vector<16x25000xf32>
    %iota3A_14 = tpu.iota {dimensions = array<i32: 0>} : vector<32x25000xi32>
    %eq3A_15 = vector.broadcast %and3A_9 : vector<1x25000xi32> to vector<32x25000xi32>
    %eq3A_16 = arith.cmpi eq, %eq3A_15, %iota3A_14 : vector<32x25000xi32>
    %convert_element_type3A_17 = arith.extui %eq3A_16 : vector<32x25000xi1> to vector<32x25000xi32>
    %convert_element_type3A_18 = arith.sitofp %convert_element_type3A_17 : vector<32x25000xi32> to vector<32x25000xf32>
    %get3A_19 = arith.constant 0 : index
    %get3A_20 = arith.constant 0 : index
    %get3A_21 = vector.load %arg2[%get3A_19, %get3A_20] : memref<16x32xf32, #tpu.memory_space<vmem>>, vector<16x32xf32>
    %dot_general3A = arith.constant dense<0.000000e+00> : vector<16x32xf32>
    %dot_general3A_22 = tpu.matmul %convert_element_type3A_13, %convert_element_type3A_18, %dot_general3A {dimension_numbers = #tpu.dot_dimension_numbers<[1], [1], [0], [0], [0, 0, 1, 0], [], []>, transpose_lhs_hint = false} : vector<16x25000xf32>, vector<32x25000xf32>, vector<16x32xf32> -> vector<16x32xf32>
    %add3A = arith.addf %get3A_21, %dot_general3A_22 : vector<16x32xf32>
    %swap3A = arith.constant 0 : index
    %swap3A_23 = arith.constant 0 : index
    %swap3A_24 = vector.load %arg2[%swap3A, %swap3A_23] : memref<16x32xf32, #tpu.memory_space<vmem>>, vector<16x32xf32>
    tpu.vector_store %arg2[%swap3A, %swap3A_23], %add3A {strides = array<i32>} : memref<16x32xf32, #tpu.memory_space<vmem>>, vector<16x32xf32>,
    return
  }
  func.func @transform_0(%arg0: i32) -> (i32, i32, i32) {
    %c0_i32 = arith.constant 0 : i32
    %c0_i32_0 = arith.constant 0 : i32
    %c0_i32_1 = arith.constant 0 : i32
    return %arg0, %c0_i32, %c0_i32_0 : i32, i32, i32
  }
  func.func @transform_1(%arg0: i32) -> (i32, i32) {
    %c0_i32 = arith.constant 0 : i32
    %c0_i32_0 = arith.constant 0 : i32
    %c0_i32_1 = arith.constant 0 : i32
    return %c0_i32, %c0_i32_0 : i32, i32
  }
}

module attributes {stable_mosaic.version = 14 : i64} {
  func.func @_tc_body(%arg0: memref<2x512x128xf32, #tpu.memory_space<vmem>>, %arg1: memref<512x128xf32, #tpu.memory_space<vmem>>, %arg2: memref<16x32xf32, #tpu.memory_space<vmem>>, %arg3: memref<512x64xf32, #tpu.memory_space<vmem>>, %arg4: memref<192x128xf32, #tpu.memory_space<vmem>>, %arg5: memref<128xf32, #tpu.memory_space<vmem>>, %arg6: memref<128x64xf32, #tpu.memory_space<vmem>>, %arg7: memref<64xf32, #tpu.memory_space<vmem>>, %arg8: memref<512x64xf32, #tpu.memory_space<vmem>>) attributes {dimension_semantics = [], scalar_prefetch = 0 : i64, scratch_operands = 0 : i64, tpu.core_type = #tpu.core_type<tc>} {
    %get3A = arith.constant 0 : index
    %get3A_0 = arith.constant 0 : index
    %get3A_1 = arith.constant 0 : index
    %get3A_2 = vector.load %arg0[%get3A, %get3A_0, %get3A_1] : memref<2x512x128xf32, #tpu.memory_space<vmem>>, vector<1x512x128xf32>
    %get3A_3 = vector.shape_cast %get3A_2 : vector<1x512x128xf32> to vector<512x128xf32>
    %get3A_4 = arith.constant 1 : index
    %get3A_5 = arith.constant 0 : index
    %get3A_6 = arith.constant 0 : index
    %get3A_7 = vector.load %arg0[%get3A_4, %get3A_5, %get3A_6] : memref<2x512x128xf32, #tpu.memory_space<vmem>>, vector<1x512x128xf32>
    %get3A_8 = vector.shape_cast %get3A_7 : vector<1x512x128xf32> to vector<512x128xf32>
    %add3A = arith.addf %get3A_3, %get3A_8 : vector<512x128xf32>
    %get3A_9 = arith.constant 0 : index
    %get3A_10 = arith.constant 0 : index
    %get3A_11 = vector.load %arg1[%get3A_9, %get3A_10] : memref<512x128xf32, #tpu.memory_space<vmem>>, vector<512x128xf32>
    %add3A_12 = arith.addf %add3A, %get3A_11 : vector<512x128xf32>
    %iota3A = tpu.iota {dimensions = array<i32: 0>} : vector<512x16xi32>
    %shift_right_arithmetic3A = arith.constant 5 : i32
    %shift_right_arithmetic3A_13 = vector.broadcast %shift_right_arithmetic3A : i32 to vector<512x16xi32>
    %shift_right_arithmetic3A_14 = arith.shrsi %iota3A, %shift_right_arithmetic3A_13 : vector<512x16xi32>
    %iota3A_15 = tpu.iota {dimensions = array<i32: 0>} : vector<512x32xi32>
    %and3A = arith.constant 31 : i32
    %and3A_16 = vector.broadcast %and3A : i32 to vector<512x32xi32>
    %and3A_17 = arith.andi %iota3A_15, %and3A_16 : vector<512x32xi32>
    %iota3A_18 = tpu.iota {dimensions = array<i32: 1>} : vector<512x16xi32>
    %eq3A = arith.cmpi eq, %shift_right_arithmetic3A_14, %iota3A_18 : vector<512x16xi32>
    %convert_element_type3A = arith.extui %eq3A : vector<512x16xi1> to vector<512x16xi32>
    %convert_element_type3A_19 = arith.sitofp %convert_element_type3A : vector<512x16xi32> to vector<512x16xf32>
    %iota3A_20 = tpu.iota {dimensions = array<i32: 1>} : vector<512x32xi32>
    %eq3A_21 = arith.cmpi eq, %and3A_17, %iota3A_20 : vector<512x32xi32>
    %convert_element_type3A_22 = arith.extui %eq3A_21 : vector<512x32xi1> to vector<512x32xi32>
    %convert_element_type3A_23 = arith.sitofp %convert_element_type3A_22 : vector<512x32xi32> to vector<512x32xf32>
    %get3A_24 = arith.constant 0 : index
    %get3A_25 = arith.constant 0 : index
    %get3A_26 = vector.load %arg2[%get3A_24, %get3A_25] : memref<16x32xf32, #tpu.memory_space<vmem>>, vector<16x32xf32>
    %dot_general3A = arith.constant dense<0.000000e+00> : vector<512x32xf32>
    %dot_general3A_27 = tpu.matmul %convert_element_type3A_19, %get3A_26, %dot_general3A {dimension_numbers = #tpu.dot_dimension_numbers<[1], [0], [0], [1], [0, 0, 1, 1], [], []>, transpose_lhs_hint = false} : vector<512x16xf32>, vector<16x32xf32>, vector<512x32xf32> -> vector<512x32xf32>
    %mul3A = arith.mulf %dot_general3A_27, %convert_element_type3A_23 : vector<512x32xf32>
    %reduce_sum3A = arith.constant dense<0.000000e+00> : vector<512xf32>
    %reduce_sum3A_28 = vector.multi_reduction <add>, %mul3A, %reduce_sum3A [1] : vector<512x32xf32> to vector<512xf32>
    %broadcast_in_dim3A = vector.shape_cast %reduce_sum3A_28 : vector<512xf32> to vector<512x1xf32>
    %max3A = arith.constant 1.000000e+00 : f32
    %max3A_29 = vector.broadcast %max3A : f32 to vector<512x1xf32>
    %max3A_30 = arith.maximumf %broadcast_in_dim3A, %max3A_29 : vector<512x1xf32>
    %div3A = vector.broadcast %max3A_30 : vector<512x1xf32> to vector<512x128xf32>
    %div3A_31 = arith.divf %add3A_12, %div3A : vector<512x128xf32>
    %get3A_32 = arith.constant 0 : index
    %get3A_33 = arith.constant 0 : index
    %get3A_34 = vector.load %arg3[%get3A_32, %get3A_33] : memref<512x64xf32, #tpu.memory_space<vmem>>, vector<512x64xf32>
    %get3A_35 = arith.constant 0 : index
    %get3A_36 = arith.constant 0 : index
    %get3A_37 = vector.load %arg4[%get3A_35, %get3A_36] : memref<192x128xf32, #tpu.memory_space<vmem>>, vector<64x128xf32>
    %dot_general3A_38 = arith.constant dense<0.000000e+00> : vector<512x128xf32>
    %dot_general3A_39 = tpu.matmul %get3A_34, %get3A_37, %dot_general3A_38 {dimension_numbers = #tpu.dot_dimension_numbers<[1], [0], [0], [1], [0, 0, 1, 1], [], []>, transpose_lhs_hint = false} : vector<512x64xf32>, vector<64x128xf32>, vector<512x128xf32> -> vector<512x128xf32>
    %get3A_40 = arith.constant 64 : index
    %get3A_41 = arith.constant 0 : index
    %get3A_42 = vector.load %arg4[%get3A_40, %get3A_41] : memref<192x128xf32, #tpu.memory_space<vmem>>, vector<128x128xf32>
    %dot_general3A_43 = arith.constant dense<0.000000e+00> : vector<512x128xf32>
    %dot_general3A_44 = tpu.matmul %div3A_31, %get3A_42, %dot_general3A_43 {dimension_numbers = #tpu.dot_dimension_numbers<[1], [0], [0], [1], [0, 0, 1, 1], [], []>, transpose_lhs_hint = false} : vector<512x128xf32>, vector<128x128xf32>, vector<512x128xf32> -> vector<512x128xf32>
    %add3A_45 = arith.addf %dot_general3A_39, %dot_general3A_44 : vector<512x128xf32>
    %get3A_46 = arith.constant 0 : index
    %get3A_47 = vector.load %arg5[%get3A_46] : memref<128xf32, #tpu.memory_space<vmem>>, vector<128xf32>
    %broadcast_in_dim3A_48 = vector.shape_cast %get3A_47 : vector<128xf32> to vector<1x128xf32>
    %add3A_49 = vector.broadcast %broadcast_in_dim3A_48 : vector<1x128xf32> to vector<512x128xf32>
    %add3A_50 = arith.addf %add3A_45, %add3A_49 : vector<512x128xf32>
    %max3A_51 = arith.constant 0.000000e+00 : f32
    %max3A_52 = vector.broadcast %max3A_51 : f32 to vector<512x128xf32>
    %max3A_53 = arith.maximumf %add3A_50, %max3A_52 : vector<512x128xf32>
    %get3A_54 = arith.constant 0 : index
    %get3A_55 = arith.constant 0 : index
    %get3A_56 = vector.load %arg6[%get3A_54, %get3A_55] : memref<128x64xf32, #tpu.memory_space<vmem>>, vector<128x64xf32>
    %dot_general3A_57 = arith.constant dense<0.000000e+00> : vector<512x64xf32>
    %dot_general3A_58 = tpu.matmul %max3A_53, %get3A_56, %dot_general3A_57 {dimension_numbers = #tpu.dot_dimension_numbers<[1], [0], [0], [1], [0, 0, 1, 1], [], []>, transpose_lhs_hint = false} : vector<512x128xf32>, vector<128x64xf32>, vector<512x64xf32> -> vector<512x64xf32>
    %get3A_59 = arith.constant 0 : index
    %get3A_60 = vector.load %arg7[%get3A_59] : memref<64xf32, #tpu.memory_space<vmem>>, vector<64xf32>
    %broadcast_in_dim3A_61 = vector.shape_cast %get3A_60 : vector<64xf32> to vector<1x64xf32>
    %add3A_62 = vector.broadcast %broadcast_in_dim3A_61 : vector<1x64xf32> to vector<512x64xf32>
    %add3A_63 = arith.addf %dot_general3A_58, %add3A_62 : vector<512x64xf32>
    %swap3A = arith.constant 0 : index
    %swap3A_64 = arith.constant 0 : index
    %swap3A_65 = vector.load %arg8[%swap3A, %swap3A_64] : memref<512x64xf32, #tpu.memory_space<vmem>>, vector<512x64xf32>
    tpu.vector_store %arg8[%swap3A, %swap3A_64], %add3A_63 {strides = array<i32>} : memref<512x64xf32, #tpu.memory_space<vmem>>, vector<512x64xf32>,
    return
  }
}

</mosaic_0001>

<sc_bundles>
// kernel: kernel.6.cloned.1.call-start
scs
__scs_entry_jumppad:
0x0: {  	(pc) =	sbr.rel $0x88, $3  }
0x1: {  	(tag) =	ssettag $0x0;
	lr =	simm.s32 $0x1  }
0x2: {  	[smem:$0x3F9A] =	sst lr;
	_ =	strace $0xD0000000  }
0x3: {  	_ = 	snop  }
0x4: {  	_ = 	snop  }
0x5: {  	_ = 	snop  }
0x6: {  	_ = 	snop  }
0x7: {  	_ = 	snop  }
__scs_overlays_trampoline_lowered:
0x8: {  	[smem:$0x3FA9] =	sst s0  }
0x9: {  	[smem:$0x3FAA] =	sst s1  }
0xa: {  	[smem:$0x3FAB] =	sst s2  }
0xb: {  	[smem:$0x3FAC] =	sst s3  }
0xc: {  	[smem:$0x3FAD] =	sst s4  }
0xd: {  	[smem:$0x3FAE] =	sst s5  }
0xe: {  	[smem:$0x3FAF] =	sst s6  }
0xf: {  	[smem:$0x3FB0] =	sst s7  }
0x10: {  	[smem:$0x3FB1] =	sst s8  }
0x11: {  	[smem:$0x3FB2] =	sst s9;
	s0 =	simm.s32 @!p0 $0x0  }
0x12: {  	s1 =	sld [smem:$0x3F98];
	s0 =	simm.s32 @p0 $0x1  }
0x13: {  	[smem:$0x3FB3] =	sst s0;
	s0 =	simm.s32 @!p1 $0x0  }
0x14: {  	s2 =	sld [smem:$0x3F97];
	s0 =	simm.s32 @p1 $0x1  }
0x15: {  	[smem:$0x3FB4] =	sst s0;
	s0 =	simm.s32 @!p2 $0x0  }
0x16: {  	s3 =	sld [smem:$0x3FDB];
	s0 =	simm.s32 @p2 $0x1  }
0x17: {  	s4 =	simm.s32 $0x1BF5;
	[smem:$0x3FB6] =	sst s0  }
0x18: {  	s0 =	sld [smem:$0x3F99];
	_ =	swait.ge [sflag:s4], $0x0  }
0x19: {  	s7 =	sld [smem:$0x3F9A]  }
0x1a: {  	s8 =	sadd.s32 $0xFFFFE003, lr  }
0x1b: {  	s9 =	sadd.s32 $0xFFFFFEF7, lr;
	s5 =	simm.s32 $0xFFFFFFFF;
	p2 =	slt.u32 s8, $0xFFFFF086  }
0x1c: {  	p1 =	slt.u32 s9, $0xF7A;
	s5 =	simm.s32 @!p2 $0x0  }
0x1d: {  	s5 =	simm.s32 @p1 $0x1;
	p0 =	seq.s32 s7, s2  }
0x1e: {  	s7 =	smul.u32 @!p0 $0xF7A, s2;
	p2 =	seq.s32 @!p0 s5, $0x0  }
0x1f: {  	s9 =	smul.u32 $0xF7A, s1;
	s8 =	simm.s32 @!p0 $0x1BF5;
	p2 =	por !p2, p0  }
0x20: {  	[sflag:s8] =	ssyncset.s32 @!p0 $0xFFFFF086;
	s6 =	sadd.s32 @!p0 s3, s7;
	s7 =	simm.s32 @!p0 $0x108  }
0x21: {  	s3 =	sadd.s32 s3, s9;
	s6 =	sadd.s32 @!p0 $0x88, s6;
	s7 =	simm.s32 @p2 $0x1082  }
0x22: {  	[simem:s7], [sflag:s8] =	dma.local @!p0 [hbm:s6], $0xF7A  }
0x23: {  	s9 =	sor.u32 $0xD0000000, s2;
	s6 =	simm.s32 $0x108;
	_ =	swait.ge @!p0 [sflag:s8], $0x0  }
0x24: {  	s3 =	sadd.s32 $0x88, s3;
	s6 =	simm.s32 @!p1 $0x1082;
	[sflag:s4] =	ssyncset.s32 $0xFFFFF086  }
0x25: {  	[simem:s6], [sflag:s4] =	dma.local [hbm:s3], $0xF7A  }
0x26: {  	[smem:$0x3F9A] =	sst s1;
	(tag) =	ssettag s2;
	_ =	strace s9  }
0x27: {  	s1 =	sld [smem:$0x3FAA]  }
0x28: {  	s2 =	sld [smem:$0x3FAB]  }
0x29: {  	s4 =	sld [smem:$0x3FAD]  }
0x2a: {  	p0 =	seq.s32 s5, $0x0;
	s5 =	sld [smem:$0x3FAE]  }
0x2b: {  	s6 =	sld [smem:$0x3FAF]  }
0x2c: {  	s7 =	sld [smem:$0x3FB0]  }
0x2d: {  	s3 =	simm.s32 $0x108;
	s8 =	sld [smem:$0x3FB1]  }
0x2e: {  	s3 =	simm.s32 @!p0 $0x1082;
	s9 =	sld [smem:$0x3FB2]  }
0x2f: {  	lr =	sadd.s32 s0, s3;
	s0 =	sld [smem:$0x3FA9]  }
0x30: {  	s3 =	sld [smem:$0x3FAC]  }
0x31: {  	[smem:$0x3FB5] =	sst s10  }
0x32: {  	s10 =	sld [smem:$0x3FB3];
	_ =	sdelay $0x3  }
0x33: {  	p0 =	seq.s32 s10, $0x1;
	s10 =	sld [smem:$0x3FB5];
	_ =	sdelay $0x3  }
0x34: {  	[smem:$0x3FB5] =	sst s10  }
0x35: {  	s10 =	sld [smem:$0x3FB4];
	_ =	sdelay $0x3  }
0x36: {  	p1 =	seq.s32 s10, $0x1;
	s10 =	sld [smem:$0x3FB5];
	_ =	sdelay $0x3  }
0x37: {  	[smem:$0x3FB5] =	sst s10  }
0x38: {  	s10 =	sld [smem:$0x3FB6]  }
0x39: {  	_ = 	snop;
	(pc) =	sbr.ind lr, $3  }
0x3a: {  	_ = 	snop  }
0x3b: {  	_ = 	snop  }
0x3c: {  	p2 =	seq.s32 s10, $0x1;
	s10 =	sld [smem:$0x3FB5]  }
0x3d: {  	_ =	shalt  }
0x3e: {  	_ =	shalt  }
0x3f: {  	_ =	shalt  }
0x40: {  	_ =	shalt  }
0x41: {  	_ =	shalt  }
0x42: {  	_ =	shalt  }
0x43: {  	_ =	shalt  }
0x44: {  	_ =	shalt  }
0x45: {  	_ =	shalt  }
0x46: {  	_ =	shalt  }
0x47: {  	_ =	shalt  }
0x48: {  	_ =	shalt  }
0x49: {  	_ =	shalt  }
0x4a: {  	_ =	shalt  }
0x4b: {  	_ =	shalt  }
0x4c: {  	_ =	shalt  }
0x4d: {  	_ =	shalt  }
0x4e: {  	_ =	shalt  }
0x4f: {  	_ =	shalt  }
0x50: {  	_ =	shalt  }
0x51: {  	_ =	shalt  }
0x52: {  	_ =	shalt  }
0x53: {  	_ =	shalt  }
0x54: {  	_ =	shalt  }
0x55: {  	_ =	shalt  }
0x56: {  	_ =	shalt  }
0x57: {  	_ =	shalt  }
0x58: {  	_ =	shalt  }
0x59: {  	_ =	shalt  }
0x5a: {  	_ =	shalt  }
0x5b: {  	_ =	shalt  }
0x5c: {  	_ =	shalt  }
0x5d: {  	_ =	shalt  }
0x5e: {  	_ =	shalt  }
0x5f: {  	_ =	shalt  }
0x60: {  	_ =	shalt  }
0x61: {  	_ =	shalt  }
0x62: {  	_ =	shalt  }
0x63: {  	_ =	shalt  }
0x64: {  	_ =	shalt  }
0x65: {  	_ =	shalt  }
0x66: {  	_ =	shalt  }
0x67: {  	_ =	shalt  }
0x68: {  	_ =	shalt  }
0x69: {  	_ =	shalt  }
0x6a: {  	_ =	shalt  }
0x6b: {  	_ =	shalt  }
0x6c: {  	_ =	shalt  }
0x6d: {  	_ =	shalt  }
0x6e: {  	_ =	shalt  }
0x6f: {  	_ =	shalt  }
0x70: {  	_ =	shalt  }
0x71: {  	_ =	shalt  }
0x72: {  	_ =	shalt  }
0x73: {  	_ =	shalt  }
0x74: {  	_ =	shalt  }
0x75: {  	_ =	shalt  }
0x76: {  	_ =	shalt  }
0x77: {  	_ =	shalt  }
0x78: {  	_ =	shalt  }
0x79: {  	_ =	shalt  }
0x7a: {  	_ =	shalt  }
0x7b: {  	_ =	shalt  }
0x7c: {  	_ =	shalt  }
0x7d: {  	_ =	shalt  }
0x7e: {  	_ =	shalt  }
0x7f: {  	_ =	shalt  }
0x80: {  	_ =	shalt  }
0x81: {  	_ =	shalt  }
0x82: {  	_ =	shalt  }
0x83: {  	_ =	shalt  }
0x84: {  	_ =	shalt  }
0x85: {  	_ =	shalt  }
0x86: {  	_ =	shalt  }
0x87: {  	_ =	shalt  }
.Lfunc_end0:
.L_simem_size_0:
called_computation_lowered:
.L_overlay_start_0:
0x88: {  	s2 =	sld [smem:$0x3FD9]  }
0x89: {  	s3 =	sld [smem:$0x3FFE];
	_ =	sdelay $0x1  }
0x8a: {  	s1 =	srdreg.scid  }
0x8b: {  	s0 =	sand.u32 $0x1, s1  }
0x8c: {  	s17 =	sshll.u32 s0, $0xA;
	s2 =	sadd.s32 s3, s2  }
0x8d: {  	s2 =	sadd.s32 s2, s17  }
0x8e: {  	[smem:$0x3FC1] =	sst s2  }
0x8f: {  	_ = 	snop  }
0x90: {  	s2 =	sld [smem:$0x3FC9]  }
0x91: {  	s18 =	sld [smem:$0x3FC7];
	(tm) =	ssettm $0x1  }
0x92: {  	s4 =	sld [smem:$0x3FFB];
	_ =	sdelay $0x3  }
0x93: {  	_ =	strace s4  }
0x94: {  	s4 =	sld [smem:$0x3FFC];
	_ =	sdelay $0x3  }
0x95: {  	_ =	strace s4  }
0x96: {  	s4 =	sld [smem:$0x3FFD];
	_ =	sdelay $0x3  }
0x97: {  	_ =	strace s4  }
0x98: {  	_ =	strace $0x8FFFFFFF  }
0x99: {  	s19 =	sld [smem:$0x3FDB];
	_ =	sdelay $0x1  }
0x9a: {  	s5 =	simm.s32 $_scs_section_size  }
0x9b: {  	s6 =	simm.s32 $_size__tile_overlayer_lowered;
	s7 =	simm.s32 $_tile_overlayer_lowered  }
0x9c: {  	s22 =	simm.s32 $0x1BFF;
	s21 =	sshll.u32 s7, $0x1;
	s4 =	sadd.s32 s5, s19  }
0x9d: {  	s8 =	simm.s32 $0x0;
	s20 =	sshll.u32 s6, $0x1;
	s6 =	sadd.s32 s21, s4  }
0x9e: {  	[timem:s8], [sflag:s22] =	dma.local [hbm:s6], s20  }
0x9f: {  	_ =	swait.ge [sflag:s22], s20  }
0xa0: {  	s5 =	ssub.s32 $0x0, s20;
	[sflag:s22] =	ssyncset.done $0x0  }
0xa1: {  	[sflag:s22] =	ssyncadd.s32 s5;
	_ =	sdelay $0x1  }
0xa2: {  	s23 =	simm.s32 $0x1B8B  }
0xa3: {  	_ =	swait.ge [sflag:s23], $0x1  }
0xa4: {  	[sflag:s23] =	ssyncset.done $0x0  }
0xa5: {  	s25 =	simm.s32 $0x1B8E;
	s24 =	sld [smem:$0x3FFE];
	[sflag:s23] =	ssyncadd.s32 $0xFFFFFFFF  }
0xa6: {  	s26 =	simm.s32 $execute0_lowered;
	[smem:$0x3FD2] =	sst s25  }
0xa7: {  	s6 =	sshll.u32 s26, $0x1;
	_ =	strace $0x80000046;
	[dreg:$0x1] =	wrdreg $0xFFFFFFFF  }
0xa8: {  	s28 =	simm.s32 $_size_execute0_lowered;
	s4 =	sadd.s32 s4, s6;
	[dreg:$0x0] =	wrdreg $0x0  }
0xa9: {  	s6 =	sshll.u32 s28, $0x1;
	[dreg:$0x2] =	wrdreg s4  }
0xaa: {  	[dreg:$0x3] =	wrdreg s6  }
0xab: {  	[dreg:$0x4] =	wrdreg $0xC0  }
0xac: {  	_ =	task [dreg:s8], $0x5FFFF  }
0xad: {  	[dreg:$0x1] =	wrdreg $0xFFFFFFFF  }
0xae: {  	[dreg:$0x0] =	wrdreg $0x60  }
0xaf: {  	[dreg:$0x2] =	wrdreg s2  }
0xb0: {  	[dreg:$0x3] =	wrdreg s18  }
0xb1: {  	[dreg:$0x4] =	wrdreg s24  }
0xb2: {  	[dreg:$0x5] =	wrdreg $0xA1800  }
0xb3: {  	[dreg:$0x6] =	wrdreg $0x9  }
0xb4: {  	_ =	task.clear_ibuf [dreg:s8], $0x7FFFF;
	_ =	strace $0x90000046  }
0xb5: {  	s29 =	simm.s32 $0x9;
	_ =	strace $0x80000048  }
0xb6: {  	_ =	swait.ge [sflag:s29], $0x1  }
0xb7: {  	[sflag:s29] =	ssyncadd.s32 $0xFFFFFFFF  }
0xb8: {  	_ =	strace $0x90000048  }
0xb9: {  	_ =	sfence  }
0xba: {  	s30 =	sld [smem:$0x0];
	_ =	sdelay $0x2  }
0xbb: {  	s31 =	sshll.u32 s1, $0xD;
	s1 =	sshrl.u32 s1, $0x2  }
0xbc: {  	s3 =	sand.u32 $0x4000, s31;
	s1 =	sadd.s32 s1, s30  }
0xbd: {  	s0 =	sor.u32 s3, s0;
	s1 =	sshll.u32 s1, $0x11  }
0xbe: {  	s0 =	sor.u32 s1, s0  }
0xbf: {  	s0 =	sadd.s32 $0x8F2B, s0  }
0xc0: {  	[sflag:s0] =	ssyncadd.remote.s32 $0x1  }
0xc1: {  	_ =	sfence.sel $0xFFFF  }
0xc2: {  	[dreg:$0x0] =	wrdreg $0xFFFFFFFF;
	(pc) =	sbr.abs _section_cstart, $3  }
0xc3: {  	[dreg:$0x1] =	wrdreg $0xFFFFFFFF  }
0xc4: {  	_ =	task.clear_ibuf [dreg:s8], $0x2FFFF;
	_ =	strace $0x9FFFFFFF  }
0xc5: {  	(tm) =	ssettm $0x7FFFFFFF  }
tec
execute0_lowered:
.L_overlay_start_1:
0x0: {  	(tag) =	ssettag $0x1  }
0x1: {  	s13 =	rddreg [dreg:$0x0]  }
0x2: {  	s15 =	rddreg [dreg:$0x1]  }
0x3: {  	s4 =	rddreg [dreg:$0x2]  }
0x4: {  	s1 =	rddreg [dreg:$0x3]  }
0x5: {  	s2 =	srdreg.scid;
	s0 =	rddreg [dreg:$0x4]  }
0x6: {  	s3 =	simm.s32 $0x0;
	s19 =	simm.s32 $0x1;
	s20 =	simm.s32 $0x80  }
0x7: {  	s12 =	sand.u32 $0x1, s2;
	s2 =	stileid.u32;
	[smem:$0x7FF] =	sst s3  }
0x8: {  	s8 =	sadd.s32 $0x186800, s13;
	s5 =	sshll.u32 s12, $0x4;
	s16 =	smul.u32 $0x7000, s12  }
0x9: {  	s21 =	sshll.u32 s2, $0x9;
	s6 =	ssub.s32 $0x2, s12;
	s17 =	smul.u32 $0x700, s2  }
0xa: {  	_ =	strace $0x80000047;
	s24 =	sshll.u32 s2, $0xC;
	s18 =	smul.u32 $0x70000, s12  }
0xb: {  	s14 =	sshll.u32 s12, $0xD;
	s30 =	smul.u32 $0x7000, s2;
	s23 =	sor.u32 s2, s5  }
0xc: {  	s9 =	sadd.s32 s21, s4;
	s22 =	sshrl.u32 s6, $0x1;
	s4 =	sadd.s32 s24, s1  }
0xd: {  	s21 =	simm.s32 $0x4100;
	s10 =	smul.u32 $0x700, s23;
	s11 =	ssub.s32 s6, s22  }
0xe: {  	s9 =	sadd.s32 s14, s9;
	s16 =	sadd.s32 s17, s16;
	s22 =	simm.s32 $0x2  }
0xf: {  	p0 =	sne.s32 s23, $0x1F;
	s23 =	simm.s32 $0x0;
	s9 =	sadd.s32 $0x1200, s9  }
0x10: {  	s17 =	sadd.s32 $0xA780, s16;
	s16 =	sadd.s32 $0xA700, s16;
	s25 =	sadd.s32 $0xA680, s10  }
0x11: {  	s28 =	sadd.s32 $0xAD00, s10;
	s10 =	smax.u32 s11, $0x1;
	s31 =	sshrl.u32 s17, $0x3  }
0x12: {  	s16 =	sshrl.u32 s16, $0x3;
	s17 =	simm.s32 $0x3;
	s26 =	sshrl.u32 s25, $0x3  }
0x13: {  	s7 =	sshll.u32 s25, $0x4;
	s29 =	sshrl.u32 s28, $0x3;
	s14 =	sshll.u32 s28, $0x4  }
0x14: {  	s5 =	sadd.s32 s15, s26;
	s6 =	sadd.s32 s13, s7;
	s7 =	sadd.s32 $0x30D0, s15  }
0x15: {  	s11 =	sadd.s32 s15, s29;
	s12 =	sadd.s32 s13, s14;
	s13 =	sadd.s32 s18, s13  }
0x16: {  	s14 =	sadd.s32 s31, s15;
	s15 =	sadd.s32 s16, s15;
	s13 =	sadd.s32 s30, s13  }
0x17: {  	v0 =	vimm.f32 $0.0e+00;
	s16 =	simm.s32 $0x9180;
	s18 =	simm.s32 $0x100;
	s13 =	sadd.s32 $0xA7800, s13  }
.LBB2_1:
0x18: {  	[tilespmem:$0x9180] =	vst v0  }
0x19: {  	[tilespmem:$0x9190] =	vst v0  }
0x1a: {  	[tilespmem:$0x91A0] =	vst v0  }
0x1b: {  	[tilespmem:$0x91B0] =	vst v0  }
0x1c: {  	[tilespmem:$0x91C0] =	vst v0  }
0x1d: {  	[tilespmem:$0x91D0] =	vst v0  }
0x1e: {  	[tilespmem:$0x91E0] =	vst v0  }
0x1f: {  	[tilespmem:$0x91F0] =	vst v0  }
0x20: {  	[tilespmem:$0x9200] =	vst v0  }
0x21: {  	[tilespmem:$0x9210] =	vst v0  }
0x22: {  	[tilespmem:$0x9220] =	vst v0  }
0x23: {  	[tilespmem:$0x9230] =	vst v0  }
0x24: {  	[tilespmem:$0x9240] =	vst v0  }
0x25: {  	[tilespmem:$0x9250] =	vst v0  }
0x26: {  	[tilespmem:$0x9260] =	vst v0  }
0x27: {  	[tilespmem:$0x9270] =	vst v0  }
0x28: {  	[tilespmem:$0x9280] =	vst v0  }
0x29: {  	[tilespmem:$0x9290] =	vst v0  }
0x2a: {  	[tilespmem:$0x92A0] =	vst v0  }
0x2b: {  	[tilespmem:$0x92B0] =	vst v0  }
0x2c: {  	[tilespmem:$0x92C0] =	vst v0  }
0x2d: {  	[tilespmem:$0x92D0] =	vst v0  }
0x2e: {  	[tilespmem:$0x92E0] =	vst v0  }
0x2f: {  	[tilespmem:$0x92F0] =	vst v0  }
0x30: {  	[tilespmem:$0x9300] =	vst v0  }
0x31: {  	[tilespmem:$0x9310] =	vst v0  }
0x32: {  	[tilespmem:$0x9320] =	vst v0  }
0x33: {  	[tilespmem:$0x9330] =	vst v0  }
0x34: {  	[tilespmem:$0x9340] =	vst v0  }
0x35: {  	[tilespmem:$0x9350] =	vst v0  }
0x36: {  	[tilespmem:$0x9360] =	vst v0  }
0x37: {  	[tilespmem:$0x9370] =	vst v0  }
0x38: {  	[tilespmem:$0x9380] =	vst v0  }
0x39: {  	[tilespmem:$0x9390] =	vst v0  }
0x3a: {  	[tilespmem:$0x93A0] =	vst v0  }
0x3b: {  	[tilespmem:$0x93B0] =	vst v0  }
0x3c: {  	[tilespmem:$0x93C0] =	vst v0  }
0x3d: {  	[tilespmem:$0x93D0] =	vst v0  }
0x3e: {  	[tilespmem:$0x93E0] =	vst v0  }
0x3f: {  	[tilespmem:$0x93F0] =	vst v0  }
0x40: {  	[tilespmem:$0x9400] =	vst v0  }
0x41: {  	[tilespmem:$0x9410] =	vst v0  }
0x42: {  	[tilespmem:$0x9420] =	vst v0  }
0x43: {  	[tilespmem:$0x9430] =	vst v0  }
0x44: {  	[tilespmem:$0x9440] =	vst v0  }
0x45: {  	[tilespmem:$0x9450] =	vst v0  }
0x46: {  	[tilespmem:$0x9460] =	vst v0  }
0x47: {  	[tilespmem:$0x9470] =	vst v0  }
0x48: {  	[tilespmem:$0x9480] =	vst v0  }
0x49: {  	[tilespmem:$0x9490] =	vst v0  }
0x4a: {  	[tilespmem:$0x94A0] =	vst v0  }
0x4b: {  	[tilespmem:$0x94B0] =	vst v0  }
0x4c: {  	[tilespmem:$0x94C0] =	vst v0  }
0x4d: {  	[tilespmem:$0x94D0] =	vst v0  }
0x4e: {  	[tilespmem:$0x94E0] =	vst v0  }
0x4f: {  	[tilespmem:$0x94F0] =	vst v0  }
0x50: {  	[tilespmem:$0x9500] =	vst v0  }
0x51: {  	[tilespmem:$0x9510] =	vst v0  }
0x52: {  	[tilespmem:$0x9520] =	vst v0  }
0x53: {  	[tilespmem:$0x9530] =	vst v0  }
0x54: {  	[tilespmem:$0x9540] =	vst v0  }
0x55: {  	[tilespmem:$0x9550] =	vst v0  }
0x56: {  	[tilespmem:$0x9560] =	vst v0  }
0x57: {  	[tilespmem:$0x9570] =	vst v0  }
0x58: {  	[tilespmem:$0x9580] =	vst v0  }
0x59: {  	[tilespmem:$0x9590] =	vst v0  }
0x5a: {  	[tilespmem:$0x95A0] =	vst v0  }
0x5b: {  	[tilespmem:$0x95B0] =	vst v0  }
0x5c: {  	[tilespmem:$0x95C0] =	vst v0  }
0x5d: {  	[tilespmem:$0x95D0] =	vst v0  }
0x5e: {  	[tilespmem:$0x95E0] =	vst v0  }
0x5f: {  	[tilespmem:$0x95F0] =	vst v0  }
0x60: {  	[tilespmem:$0x9600] =	vst v0  }
0x61: {  	[tilespmem:$0x9610] =	vst v0  }
0x62: {  	[tilespmem:$0x9620] =	vst v0  }
0x63: {  	[tilespmem:$0x9630] =	vst v0  }
0x64: {  	[tilespmem:$0x9640] =	vst v0  }
0x65: {  	[tilespmem:$0x9650] =	vst v0  }
0x66: {  	[tilespmem:$0x9660] =	vst v0  }
0x67: {  	[tilespmem:$0x9670] =	vst v0  }
0x68: {  	[tilespmem:$0x9680] =	vst v0  }
0x69: {  	[tilespmem:$0x9690] =	vst v0  }
0x6a: {  	[tilespmem:$0x96A0] =	vst v0  }
0x6b: {  	[tilespmem:$0x96B0] =	vst v0  }
0x6c: {  	[tilespmem:$0x96C0] =	vst v0  }
0x6d: {  	[tilespmem:$0x96D0] =	vst v0  }
0x6e: {  	[tilespmem:$0x96E0] =	vst v0  }
0x6f: {  	[tilespmem:$0x96F0] =	vst v0  }
0x70: {  	[tilespmem:$0x9700] =	vst v0  }
0x71: {  	[tilespmem:$0x9710] =	vst v0  }
0x72: {  	[tilespmem:$0x9720] =	vst v0  }
0x73: {  	[tilespmem:$0x9730] =	vst v0  }
0x74: {  	[tilespmem:$0x9740] =	vst v0  }
0x75: {  	[tilespmem:$0x9750] =	vst v0  }
0x76: {  	[tilespmem:$0x9760] =	vst v0  }
0x77: {  	[tilespmem:$0x9770] =	vst v0  }
0x78: {  	[tilespmem:$0x9780] =	vst v0  }
0x79: {  	[tilespmem:$0x9790] =	vst v0  }
0x7a: {  	[tilespmem:$0x97A0] =	vst v0  }
0x7b: {  	[tilespmem:$0x97B0] =	vst v0  }
0x7c: {  	[tilespmem:$0x97C0] =	vst v0  }
0x7d: {  	[tilespmem:$0x97D0] =	vst v0  }
0x7e: {  	[tilespmem:$0x97E0] =	vst v0  }
0x7f: {  	[tilespmem:$0x97F0] =	vst v0  }
0x80: {  	[tilespmem:$0x9800] =	vst v0  }
0x81: {  	[tilespmem:$0x9810] =	vst v0  }
0x82: {  	[tilespmem:$0x9820] =	vst v0  }
0x83: {  	[tilespmem:$0x9830] =	vst v0  }
0x84: {  	[tilespmem:$0x9840] =	vst v0  }
0x85: {  	[tilespmem:$0x9850] =	vst v0  }
0x86: {  	[tilespmem:$0x9860] =	vst v0  }
0x87: {  	[tilespmem:$0x9870] =	vst v0  }
0x88: {  	[tilespmem:$0x9880] =	vst v0  }
0x89: {  	[tilespmem:$0x9890] =	vst v0  }
0x8a: {  	[tilespmem:$0x98A0] =	vst v0  }
0x8b: {  	[tilespmem:$0x98B0] =	vst v0  }
0x8c: {  	[tilespmem:$0x98C0] =	vst v0  }
0x8d: {  	[tilespmem:$0x98D0] =	vst v0  }
0x8e: {  	[tilespmem:$0x98E0] =	vst v0  }
0x8f: {  	[tilespmem:$0x98F0] =	vst v0  }
0x90: {  	[tilespmem:$0x9900] =	vst v0  }
0x91: {  	[tilespmem:$0x9910] =	vst v0  }
0x92: {  	[tilespmem:$0x9920] =	vst v0  }
0x93: {  	[tilespmem:$0x9930] =	vst v0  }
0x94: {  	[tilespmem:$0x9940] =	vst v0  }
0x95: {  	[tilespmem:$0x9950] =	vst v0  }
0x96: {  	[tilespmem:$0x9960] =	vst v0  }
0x97: {  	[tilespmem:$0x9970] =	vst v0  }
0x98: {  	[tilespmem:$0x9980] =	vst v0  }
0x99: {  	[tilespmem:$0x9990] =	vst v0  }
0x9a: {  	[tilespmem:$0x99A0] =	vst v0  }
0x9b: {  	[tilespmem:$0x99B0] =	vst v0  }
0x9c: {  	[tilespmem:$0x99C0] =	vst v0  }
0x9d: {  	[tilespmem:$0x99D0] =	vst v0  }
0x9e: {  	[tilespmem:$0x99E0] =	vst v0  }
0x9f: {  	[tilespmem:$0x99F0] =	vst v0  }
0xa0: {  	[tilespmem:$0x9A00] =	vst v0  }
0xa1: {  	[tilespmem:$0x9A10] =	vst v0  }
0xa2: {  	[tilespmem:$0x9A20] =	vst v0  }
0xa3: {  	[tilespmem:$0x9A30] =	vst v0  }
0xa4: {  	[tilespmem:$0x9A40] =	vst v0  }
0xa5: {  	[tilespmem:$0x9A50] =	vst v0  }
0xa6: {  	[tilespmem:$0x9A60] =	vst v0  }
0xa7: {  	[tilespmem:$0x9A70] =	vst v0  }
0xa8: {  	[tilespmem:$0x9A80] =	vst v0  }
0xa9: {  	[tilespmem:$0x9A90] =	vst v0  }
0xaa: {  	[tilespmem:$0x9AA0] =	vst v0  }
0xab: {  	[tilespmem:$0x9AB0] =	vst v0  }
0xac: {  	[tilespmem:$0x9AC0] =	vst v0  }
0xad: {  	[tilespmem:$0x9AD0] =	vst v0  }
0xae: {  	[tilespmem:$0x9AE0] =	vst v0  }
0xaf: {  	[tilespmem:$0x9AF0] =	vst v0  }
0xb0: {  	[tilespmem:$0x9B00] =	vst v0  }
0xb1: {  	[tilespmem:$0x9B10] =	vst v0  }
0xb2: {  	[tilespmem:$0x9B20] =	vst v0  }
0xb3: {  	[tilespmem:$0x9B30] =	vst v0  }
0xb4: {  	[tilespmem:$0x9B40] =	vst v0  }
0xb5: {  	[tilespmem:$0x9B50] =	vst v0  }
0xb6: {  	[tilespmem:$0x9B60] =	vst v0  }
0xb7: {  	[tilespmem:$0x9B70] =	vst v0  }
0xb8: {  	[tilespmem:$0x9B80] =	vst v0  }
0xb9: {  	[tilespmem:$0x9B90] =	vst v0  }
0xba: {  	[tilespmem:$0x9BA0] =	vst v0  }
0xbb: {  	[tilespmem:$0x9BB0] =	vst v0  }
0xbc: {  	[tilespmem:$0x9BC0] =	vst v0  }
0xbd: {  	[tilespmem:$0x9BD0] =	vst v0  }
0xbe: {  	[tilespmem:$0x9BE0] =	vst v0  }
0xbf: {  	[tilespmem:$0x9BF0] =	vst v0  }
0xc0: {  	[tilespmem:$0x9C00] =	vst v0  }
0xc1: {  	[tilespmem:$0x9C10] =	vst v0  }
0xc2: {  	[tilespmem:$0x9C20] =	vst v0  }
0xc3: {  	[tilespmem:$0x9C30] =	vst v0  }
0xc4: {  	[tilespmem:$0x9C40] =	vst v0  }
0xc5: {  	[tilespmem:$0x9C50] =	vst v0  }
0xc6: {  	[tilespmem:$0x9C60] =	vst v0  }
0xc7: {  	[tilespmem:$0x9C70] =	vst v0  }
0xc8: {  	[tilespmem:$0x9C80] =	vst v0  }
0xc9: {  	[tilespmem:$0x9C90] =	vst v0  }
0xca: {  	[tilespmem:$0x9CA0] =	vst v0  }
0xcb: {  	[tilespmem:$0x9CB0] =	vst v0  }
0xcc: {  	[tilespmem:$0x9CC0] =	vst v0  }
0xcd: {  	[tilespmem:$0x9CD0] =	vst v0  }
0xce: {  	[tilespmem:$0x9CE0] =	vst v0  }
0xcf: {  	[tilespmem:$0x9CF0] =	vst v0  }
0xd0: {  	[tilespmem:$0x9D00] =	vst v0  }
0xd1: {  	[tilespmem:$0x9D10] =	vst v0  }
0xd2: {  	[tilespmem:$0x9D20] =	vst v0  }
0xd3: {  	[tilespmem:$0x9D30] =	vst v0  }
0xd4: {  	[tilespmem:$0x9D40] =	vst v0  }
0xd5: {  	[tilespmem:$0x9D50] =	vst v0  }
0xd6: {  	[tilespmem:$0x9D60] =	vst v0  }
0xd7: {  	[tilespmem:$0x9D70] =	vst v0  }
0xd8: {  	[tilespmem:$0x9D80] =	vst v0  }
0xd9: {  	[tilespmem:$0x9D90] =	vst v0  }
0xda: {  	[tilespmem:$0x9DA0] =	vst v0  }
0xdb: {  	[tilespmem:$0x9DB0] =	vst v0  }
0xdc: {  	[tilespmem:$0x9DC0] =	vst v0  }
0xdd: {  	[tilespmem:$0x9DD0] =	vst v0  }
0xde: {  	[tilespmem:$0x9DE0] =	vst v0  }
0xdf: {  	[tilespmem:$0x9DF0] =	vst v0  }
0xe0: {  	[tilespmem:$0x9E00] =	vst v0  }
0xe1: {  	[tilespmem:$0x9E10] =	vst v0  }
0xe2: {  	[tilespmem:$0x9E20] =	vst v0  }
0xe3: {  	[tilespmem:$0x9E30] =	vst v0  }
0xe4: {  	[tilespmem:$0x9E40] =	vst v0  }
0xe5: {  	[tilespmem:$0x9E50] =	vst v0  }
0xe6: {  	[tilespmem:$0x9E60] =	vst v0  }
0xe7: {  	[tilespmem:$0x9E70] =	vst v0  }
0xe8: {  	[tilespmem:$0x9E80] =	vst v0  }
0xe9: {  	[tilespmem:$0x9E90] =	vst v0  }
0xea: {  	[tilespmem:$0x9EA0] =	vst v0  }
0xeb: {  	[tilespmem:$0x9EB0] =	vst v0  }
0xec: {  	[tilespmem:$0x9EC0] =	vst v0  }
0xed: {  	[tilespmem:$0x9ED0] =	vst v0  }
0xee: {  	[tilespmem:$0x9EE0] =	vst v0  }
0xef: {  	[tilespmem:$0x9EF0] =	vst v0  }
0xf0: {  	[tilespmem:$0x9F00] =	vst v0  }
0xf1: {  	[tilespmem:$0x9F10] =	vst v0  }
0xf2: {  	[tilespmem:$0x9F20] =	vst v0  }
0xf3: {  	[tilespmem:$0x9F30] =	vst v0  }
0xf4: {  	[tilespmem:$0x9F40] =	vst v0  }
0xf5: {  	[tilespmem:$0x9F50] =	vst v0  }
0xf6: {  	[tilespmem:$0x9F60] =	vst v0  }
0xf7: {  	[tilespmem:$0x9F70] =	vst v0  }
0xf8: {  	[tilespmem:$0x9F80] =	vst v0  }
0xf9: {  	[tilespmem:$0x9F90] =	vst v0  }
0xfa: {  	[tilespmem:$0x9FA0] =	vst v0  }
0xfb: {  	[tilespmem:$0x9FB0] =	vst v0  }
0xfc: {  	[tilespmem:$0x9FC0] =	vst v0  }
0xfd: {  	[tilespmem:$0x9FD0] =	vst v0  }
0xfe: {  	[tilespmem:$0x9FE0] =	vst v0  }
0xff: {  	[tilespmem:$0x9FF0] =	vst v0  }
0x100: {  	[tilespmem:$0xA000] =	vst v0  }
0x101: {  	[tilespmem:$0xA010] =	vst v0  }
0x102: {  	[tilespmem:$0xA020] =	vst v0  }
0x103: {  	[tilespmem:$0xA030] =	vst v0  }
0x104: {  	[tilespmem:$0xA040] =	vst v0  }
0x105: {  	[tilespmem:$0xA050] =	vst v0  }
0x106: {  	[tilespmem:$0xA060] =	vst v0  }
0x107: {  	[tilespmem:$0xA070] =	vst v0  }
0x108: {  	[tilespmem:$0xA080] =	vst v0  }
0x109: {  	[tilespmem:$0xA090] =	vst v0  }
0x10a: {  	[tilespmem:$0xA0A0] =	vst v0  }
0x10b: {  	[tilespmem:$0xA0B0] =	vst v0  }
0x10c: {  	[tilespmem:$0xA0C0] =	vst v0  }
0x10d: {  	[tilespmem:$0xA0D0] =	vst v0  }
0x10e: {  	[tilespmem:$0xA0E0] =	vst v0  }
0x10f: {  	[tilespmem:$0xA0F0] =	vst v0  }
0x110: {  	[tilespmem:$0xA100] =	vst v0  }
0x111: {  	[tilespmem:$0xA110] =	vst v0  }
0x112: {  	[tilespmem:$0xA120] =	vst v0  }
0x113: {  	[tilespmem:$0xA130] =	vst v0  }
0x114: {  	[tilespmem:$0xA140] =	vst v0  }
0x115: {  	[tilespmem:$0xA150] =	vst v0  }
0x116: {  	[tilespmem:$0xA160] =	vst v0  }
0x117: {  	[tilespmem:$0xA170] =	vst v0  }
0x118: {  	[spmem:s4] =	stream.linear.scatter [tilespmem:s16], [sflag:$0x3], $0x1000, $0x38;
	[tilespmem:$0xB180] =	vst v63  }
0x119: {  	_ =	swait.ge [sflag:s17], $0x1000  }
0x11a: {  	[sflag:s17] =	ssyncset.done $0x0  }
0x11b: {  	[sflag:s17] =	ssyncadd.s32 $0xFFFFF000  }
0x11c: {  	[bflag:$0x0] =	sbarrier.arrive $0xFFFF  }
0x11d: {  	[tilespmem:s3], [sflag:$0x1] =	stream.linear.gather [hbm4b:s5+s3], $0x80, $0x38;
	[tilespmem:$0xB180] =	vst v63  }
0x11e: {  	_ = 	snop  }
0x11f: {  	[tilespmem:s18], [sflag:$0x1] =	stream.linear.gather [hbm4b:s6+s3], $0x4000, $0x38;
	[tilespmem:$0xB180] =	vst v63  }
0x120: {  	_ =	swait.ge [sflag:s19], $0x80  }
0x121: {  	[sflag:s19] =	ssyncset.done $0x0  }
0x122: {  	[sflag:s19] =	ssyncadd.s32 $0xFFFFFF80  }
0x123: {  	_ =	swait.ge [sflag:s19], $0x4000  }
0x124: {  	[sflag:s19] =	ssyncset.done $0x0  }
0x125: {  	s24 =	sadd.s32 $0x0, s15;
	[sflag:s19] =	ssyncadd.s32 $0xFFFFC000  }
0x126: {  	[tilespmem:s20], [sflag:$0x2] =	stream.linear.gather [hbm4b:s24+s3], $0x80, $0x38;
	[tilespmem:$0xB180] =	vst v63  }
0x127: {  	s30 =	sadd.s32 $0xFFFFF800, s13  }
0x128: {  	[tilespmem:s21], [sflag:$0x2] =	stream.linear.gather [hbm4b:s30+s3], $0x4000, $0x38;
	[tilespmem:$0xB180] =	vst v63  }
0x129: {  	_ = 	snop  }
0x12a: {  	[spmem:s1] =	stream.indirect.scatter.add.f32 [tilespmem:s18], [sflag:$0x3], $0x80, s3, s20, $0xb8;
	[tilespmem:$0xB180] =	vst v63  }
0x12b: {  	_ =	swait.ge [sflag:s17], $0x4000  }
0x12c: {  	[sflag:s17] =	ssyncset.done $0x0  }
0x12d: {  	[sflag:s17] =	ssyncadd.s32 $0xFFFFC000  }
0x12e: {  	_ =	swait.ge [sflag:s22], $0x80  }
0x12f: {  	[sflag:s22] =	ssyncset.done $0x0  }
0x130: {  	[sflag:s22] =	ssyncadd.s32 $0xFFFFFF80  }
0x131: {  	_ =	swait.ge [sflag:s22], $0x4000  }
0x132: {  	[sflag:s22] =	ssyncset.done $0x0  }
0x133: {  	s31 =	sadd.s32 $0x0, s14;
	[sflag:s22] =	ssyncadd.s32 $0xFFFFC000  }
0x134: {  	[tilespmem:s3], [sflag:$0x1] =	stream.linear.gather [hbm4b:s31+s3], $0x80, $0x38;
	[tilespmem:$0xB180] =	vst v63  }
0x135: {  	_ = 	snop  }
0x136: {  	[tilespmem:s18], [sflag:$0x1] =	stream.linear.gather [hbm4b:s13+s3], $0x4000, $0x38;
	[tilespmem:$0xB180] =	vst v63  }
0x137: {  	_ = 	snop  }
0x138: {  	[spmem:s1] =	stream.indirect.scatter.add.f32 [tilespmem:s21], [sflag:$0x3], $0x80, s20, s20, $0xb8;
	[tilespmem:$0xB180] =	vst v63  }
0x139: {  	_ =	swait.ge [sflag:s17], $0x4000  }
0x13a: {  	s25 =	smov.u32 s13;
	s24 =	simm.s32 $0x20;
	[sflag:s17] =	ssyncset.done $0x0  }
.LBB2_2:
0x13b: {  	p1 =	sne.s32 s24, $0xA0;
	[sflag:s17] =	ssyncadd.s32 $0xFFFFC000;
	s25 =	sadd.s32 $0x1000, s25  }
0x13c: {  	s26 =	smov.u32 s24;
	s24 =	sadd.s32 $0x20, s24  }
0x13d: {  	_ =	swait.ge [sflag:s19], $0x80  }
0x13e: {  	[sflag:s19] =	ssyncset.done $0x0  }
0x13f: {  	[sflag:s19] =	ssyncadd.s32 $0xFFFFFF80  }
0x140: {  	_ =	swait.ge [sflag:s19], $0x4000  }
0x141: {  	[sflag:s19] =	ssyncset.done $0x0  }
0x142: {  	s28 =	sadd.s32 s26, s15;
	[sflag:s19] =	ssyncadd.s32 $0xFFFFC000  }
0x143: {  	[tilespmem:s20], [sflag:$0x2] =	stream.linear.gather [hbm4b:s28+s3], $0x80, $0x38;
	[tilespmem:$0xB180] =	vst v63  }
0x144: {  	s28 =	sadd.s32 $0xFFFFF800, s25  }
0x145: {  	[tilespmem:s21], [sflag:$0x2] =	stream.linear.gather [hbm4b:s28+s3], $0x4000, $0x38;
	[tilespmem:$0xB180] =	vst v63  }
0x146: {  	_ = 	snop  }
0x147: {  	[spmem:s1] =	stream.indirect.scatter.add.f32 [tilespmem:s18], [sflag:$0x3], $0x80, s3, s20, $0xb8;
	[tilespmem:$0xB180] =	vst v63  }
0x148: {  	_ =	swait.ge [sflag:s17], $0x4000  }
0x149: {  	[sflag:s17] =	ssyncset.done $0x0  }
0x14a: {  	[sflag:s17] =	ssyncadd.s32 $0xFFFFC000  }
0x14b: {  	_ =	swait.ge [sflag:s22], $0x80  }
0x14c: {  	[sflag:s22] =	ssyncset.done $0x0  }
0x14d: {  	[sflag:s22] =	ssyncadd.s32 $0xFFFFFF80  }
0x14e: {  	_ =	swait.ge [sflag:s22], $0x4000  }
0x14f: {  	[sflag:s22] =	ssyncset.done $0x0  }
0x150: {  	s26 =	sadd.s32 s26, s14;
	[sflag:s22] =	ssyncadd.s32 $0xFFFFC000  }
0x151: {  	[tilespmem:s3], [sflag:$0x1] =	stream.linear.gather [hbm4b:s26+s3], $0x80, $0x38;
	[tilespmem:$0xB180] =	vst v63  }
0x152: {  	_ = 	snop  }
0x153: {  	[tilespmem:s18], [sflag:$0x1] =	stream.linear.gather [hbm4b:s25+s3], $0x4000, $0x38;
	[tilespmem:$0xB180] =	vst v63  }
.Ltmp0:
0x154: {  	_ = 	snop;
	(pc) =	sbr.rel @p1 .LBB2_2-.Ltmp0, $4  }
0x155: {  	_ = 	snop  }
0x156: {  	[spmem:s1] =	stream.indirect.scatter.add.f32 [tilespmem:s21], [sflag:$0x3], $0x80, s20, s20, $0xb8;
	[tilespmem:$0xB180] =	vst v63  }
0x157: {  	_ =	swait.ge [sflag:s17], $0x4000  }
0x158: {  	[sflag:s17] =	ssyncset.done $0x0  }
0x159: {  	[sflag:s17] =	ssyncadd.s32 $0xFFFFC000  }
0x15a: {  	_ =	swait.ge [sflag:s19], $0x80  }
0x15b: {  	[sflag:s19] =	ssyncset.done $0x0  }
0x15c: {  	[sflag:s19] =	ssyncadd.s32 $0xFFFFFF80  }
0x15d: {  	_ =	swait.ge [sflag:s19], $0x4000  }
0x15e: {  	[sflag:s19] =	ssyncset.done $0x0  }
0x15f: {  	[sflag:s19] =	ssyncadd.s32 $0xFFFFC000  }
0x160: {  	[tilespmem:s20], [sflag:$0x2] =	stream.linear.gather [hbm4b:s11+s3], $0x80, $0x38;
	[tilespmem:$0xB180] =	vst v63  }
0x161: {  	_ = 	snop  }
0x162: {  	[tilespmem:s21], [sflag:$0x2] =	stream.linear.gather [hbm4b:s12+s3], $0x4000, $0x38;
	[tilespmem:$0xB180] =	vst v63  }
0x163: {  	_ = 	snop  }
0x164: {  	[spmem:s1] =	stream.indirect.scatter.add.f32 [tilespmem:s18], [sflag:$0x3], $0x80, s3, s20, $0xb8;
	[tilespmem:$0xB180] =	vst v63  }
0x165: {  	_ =	swait.ge [sflag:s17], $0x4000  }
0x166: {  	[sflag:s17] =	ssyncset.done $0x0  }
0x167: {  	[sflag:s17] =	ssyncadd.s32 $0xFFFFC000  }
0x168: {  	_ =	swait.ge [sflag:s22], $0x80  }
0x169: {  	[sflag:s22] =	ssyncset.done $0x0  }
0x16a: {  	[sflag:s22] =	ssyncadd.s32 $0xFFFFFF80  }
0x16b: {  	_ =	swait.ge [sflag:s22], $0x4000  }
0x16c: {  	[sflag:s22] =	ssyncset.done $0x0  }
0x16d: {  	[sflag:s22] =	ssyncadd.s32 $0xFFFFC000  }
0x16e: {  	[spmem:s1] =	stream.indirect.scatter.add.f32 [tilespmem:s21], [sflag:$0x3], $0x80, s20, s20, $0xb8;
	[tilespmem:$0xB180] =	vst v63  }
0x16f: {  	_ =	swait.ge [sflag:s17], $0x4000  }
0x170: {  	s24 =	simm.s32 @!p0 $0x0;
	[sflag:s17] =	ssyncset.done $0x0  }
0x171: {  	s25 =	simm.s32 @!p0 $0x8100;
	s26 =	simm.s32 @!p0 $0x3;
	[sflag:s17] =	ssyncadd.s32 $0xFFFFC000  }
0x172: {  	[tilespmem:s25], [sflag:$0x3] =	stream.linear.gather @!p0 [hbm4b:s7+s24], $0x20, $0x38;
	[tilespmem:$0xB180] =	vst v63  }
0x173: {  	_ =	swait.ge @!p0 [sflag:s26], $0x20  }
0x174: {  	[sflag:s26] =	ssyncset.done @!p0 $0x0  }
0x175: {  	s28 =	simm.s32 @!p0 $0x8180;
	[sflag:s26] =	ssyncadd.s32 @!p0 $0xFFFFFFE0  }
0x176: {  	[tilespmem:s28], [sflag:$0x3] =	stream.linear.gather @!p0 [hbm4b:s8+s24], $0x1000, $0x38;
	[tilespmem:$0xB180] =	vst v63  }
0x177: {  	_ =	swait.ge @!p0 [sflag:s26], $0x1000  }
0x178: {  	[sflag:s26] =	ssyncset.done @!p0 $0x0  }
0x179: {  	s24 =	simm.s32 @!p0 $0x20;
	[sflag:s26] =	ssyncadd.s32 @!p0 $0xFFFFF000  }
0x17a: {  	[spmem:s1] =	stream.indirect.scatter.add.f32 @!p0 [tilespmem:s28], [sflag:$0x3], $0x80, s25, s24, $0xb8;
	[tilespmem:$0xB180] =	vst v63  }
0x17b: {  	_ =	swait.ge @!p0 [sflag:s26], $0x1000  }
0x17c: {  	[sflag:s26] =	ssyncset.done @!p0 $0x0  }
0x17d: {  	[sflag:s26] =	ssyncadd.s32 @!p0 $0xFFFFF000  }
0x17e: {  	[bflag:$0x0] =	sbarrier.arrive $0xFFFF  }
0x17f: {  	[tilespmem:s16], [sflag:$0x3] =	stream.linear.gather [spmem:s4], $0x1000, $0x38;
	[tilespmem:$0xB180] =	vst v63  }
0x180: {  	s23 =	sadd.s32 $0x1, s23;
	_ =	swait.ge [sflag:s17], $0x1000  }
0x181: {  	p1 =	sne.s32 s23, s10;
	[sflag:s17] =	ssyncset.done $0x0  }
.Ltmp1:
0x182: {  	[sflag:s17] =	ssyncadd.s32 $0xFFFFF000;
	(pc) =	sbr.rel @p1 .LBB2_1-.Ltmp1, $4  }
0x183: {  	[hbm4b:s9+s3] =	stream.linear.scatter [tilespmem:s16], [sflag:$0x3], $0x1000, $0x38;
	[tilespmem:$0xB180] =	vst v63  }
0x184: {  	_ =	swait.ge [sflag:s17], $0x1000  }
0x185: {  	[sflag:s17] =	ssyncset.done $0x0  }
0x186: {  	[sflag:s17] =	ssyncadd.s32 $0xFFFFF000  }
0x187: {  	_ =	sfence.sel $0x180000  }
0x188: {  	[bflag:$0x0] =	sbarrier.arrive $0xFFFF  }
0x189: {  	p0 =	sne.s32 s2, $0x0;
	_ =	strace $0x90000047  }
0x18a: {  	s0 =	sadd.s32 @!p0 $0x100000, s0;
	[bflag:$0x2] =	sbarrier.arrive $0xFFFF  }
0x18b: {  	[sflag:s0] =	ssyncadd.tile.s32 @!p0 $0x1;
	_ =	shalt  }
.Lfunc_end2:
_tile_overlayer_lowered:
.L_overlay_start_2:
0x18c: {  	(tag) =	ssettag $0x2  }
0x18d: {  	s0 =	rddreg [dreg:$0x0];
	s2 =	stileid.u32  }
0x18e: {  	s1 =	rddreg [dreg:$0x1];
	p0 =	sne.s32 s2, $0x0  }
0x18f: {  	s3 =	rddreg [dreg:$0x2];
	[bflag:$0x3] =	sbarrier.arrive $0xFFFF;
	s2 =	simm.s32 @!p0 $0x1C03  }
0x190: {  	[timem:s3], [sflag:s2] =	dma.local @!p0 [hbm:s0], s1  }
0x191: {  	s0 =	simm.s32 @!p0 $0x3  }
0x192: {  	_ =	swait.ge @!p0 [sflag:s0], s1  }
0x193: {  	s1 =	ssub.s32 @!p0 $0x0, s1;
	[sflag:s0] =	ssyncset.done @!p0 $0x0  }
0x194: {  	[sflag:s0] =	ssyncadd.s32 @!p0 s1  }
0x195: {  	[bflag:$0x3] =	sbarrier.arrive $0xFFFF  }
0x196: {  	_ =	shalt  }

</sc_bundles>
